<compile_context>
chip_gen: v7x
topology: tpu7x:2x2x1
jax: 0.10.2.dev20260603
libtpu: 0.0.44.dev20260713+nightly
codegen_flags: <defaults>
</compile_context>

<pallas_src>
import functools

import jax
import jax.numpy as jnp
from jax import lax
from jax.experimental import pallas as pl
from jax.experimental.pallas import tpu as pltpu
from jax.experimental.pallas import tpu_sc as plsc

N = 10000
E = 320000
D = 128

NC = 2
NS = 16
NW = NC * NS
EPW = E // NW
CH = 125
NCHUNK = EPW // CH
NPHASE = 2
PCHUNK = NCHUNK // NPHASE
HROWS = 1000
ZROWS = 624
ZCH = 104

_MESH = plsc.VectorSubcoreMesh(core_axis_name="c", subcore_axis_name="s")


@functools.partial(
    pl.kernel,
    out_type=jax.ShapeDtypeStruct((NC * N,), jnp.float32),
    mesh=_MESH,
    scratch_types=[
        pltpu.VMEM((PCHUNK, CH), jnp.int32),
        pltpu.VMEM((128,), jnp.float32),
        pltpu.VMEM((HROWS,), jnp.float32),
        pltpu.SemaphoreType.DMA,
        pltpu.VMEM_SHARED((N,), jnp.float32),
    ],
)
def _sc_degree(dst_hbm, degp_hbm, didx, ones_v, stage, sem, hist):
    c = lax.axis_index("c")
    s = lax.axis_index("s")
    wid = c * NS + s

    for i in range(8):
        ones_v[pl.ds(i * 16, 16)] = jnp.ones((16,), jnp.float32)

    @pl.when(s < N // HROWS)
    def _():
        for i in range(HROWS // 16):
            stage[pl.ds(i * 16, 16)] = jnp.zeros((16,), jnp.float32)
        stage[pl.ds(HROWS - 16, 16)] = jnp.zeros((16,), jnp.float32)
        pltpu.sync_copy(stage, hist.at[pl.ds(s * HROWS, HROWS)])

    plsc.subcore_barrier()

    for p in range(NPHASE):
        pltpu.sync_copy(dst_hbm.at[wid, p], didx)

        @pl.loop(0, PCHUNK)
        def _(j):
            pltpu.async_copy(ones_v.at[pl.ds(0, CH)],
                             hist.at[didx.at[j]], sem, add=True)

        @pl.loop(0, PCHUNK)
        def _(j):
            pltpu.make_async_copy(ones_v.at[pl.ds(0, CH)],
                                  hist.at[didx.at[j]], sem).wait()

    plsc.subcore_barrier()

    @pl.when(s < N // HROWS)
    def _():
        pltpu.sync_copy(hist.at[pl.ds(s * HROWS, HROWS)], stage)
        pltpu.sync_copy(stage, degp_hbm.at[pl.ds(c * N + s * HROWS, HROWS)])


@functools.partial(
    pl.kernel,
    out_type=jax.ShapeDtypeStruct((NC, N, D), jnp.float32),
    mesh=_MESH,
    scratch_types=[
        pltpu.VMEM((PCHUNK, CH), jnp.int32),
        pltpu.VMEM((PCHUNK, CH), jnp.int32),
        pltpu.VMEM((CH, D), jnp.float32),
        pltpu.VMEM((CH, D), jnp.float32),
        pltpu.SemaphoreType.DMA,
        pltpu.SemaphoreType.DMA,
        pltpu.VMEM_SHARED((N, D), jnp.float32),
    ],
)
def _sc_aggregate(y_hbm, src_hbm, dst_hbm, zrows_hbm, ap_hbm,
                  sidx, didx, rows0, rows1, sem0, sem1, acc):
    c = lax.axis_index("c")
    s = lax.axis_index("s")
    wid = c * NS + s

    pltpu.async_copy(zrows_hbm, rows0, sem0)
    pltpu.sync_copy(src_hbm.at[wid, 0], sidx)
    pltpu.sync_copy(dst_hbm.at[wid, 0], didx)

    pltpu.make_async_copy(zrows_hbm, rows0, sem0).wait()
    zoff = s * ZROWS
    for k in range(ZROWS // ZCH):
        pltpu.async_copy(rows0.at[pl.ds(0, ZCH)],
                         acc.at[pl.ds(zoff + k * ZCH, ZCH)], sem0)
    for k in range(ZROWS // ZCH):
        pltpu.make_async_copy(rows0.at[pl.ds(0, ZCH)],
                              acc.at[pl.ds(zoff + k * ZCH, ZCH)], sem0).wait()

    @pl.when(s == NS - 1)
    def _():
        pltpu.sync_copy(rows0.at[pl.ds(0, N - NS * ZROWS)],
                        acc.at[pl.ds(NS * ZROWS, N - NS * ZROWS)])

    plsc.subcore_barrier()

    def g_start(j, buf, sem):
        pltpu.async_copy(y_hbm.at[sidx.at[j]], buf, sem)

    def g_wait(j, buf, sem):
        pltpu.make_async_copy(y_hbm.at[sidx.at[j]], buf, sem).wait()

    def s_add(j, buf):
        pltpu.sync_copy(buf, acc.at[didx.at[j]], add=True)

    for p in range(NPHASE):
        if p > 0:
            pltpu.sync_copy(src_hbm.at[wid, p], sidx)
            pltpu.sync_copy(dst_hbm.at[wid, p], didx)

        g_start(0, rows0, sem0)

        @pl.loop(0, PCHUNK // 2 - 1)
        def _(t):
            j = 2 * t
            g_start(j + 1, rows1, sem1)
            g_wait(j, rows0, sem0)
            s_add(j, rows0)
            g_start(j + 2, rows0, sem0)
            g_wait(j + 1, rows1, sem1)
            s_add(j + 1, rows1)

        g_start(PCHUNK - 1, rows1, sem1)
        g_wait(PCHUNK - 2, rows0, sem0)
        s_add(PCHUNK - 2, rows0)
        g_wait(PCHUNK - 1, rows1, sem1)
        s_add(PCHUNK - 1, rows1)

    plsc.subcore_barrier()

    @pl.when(s < NS - 1)
    def _():
        pltpu.sync_copy(acc.at[pl.ds(s * ZROWS, ZROWS)],
                        ap_hbm.at[c, pl.ds(s * ZROWS, ZROWS)])

    @pl.when(s == NS - 1)
    def _():
        pltpu.sync_copy(acc.at[pl.ds((NS - 1) * ZROWS, N - (NS - 1) * ZROWS)],
                        ap_hbm.at[c, pl.ds((NS - 1) * ZROWS,
                                           N - (NS - 1) * ZROWS)])


_RB = 2000


def _dis_col(dseg):
    deg = dseg[0] + dseg[1]
    return jnp.where(deg > 0.0, lax.rsqrt(jnp.maximum(deg, 1.0)), 0.0)


def _tc_matmul_body(x_ref, w_ref, degp_ref, y_ref):
    dis = _dis_col(degp_ref[...])
    xw = lax.dot_general(x_ref[...], w_ref[...], (((1,), (1,)), ((), ())),
                         preferred_element_type=jnp.float32)
    y_ref[...] = xw * dis


def _tc_matmul(x, w, degp):
    return pl.pallas_call(
        _tc_matmul_body,
        out_shape=jax.ShapeDtypeStruct((N, D), jnp.float32),
        grid=(N // _RB,),
        in_specs=[
            pl.BlockSpec((_RB, D), lambda i: (i, 0)),
            pl.BlockSpec((D, D), lambda i: (0, 0)),
            pl.BlockSpec((NC, _RB, 1), lambda i: (0, i, 0)),
        ],
        out_specs=pl.BlockSpec((_RB, D), lambda i: (i, 0)),
    )(x, w, degp)


def _tc_finalize_body(ap_ref, degp_ref, b_ref, o_ref):
    dis = _dis_col(degp_ref[...])
    agg = (ap_ref[0] + ap_ref[1]) * dis + b_ref[...]
    o_ref[...] = jnp.maximum(agg, 0.0)


def _tc_finalize(aparts, degp, b2):
    return pl.pallas_call(
        _tc_finalize_body,
        out_shape=jax.ShapeDtypeStruct((N, D), jnp.float32),
        grid=(N // _RB,),
        in_specs=[
            pl.BlockSpec((NC, _RB, D), lambda i: (0, i, 0)),
            pl.BlockSpec((NC, _RB, 1), lambda i: (0, i, 0)),
            pl.BlockSpec((1, D), lambda i: (0, 0)),
        ],
        out_specs=pl.BlockSpec((_RB, D), lambda i: (i, 0)),
    )(aparts, degp, b2)


def kernel(x, edge_index, W, b):
    src4 = edge_index[0].reshape(NW, NPHASE, PCHUNK, CH)
    dst4 = edge_index[1].reshape(NW, NPHASE, PCHUNK, CH)
    zrows = jnp.zeros((CH, D), jnp.float32)

    degp = _sc_degree(dst4).reshape(NC, N, 1)
    y = _tc_matmul(x, W, degp)
    aparts = _sc_aggregate(y, src4, dst4, zrows)
    out = _tc_finalize(aparts, degp, b.reshape(1, D))
    return out

# --- scband reference (transcript-rebuilt; emitter-appended) ---
"""Pipeline reference for scband-gcn-block-3169685865283 (READ-ONLY COPY).

The authoritative reference and input builder live on the scoring server;
editing this copy changes nothing except your own understanding.
"""

import jax, jax.numpy as jnp
import numpy as np

N = 10000
E = 320000
D_IN = 128
D_H = 128


def setup_inputs(seed: int = 0) -> dict:
    key = jax.random.key(seed)
    k1, k2, k3 = jax.random.split(key, 3)
    x = jax.random.normal(k1, (N, D_IN), dtype=jnp.float32)
    edge_index = jax.random.randint(k2, (2, E), 0, N, dtype=jnp.int32)
    # GCNConv learned params: lin weight [out, in] (glorot), bias [out] (zeros init)
    limit = np.sqrt(6.0 / (D_IN + D_H))
    W = jax.random.uniform(k3, (D_H, D_IN), dtype=jnp.float32, minval=-limit, maxval=limit)
    b = jnp.zeros((D_H,), dtype=jnp.float32)
    return {"x": x, "edge_index": edge_index, "W": W, "b": b}


def reference(x, edge_index, W, b):
    # GcnBlock.forward: GCNConv(add_self_loops=False, normalize=True) -> ReLU -> Dropout(eval=identity)
    src = edge_index[0]
    dst = edge_index[1]
    # gcn_norm with edge_weight=1, no self loops: deg over dst (col), sym norm
    ones = jnp.ones((E,), dtype=x.dtype)
    deg = jax.ops.segment_sum(ones, dst, num_segments=N)
    deg_inv_sqrt = jnp.where(deg > 0, jax.lax.rsqrt(jnp.where(deg > 0, deg, 1.0)), 0.0)
    norm = deg_inv_sqrt[src] * deg_inv_sqrt[dst]
    # linear transform (no bias inside lin), then message passing
    xw = x @ W.T
    msgs = xw[src] * norm[:, None]
    aggregated = jax.ops.segment_sum(msgs, dst, num_segments=N)
    out = aggregated + b
    # final: ReLU then Dropout (eval mode -> identity)
    out = jax.nn.relu(out)
    return out

if __name__ == "__main__":
    import jax
    _d = setup_inputs()
    print(jax.jit(kernel)(*tuple(_d.values())))

</pallas_src>

<mosaic_0001>
#map = affine_map<(d0, d1) -> (0, 0, 0, 0)>
#map1 = affine_map<(d0, d1) -> (0)>
module attributes {stable_mosaic.version = 14 : i64} {
  func.func @_sc_degree(%arg0: i32, %arg1: i32, %arg2: memref<32x2x40x125xi32, #tpu.memory_space<hbm>>, %arg3: memref<20000xf32, #tpu.memory_space<hbm>>, %arg4: memref<40x125xi32, #tpu.memory_space<vmem>>, %arg5: memref<128xf32, #tpu.memory_space<vmem>>, %arg6: memref<1000xf32, #tpu.memory_space<vmem>>, %arg7: memref<!tpu.dma_semaphore, #tpu.memory_space<semaphore_mem>>, %arg8: memref<10000xf32, #tpu.memory_space<vmem_shared>>) attributes {dimension_semantics = [#tpu.dimension_semantics<core_parallel>, #tpu.dimension_semantics<subcore_parallel>], iteration_bounds = array<i64: 2, 16>, scalar_prefetch = 0 : i64, scratch_operands = 5 : i64, tpu.core_type = #tpu.core_type<sc_vector_subcore>, window_params = [{transform_indices = #map}, {transform_indices = #map1}]} {
    %mul3A = arith.constant 16 : i32
    %mul3A_0 = arith.muli %arg0, %mul3A : i32
    %add3A = arith.addi %mul3A_0, %arg1 : i32
    %broadcast_in_dim3A = arith.constant 1.000000e+00 : f32
    %broadcast_in_dim3A_1 = vector.broadcast %broadcast_in_dim3A : f32 to vector<16xf32>
    %swap3A = arith.constant 0 : index
    %swap3A_2 = tpu.vector_load %arg5[%swap3A] {strides = array<i32>} : memref<128xf32, #tpu.memory_space<vmem>>, vector<16xf32>,
    %swap3A_3 = vector.shape_cast %swap3A_2 : vector<16xf32> to vector<16xf32>
    %swap3A_4 = vector.shape_cast %broadcast_in_dim3A_1 : vector<16xf32> to vector<16xf32>
    tpu.vector_store %arg5[%swap3A], %swap3A_4 {strides = array<i32>} : memref<128xf32, #tpu.memory_space<vmem>>, vector<16xf32>,
    %broadcast_in_dim3A_5 = arith.constant 1.000000e+00 : f32
    %broadcast_in_dim3A_6 = vector.broadcast %broadcast_in_dim3A_5 : f32 to vector<16xf32>
    %swap3A_7 = arith.constant 16 : index
    %swap3A_8 = tpu.vector_load %arg5[%swap3A_7] {strides = array<i32>} : memref<128xf32, #tpu.memory_space<vmem>>, vector<16xf32>,
    %swap3A_9 = vector.shape_cast %swap3A_8 : vector<16xf32> to vector<16xf32>
    %swap3A_10 = vector.shape_cast %broadcast_in_dim3A_6 : vector<16xf32> to vector<16xf32>
    tpu.vector_store %arg5[%swap3A_7], %swap3A_10 {strides = array<i32>} : memref<128xf32, #tpu.memory_space<vmem>>, vector<16xf32>,
    %broadcast_in_dim3A_11 = arith.constant 1.000000e+00 : f32
    %broadcast_in_dim3A_12 = vector.broadcast %broadcast_in_dim3A_11 : f32 to vector<16xf32>
    %swap3A_13 = arith.constant 32 : index
    %swap3A_14 = tpu.vector_load %arg5[%swap3A_13] {strides = array<i32>} : memref<128xf32, #tpu.memory_space<vmem>>, vector<16xf32>,
    %swap3A_15 = vector.shape_cast %swap3A_14 : vector<16xf32> to vector<16xf32>
    %swap3A_16 = vector.shape_cast %broadcast_in_dim3A_12 : vector<16xf32> to vector<16xf32>
    tpu.vector_store %arg5[%swap3A_13], %swap3A_16 {strides = array<i32>} : memref<128xf32, #tpu.memory_space<vmem>>, vector<16xf32>,
    %broadcast_in_dim3A_17 = arith.constant 1.000000e+00 : f32
    %broadcast_in_dim3A_18 = vector.broadcast %broadcast_in_dim3A_17 : f32 to vector<16xf32>
    %swap3A_19 = arith.constant 48 : index
    %swap3A_20 = tpu.vector_load %arg5[%swap3A_19] {strides = array<i32>} : memref<128xf32, #tpu.memory_space<vmem>>, vector<16xf32>,
    %swap3A_21 = vector.shape_cast %swap3A_20 : vector<16xf32> to vector<16xf32>
    %swap3A_22 = vector.shape_cast %broadcast_in_dim3A_18 : vector<16xf32> to vector<16xf32>
    tpu.vector_store %arg5[%swap3A_19], %swap3A_22 {strides = array<i32>} : memref<128xf32, #tpu.memory_space<vmem>>, vector<16xf32>,
    %broadcast_in_dim3A_23 = arith.constant 1.000000e+00 : f32
    %broadcast_in_dim3A_24 = vector.broadcast %broadcast_in_dim3A_23 : f32 to vector<16xf32>
    %swap3A_25 = arith.constant 64 : index
    %swap3A_26 = tpu.vector_load %arg5[%swap3A_25] {strides = array<i32>} : memref<128xf32, #tpu.memory_space<vmem>>, vector<16xf32>,
    %swap3A_27 = vector.shape_cast %swap3A_26 : vector<16xf32> to vector<16xf32>
    %swap3A_28 = vector.shape_cast %broadcast_in_dim3A_24 : vector<16xf32> to vector<16xf32>
    tpu.vector_store %arg5[%swap3A_25], %swap3A_28 {strides = array<i32>} : memref<128xf32, #tpu.memory_space<vmem>>, vector<16xf32>,
    %broadcast_in_dim3A_29 = arith.constant 1.000000e+00 : f32
    %broadcast_in_dim3A_30 = vector.broadcast %broadcast_in_dim3A_29 : f32 to vector<16xf32>
    %swap3A_31 = arith.constant 80 : index
    %swap3A_32 = tpu.vector_load %arg5[%swap3A_31] {strides = array<i32>} : memref<128xf32, #tpu.memory_space<vmem>>, vector<16xf32>,
    %swap3A_33 = vector.shape_cast %swap3A_32 : vector<16xf32> to vector<16xf32>
    %swap3A_34 = vector.shape_cast %broadcast_in_dim3A_30 : vector<16xf32> to vector<16xf32>
    tpu.vector_store %arg5[%swap3A_31], %swap3A_34 {strides = array<i32>} : memref<128xf32, #tpu.memory_space<vmem>>, vector<16xf32>,
    %broadcast_in_dim3A_35 = arith.constant 1.000000e+00 : f32
    %broadcast_in_dim3A_36 = vector.broadcast %broadcast_in_dim3A_35 : f32 to vector<16xf32>
    %swap3A_37 = arith.constant 96 : index
    %swap3A_38 = tpu.vector_load %arg5[%swap3A_37] {strides = array<i32>} : memref<128xf32, #tpu.memory_space<vmem>>, vector<16xf32>,
    %swap3A_39 = vector.shape_cast %swap3A_38 : vector<16xf32> to vector<16xf32>
    %swap3A_40 = vector.shape_cast %broadcast_in_dim3A_36 : vector<16xf32> to vector<16xf32>
    tpu.vector_store %arg5[%swap3A_37], %swap3A_40 {strides = array<i32>} : memref<128xf32, #tpu.memory_space<vmem>>, vector<16xf32>,
    %broadcast_in_dim3A_41 = arith.constant 1.000000e+00 : f32
    %broadcast_in_dim3A_42 = vector.broadcast %broadcast_in_dim3A_41 : f32 to vector<16xf32>
    %swap3A_43 = arith.constant 112 : index
    %swap3A_44 = tpu.vector_load %arg5[%swap3A_43] {strides = array<i32>} : memref<128xf32, #tpu.memory_space<vmem>>, vector<16xf32>,
    %swap3A_45 = vector.shape_cast %swap3A_44 : vector<16xf32> to vector<16xf32>
    %swap3A_46 = vector.shape_cast %broadcast_in_dim3A_42 : vector<16xf32> to vector<16xf32>
    tpu.vector_store %arg5[%swap3A_43], %swap3A_46 {strides = array<i32>} : memref<128xf32, #tpu.memory_space<vmem>>, vector<16xf32>,
    %lt3A = arith.constant 10 : i32
    %lt3A_47 = arith.cmpi slt, %arg1, %lt3A : i32
    %convert_element_type3A = arith.extui %lt3A_47 : i1 to i32
    %cond3A = arith.constant 0 : i32
    %cond3A_48 = arith.cmpi ne, %convert_element_type3A, %cond3A : i32
    scf.if %cond3A_48 {
      %broadcast_in_dim3A_75 = arith.constant 0.000000e+00 : f32
      %broadcast_in_dim3A_76 = vector.broadcast %broadcast_in_dim3A_75 : f32 to vector<16xf32>
      %swap3A_77 = arith.constant 0 : index
      %swap3A_78 = tpu.vector_load %arg6[%swap3A_77] {strides = array<i32>} : memref<1000xf32, #tpu.memory_space<vmem>>, vector<16xf32>,
      %swap3A_79 = vector.shape_cast %swap3A_78 : vector<16xf32> to vector<16xf32>
      %swap3A_80 = vector.shape_cast %broadcast_in_dim3A_76 : vector<16xf32> to vector<16xf32>
      tpu.vector_store %arg6[%swap3A_77], %swap3A_80 {strides = array<i32>} : memref<1000xf32, #tpu.memory_space<vmem>>, vector<16xf32>,
      %broadcast_in_dim3A_81 = arith.constant 0.000000e+00 : f32
      %broadcast_in_dim3A_82 = vector.broadcast %broadcast_in_dim3A_81 : f32 to vector<16xf32>
      %swap3A_83 = arith.constant 16 : index
      %swap3A_84 = tpu.vector_load %arg6[%swap3A_83] {strides = array<i32>} : memref<1000xf32, #tpu.memory_space<vmem>>, vector<16xf32>,
      %swap3A_85 = vector.shape_cast %swap3A_84 : vector<16xf32> to vector<16xf32>
      %swap3A_86 = vector.shape_cast %broadcast_in_dim3A_82 : vector<16xf32> to vector<16xf32>
      tpu.vector_store %arg6[%swap3A_83], %swap3A_86 {strides = array<i32>} : memref<1000xf32, #tpu.memory_space<vmem>>, vector<16xf32>,
      %broadcast_in_dim3A_87 = arith.constant 0.000000e+00 : f32
      %broadcast_in_dim3A_88 = vector.broadcast %broadcast_in_dim3A_87 : f32 to vector<16xf32>
      %swap3A_89 = arith.constant 32 : index
      %swap3A_90 = tpu.vector_load %arg6[%swap3A_89] {strides = array<i32>} : memref<1000xf32, #tpu.memory_space<vmem>>, vector<16xf32>,
      %swap3A_91 = vector.shape_cast %swap3A_90 : vector<16xf32> to vector<16xf32>
      %swap3A_92 = vector.shape_cast %broadcast_in_dim3A_88 : vector<16xf32> to vector<16xf32>
      tpu.vector_store %arg6[%swap3A_89], %swap3A_92 {strides = array<i32>} : memref<1000xf32, #tpu.memory_space<vmem>>, vector<16xf32>,
      %broadcast_in_dim3A_93 = arith.constant 0.000000e+00 : f32
      %broadcast_in_dim3A_94 = vector.broadcast %broadcast_in_dim3A_93 : f32 to vector<16xf32>
      %swap3A_95 = arith.constant 48 : index
      %swap3A_96 = tpu.vector_load %arg6[%swap3A_95] {strides = array<i32>} : memref<1000xf32, #tpu.memory_space<vmem>>, vector<16xf32>,
      %swap3A_97 = vector.shape_cast %swap3A_96 : vector<16xf32> to vector<16xf32>
      %swap3A_98 = vector.shape_cast %broadcast_in_dim3A_94 : vector<16xf32> to vector<16xf32>
      tpu.vector_store %arg6[%swap3A_95], %swap3A_98 {strides = array<i32>} : memref<1000xf32, #tpu.memory_space<vmem>>, vector<16xf32>,
      %broadcast_in_dim3A_99 = arith.constant 0.000000e+00 : f32
      %broadcast_in_dim3A_100 = vector.broadcast %broadcast_in_dim3A_99 : f32 to vector<16xf32>
      %swap3A_101 = arith.constant 64 : index
      %swap3A_102 = tpu.vector_load %arg6[%swap3A_101] {strides = array<i32>} : memref<1000xf32, #tpu.memory_space<vmem>>, vector<16xf32>,
      %swap3A_103 = vector.shape_cast %swap3A_102 : vector<16xf32> to vector<16xf32>
      %swap3A_104 = vector.shape_cast %broadcast_in_dim3A_100 : vector<16xf32> to vector<16xf32>
      tpu.vector_store %arg6[%swap3A_101], %swap3A_104 {strides = array<i32>} : memref<1000xf32, #tpu.memory_space<vmem>>, vector<16xf32>,
      %broadcast_in_dim3A_105 = arith.constant 0.000000e+00 : f32
      %broadcast_in_dim3A_106 = vector.broadcast %broadcast_in_dim3A_105 : f32 to vector<16xf32>
      %swap3A_107 = arith.constant 80 : index
      %swap3A_108 = tpu.vector_load %arg6[%swap3A_107] {strides = array<i32>} : memref<1000xf32, #tpu.memory_space<vmem>>, vector<16xf32>,
      %swap3A_109 = vector.shape_cast %swap3A_108 : vector<16xf32> to vector<16xf32>
      %swap3A_110 = vector.shape_cast %broadcast_in_dim3A_106 : vector<16xf32> to vector<16xf32>
      tpu.vector_store %arg6[%swap3A_107], %swap3A_110 {strides = array<i32>} : memref<1000xf32, #tpu.memory_space<vmem>>, vector<16xf32>,
      %broadcast_in_dim3A_111 = arith.constant 0.000000e+00 : f32
      %broadcast_in_dim3A_112 = vector.broadcast %broadcast_in_dim3A_111 : f32 to vector<16xf32>
      %swap3A_113 = arith.constant 96 : index
      %swap3A_114 = tpu.vector_load %arg6[%swap3A_113] {strides = array<i32>} : memref<1000xf32, #tpu.memory_space<vmem>>, vector<16xf32>,
      %swap3A_115 = vector.shape_cast %swap3A_114 : vector<16xf32> to vector<16xf32>
      %swap3A_116 = vector.shape_cast %broadcast_in_dim3A_112 : vector<16xf32> to vector<16xf32>
      tpu.vector_store %arg6[%swap3A_113], %swap3A_116 {strides = array<i32>} : memref<1000xf32, #tpu.memory_space<vmem>>, vector<16xf32>,
      %broadcast_in_dim3A_117 = arith.constant 0.000000e+00 : f32
      %broadcast_in_dim3A_118 = vector.broadcast %broadcast_in_dim3A_117 : f32 to vector<16xf32>
      %swap3A_119 = arith.constant 112 : index
      %swap3A_120 = tpu.vector_load %arg6[%swap3A_119] {strides = array<i32>} : memref<1000xf32, #tpu.memory_space<vmem>>, vector<16xf32>,
      %swap3A_121 = vector.shape_cast %swap3A_120 : vector<16xf32> to vector<16xf32>
      %swap3A_122 = vector.shape_cast %broadcast_in_dim3A_118 : vector<16xf32> to vector<16xf32>
      tpu.vector_store %arg6[%swap3A_119], %swap3A_122 {strides = array<i32>} : memref<1000xf32, #tpu.memory_space<vmem>>, vector<16xf32>,
      %broadcast_in_dim3A_123 = arith.constant 0.000000e+00 : f32
      %broadcast_in_dim3A_124 = vector.broadcast %broadcast_in_dim3A_123 : f32 to vector<16xf32>
      %swap3A_125 = arith.constant 128 : index
      %swap3A_126 = tpu.vector_load %arg6[%swap3A_125] {strides = array<i32>} : memref<1000xf32, #tpu.memory_space<vmem>>, vector<16xf32>,
      %swap3A_127 = vector.shape_cast %swap3A_126 : vector<16xf32> to vector<16xf32>
      %swap3A_128 = vector.shape_cast %broadcast_in_dim3A_124 : vector<16xf32> to vector<16xf32>
      tpu.vector_store %arg6[%swap3A_125], %swap3A_128 {strides = array<i32>} : memref<1000xf32, #tpu.memory_space<vmem>>, vector<16xf32>,
      %broadcast_in_dim3A_129 = arith.constant 0.000000e+00 : f32
      %broadcast_in_dim3A_130 = vector.broadcast %broadcast_in_dim3A_129 : f32 to vector<16xf32>
      %swap3A_131 = arith.constant 144 : index
      %swap3A_132 = tpu.vector_load %arg6[%swap3A_131] {strides = array<i32>} : memref<1000xf32, #tpu.memory_space<vmem>>, vector<16xf32>,
      %swap3A_133 = vector.shape_cast %swap3A_132 : vector<16xf32> to vector<16xf32>
      %swap3A_134 = vector.shape_cast %broadcast_in_dim3A_130 : vector<16xf32> to vector<16xf32>
      tpu.vector_store %arg6[%swap3A_131], %swap3A_134 {strides = array<i32>} : memref<1000xf32, #tpu.memory_space<vmem>>, vector<16xf32>,
      %broadcast_in_dim3A_135 = arith.constant 0.000000e+00 : f32
      %broadcast_in_dim3A_136 = vector.broadcast %broadcast_in_dim3A_135 : f32 to vector<16xf32>
      %swap3A_137 = arith.constant 160 : index
      %swap3A_138 = tpu.vector_load %arg6[%swap3A_137] {strides = array<i32>} : memref<1000xf32, #tpu.memory_space<vmem>>, vector<16xf32>,
      %swap3A_139 = vector.shape_cast %swap3A_138 : vector<16xf32> to vector<16xf32>
      %swap3A_140 = vector.shape_cast %broadcast_in_dim3A_136 : vector<16xf32> to vector<16xf32>
      tpu.vector_store %arg6[%swap3A_137], %swap3A_140 {strides = array<i32>} : memref<1000xf32, #tpu.memory_space<vmem>>, vector<16xf32>,
      %broadcast_in_dim3A_141 = arith.constant 0.000000e+00 : f32
      %broadcast_in_dim3A_142 = vector.broadcast %broadcast_in_dim3A_141 : f32 to vector<16xf32>
      %swap3A_143 = arith.constant 176 : index
      %swap3A_144 = tpu.vector_load %arg6[%swap3A_143] {strides = array<i32>} : memref<1000xf32, #tpu.memory_space<vmem>>, vector<16xf32>,
      %swap3A_145 = vector.shape_cast %swap3A_144 : vector<16xf32> to vector<16xf32>
      %swap3A_146 = vector.shape_cast %broadcast_in_dim3A_142 : vector<16xf32> to vector<16xf32>
      tpu.vector_store %arg6[%swap3A_143], %swap3A_146 {strides = array<i32>} : memref<1000xf32, #tpu.memory_space<vmem>>, vector<16xf32>,
      %broadcast_in_dim3A_147 = arith.constant 0.000000e+00 : f32
      %broadcast_in_dim3A_148 = vector.broadcast %broadcast_in_dim3A_147 : f32 to vector<16xf32>
      %swap3A_149 = arith.constant 192 : index
      %swap3A_150 = tpu.vector_load %arg6[%swap3A_149] {strides = array<i32>} : memref<1000xf32, #tpu.memory_space<vmem>>, vector<16xf32>,
      %swap3A_151 = vector.shape_cast %swap3A_150 : vector<16xf32> to vector<16xf32>
      %swap3A_152 = vector.shape_cast %broadcast_in_dim3A_148 : vector<16xf32> to vector<16xf32>
      tpu.vector_store %arg6[%swap3A_149], %swap3A_152 {strides = array<i32>} : memref<1000xf32, #tpu.memory_space<vmem>>, vector<16xf32>,
      %broadcast_in_dim3A_153 = arith.constant 0.000000e+00 : f32
      %broadcast_in_dim3A_154 = vector.broadcast %broadcast_in_dim3A_153 : f32 to vector<16xf32>
      %swap3A_155 = arith.constant 208 : index
      %swap3A_156 = tpu.vector_load %arg6[%swap3A_155] {strides = array<i32>} : memref<1000xf32, #tpu.memory_space<vmem>>, vector<16xf32>,
      %swap3A_157 = vector.shape_cast %swap3A_156 : vector<16xf32> to vector<16xf32>
      %swap3A_158 = vector.shape_cast %broadcast_in_dim3A_154 : vector<16xf32> to vector<16xf32>
      tpu.vector_store %arg6[%swap3A_155], %swap3A_158 {strides = array<i32>} : memref<1000xf32, #tpu.memory_space<vmem>>, vector<16xf32>,
      %broadcast_in_dim3A_159 = arith.constant 0.000000e+00 : f32
      %broadcast_in_dim3A_160 = vector.broadcast %broadcast_in_dim3A_159 : f32 to vector<16xf32>
      %swap3A_161 = arith.constant 224 : index
      %swap3A_162 = tpu.vector_load %arg6[%swap3A_161] {strides = array<i32>} : memref<1000xf32, #tpu.memory_space<vmem>>, vector<16xf32>,
      %swap3A_163 = vector.shape_cast %swap3A_162 : vector<16xf32> to vector<16xf32>
      %swap3A_164 = vector.shape_cast %broadcast_in_dim3A_160 : vector<16xf32> to vector<16xf32>
      tpu.vector_store %arg6[%swap3A_161], %swap3A_164 {strides = array<i32>} : memref<1000xf32, #tpu.memory_space<vmem>>, vector<16xf32>,
      %broadcast_in_dim3A_165 = arith.constant 0.000000e+00 : f32
      %broadcast_in_dim3A_166 = vector.broadcast %broadcast_in_dim3A_165 : f32 to vector<16xf32>
      %swap3A_167 = arith.constant 240 : index
      %swap3A_168 = tpu.vector_load %arg6[%swap3A_167] {strides = array<i32>} : memref<1000xf32, #tpu.memory_space<vmem>>, vector<16xf32>,
      %swap3A_169 = vector.shape_cast %swap3A_168 : vector<16xf32> to vector<16xf32>
      %swap3A_170 = vector.shape_cast %broadcast_in_dim3A_166 : vector<16xf32> to vector<16xf32>
      tpu.vector_store %arg6[%swap3A_167], %swap3A_170 {strides = array<i32>} : memref<1000xf32, #tpu.memory_space<vmem>>, vector<16xf32>,
      %broadcast_in_dim3A_171 = arith.constant 0.000000e+00 : f32
      %broadcast_in_dim3A_172 = vector.broadcast %broadcast_in_dim3A_171 : f32 to vector<16xf32>
      %swap3A_173 = arith.constant 256 : index
      %swap3A_174 = tpu.vector_load %arg6[%swap3A_173] {strides = array<i32>} : memref<1000xf32, #tpu.memory_space<vmem>>, vector<16xf32>,
      %swap3A_175 = vector.shape_cast %swap3A_174 : vector<16xf32> to vector<16xf32>
      %swap3A_176 = vector.shape_cast %broadcast_in_dim3A_172 : vector<16xf32> to vector<16xf32>
      tpu.vector_store %arg6[%swap3A_173], %swap3A_176 {strides = array<i32>} : memref<1000xf32, #tpu.memory_space<vmem>>, vector<16xf32>,
      %broadcast_in_dim3A_177 = arith.constant 0.000000e+00 : f32
      %broadcast_in_dim3A_178 = vector.broadcast %broadcast_in_dim3A_177 : f32 to vector<16xf32>
      %swap3A_179 = arith.constant 272 : index
      %swap3A_180 = tpu.vector_load %arg6[%swap3A_179] {strides = array<i32>} : memref<1000xf32, #tpu.memory_space<vmem>>, vector<16xf32>,
      %swap3A_181 = vector.shape_cast %swap3A_180 : vector<16xf32> to vector<16xf32>
      %swap3A_182 = vector.shape_cast %broadcast_in_dim3A_178 : vector<16xf32> to vector<16xf32>
      tpu.vector_store %arg6[%swap3A_179], %swap3A_182 {strides = array<i32>} : memref<1000xf32, #tpu.memory_space<vmem>>, vector<16xf32>,
      %broadcast_in_dim3A_183 = arith.constant 0.000000e+00 : f32
      %broadcast_in_dim3A_184 = vector.broadcast %broadcast_in_dim3A_183 : f32 to vector<16xf32>
      %swap3A_185 = arith.constant 288 : index
      %swap3A_186 = tpu.vector_load %arg6[%swap3A_185] {strides = array<i32>} : memref<1000xf32, #tpu.memory_space<vmem>>, vector<16xf32>,
      %swap3A_187 = vector.shape_cast %swap3A_186 : vector<16xf32> to vector<16xf32>
      %swap3A_188 = vector.shape_cast %broadcast_in_dim3A_184 : vector<16xf32> to vector<16xf32>
      tpu.vector_store %arg6[%swap3A_185], %swap3A_188 {strides = array<i32>} : memref<1000xf32, #tpu.memory_space<vmem>>, vector<16xf32>,
      %broadcast_in_dim3A_189 = arith.constant 0.000000e+00 : f32
      %broadcast_in_dim3A_190 = vector.broadcast %broadcast_in_dim3A_189 : f32 to vector<16xf32>
      %swap3A_191 = arith.constant 304 : index
      %swap3A_192 = tpu.vector_load %arg6[%swap3A_191] {strides = array<i32>} : memref<1000xf32, #tpu.memory_space<vmem>>, vector<16xf32>,
      %swap3A_193 = vector.shape_cast %swap3A_192 : vector<16xf32> to vector<16xf32>
      %swap3A_194 = vector.shape_cast %broadcast_in_dim3A_190 : vector<16xf32> to vector<16xf32>
      tpu.vector_store %arg6[%swap3A_191], %swap3A_194 {strides = array<i32>} : memref<1000xf32, #tpu.memory_space<vmem>>, vector<16xf32>,
      %broadcast_in_dim3A_195 = arith.constant 0.000000e+00 : f32
      %broadcast_in_dim3A_196 = vector.broadcast %broadcast_in_dim3A_195 : f32 to vector<16xf32>
      %swap3A_197 = arith.constant 320 : index
      %swap3A_198 = tpu.vector_load %arg6[%swap3A_197] {strides = array<i32>} : memref<1000xf32, #tpu.memory_space<vmem>>, vector<16xf32>,
      %swap3A_199 = vector.shape_cast %swap3A_198 : vector<16xf32> to vector<16xf32>
      %swap3A_200 = vector.shape_cast %broadcast_in_dim3A_196 : vector<16xf32> to vector<16xf32>
      tpu.vector_store %arg6[%swap3A_197], %swap3A_200 {strides = array<i32>} : memref<1000xf32, #tpu.memory_space<vmem>>, vector<16xf32>,
      %broadcast_in_dim3A_201 = arith.constant 0.000000e+00 : f32
      %broadcast_in_dim3A_202 = vector.broadcast %broadcast_in_dim3A_201 : f32 to vector<16xf32>
      %swap3A_203 = arith.constant 336 : index
      %swap3A_204 = tpu.vector_load %arg6[%swap3A_203] {strides = array<i32>} : memref<1000xf32, #tpu.memory_space<vmem>>, vector<16xf32>,
      %swap3A_205 = vector.shape_cast %swap3A_204 : vector<16xf32> to vector<16xf32>
      %swap3A_206 = vector.shape_cast %broadcast_in_dim3A_202 : vector<16xf32> to vector<16xf32>
      tpu.vector_store %arg6[%swap3A_203], %swap3A_206 {strides = array<i32>} : memref<1000xf32, #tpu.memory_space<vmem>>, vector<16xf32>,
      %broadcast_in_dim3A_207 = arith.constant 0.000000e+00 : f32
      %broadcast_in_dim3A_208 = vector.broadcast %broadcast_in_dim3A_207 : f32 to vector<16xf32>
      %swap3A_209 = arith.constant 352 : index
      %swap3A_210 = tpu.vector_load %arg6[%swap3A_209] {strides = array<i32>} : memref<1000xf32, #tpu.memory_space<vmem>>, vector<16xf32>,
      %swap3A_211 = vector.shape_cast %swap3A_210 : vector<16xf32> to vector<16xf32>
      %swap3A_212 = vector.shape_cast %broadcast_in_dim3A_208 : vector<16xf32> to vector<16xf32>
      tpu.vector_store %arg6[%swap3A_209], %swap3A_212 {strides = array<i32>} : memref<1000xf32, #tpu.memory_space<vmem>>, vector<16xf32>,
      %broadcast_in_dim3A_213 = arith.constant 0.000000e+00 : f32
      %broadcast_in_dim3A_214 = vector.broadcast %broadcast_in_dim3A_213 : f32 to vector<16xf32>
      %swap3A_215 = arith.constant 368 : index
      %swap3A_216 = tpu.vector_load %arg6[%swap3A_215] {strides = array<i32>} : memref<1000xf32, #tpu.memory_space<vmem>>, vector<16xf32>,
      %swap3A_217 = vector.shape_cast %swap3A_216 : vector<16xf32> to vector<16xf32>
      %swap3A_218 = vector.shape_cast %broadcast_in_dim3A_214 : vector<16xf32> to vector<16xf32>
      tpu.vector_store %arg6[%swap3A_215], %swap3A_218 {strides = array<i32>} : memref<1000xf32, #tpu.memory_space<vmem>>, vector<16xf32>,
      %broadcast_in_dim3A_219 = arith.constant 0.000000e+00 : f32
      %broadcast_in_dim3A_220 = vector.broadcast %broadcast_in_dim3A_219 : f32 to vector<16xf32>
      %swap3A_221 = arith.constant 384 : index
      %swap3A_222 = tpu.vector_load %arg6[%swap3A_221] {strides = array<i32>} : memref<1000xf32, #tpu.memory_space<vmem>>, vector<16xf32>,
      %swap3A_223 = vector.shape_cast %swap3A_222 : vector<16xf32> to vector<16xf32>
      %swap3A_224 = vector.shape_cast %broadcast_in_dim3A_220 : vector<16xf32> to vector<16xf32>
      tpu.vector_store %arg6[%swap3A_221], %swap3A_224 {strides = array<i32>} : memref<1000xf32, #tpu.memory_space<vmem>>, vector<16xf32>,
      %broadcast_in_dim3A_225 = arith.constant 0.000000e+00 : f32
      %broadcast_in_dim3A_226 = vector.broadcast %broadcast_in_dim3A_225 : f32 to vector<16xf32>
      %swap3A_227 = arith.constant 400 : index
      %swap3A_228 = tpu.vector_load %arg6[%swap3A_227] {strides = array<i32>} : memref<1000xf32, #tpu.memory_space<vmem>>, vector<16xf32>,
      %swap3A_229 = vector.shape_cast %swap3A_228 : vector<16xf32> to vector<16xf32>
      %swap3A_230 = vector.shape_cast %broadcast_in_dim3A_226 : vector<16xf32> to vector<16xf32>
      tpu.vector_store %arg6[%swap3A_227], %swap3A_230 {strides = array<i32>} : memref<1000xf32, #tpu.memory_space<vmem>>, vector<16xf32>,
      %broadcast_in_dim3A_231 = arith.constant 0.000000e+00 : f32
      %broadcast_in_dim3A_232 = vector.broadcast %broadcast_in_dim3A_231 : f32 to vector<16xf32>
      %swap3A_233 = arith.constant 416 : index
      %swap3A_234 = tpu.vector_load %arg6[%swap3A_233] {strides = array<i32>} : memref<1000xf32, #tpu.memory_space<vmem>>, vector<16xf32>,
      %swap3A_235 = vector.shape_cast %swap3A_234 : vector<16xf32> to vector<16xf32>
      %swap3A_236 = vector.shape_cast %broadcast_in_dim3A_232 : vector<16xf32> to vector<16xf32>
      tpu.vector_store %arg6[%swap3A_233], %swap3A_236 {strides = array<i32>} : memref<1000xf32, #tpu.memory_space<vmem>>, vector<16xf32>,
      %broadcast_in_dim3A_237 = arith.constant 0.000000e+00 : f32
      %broadcast_in_dim3A_238 = vector.broadcast %broadcast_in_dim3A_237 : f32 to vector<16xf32>
      %swap3A_239 = arith.constant 432 : index
      %swap3A_240 = tpu.vector_load %arg6[%swap3A_239] {strides = array<i32>} : memref<1000xf32, #tpu.memory_space<vmem>>, vector<16xf32>,
      %swap3A_241 = vector.shape_cast %swap3A_240 : vector<16xf32> to vector<16xf32>
      %swap3A_242 = vector.shape_cast %broadcast_in_dim3A_238 : vector<16xf32> to vector<16xf32>
      tpu.vector_store %arg6[%swap3A_239], %swap3A_242 {strides = array<i32>} : memref<1000xf32, #tpu.memory_space<vmem>>, vector<16xf32>,
      %broadcast_in_dim3A_243 = arith.constant 0.000000e+00 : f32
      %broadcast_in_dim3A_244 = vector.broadcast %broadcast_in_dim3A_243 : f32 to vector<16xf32>
      %swap3A_245 = arith.constant 448 : index
      %swap3A_246 = tpu.vector_load %arg6[%swap3A_245] {strides = array<i32>} : memref<1000xf32, #tpu.memory_space<vmem>>, vector<16xf32>,
      %swap3A_247 = vector.shape_cast %swap3A_246 : vector<16xf32> to vector<16xf32>
      %swap3A_248 = vector.shape_cast %broadcast_in_dim3A_244 : vector<16xf32> to vector<16xf32>
      tpu.vector_store %arg6[%swap3A_245], %swap3A_248 {strides = array<i32>} : memref<1000xf32, #tpu.memory_space<vmem>>, vector<16xf32>,
      %broadcast_in_dim3A_249 = arith.constant 0.000000e+00 : f32
      %broadcast_in_dim3A_250 = vector.broadcast %broadcast_in_dim3A_249 : f32 to vector<16xf32>
      %swap3A_251 = arith.constant 464 : index
      %swap3A_252 = tpu.vector_load %arg6[%swap3A_251] {strides = array<i32>} : memref<1000xf32, #tpu.memory_space<vmem>>, vector<16xf32>,
      %swap3A_253 = vector.shape_cast %swap3A_252 : vector<16xf32> to vector<16xf32>
      %swap3A_254 = vector.shape_cast %broadcast_in_dim3A_250 : vector<16xf32> to vector<16xf32>
      tpu.vector_store %arg6[%swap3A_251], %swap3A_254 {strides = array<i32>} : memref<1000xf32, #tpu.memory_space<vmem>>, vector<16xf32>,
      %broadcast_in_dim3A_255 = arith.constant 0.000000e+00 : f32
      %broadcast_in_dim3A_256 = vector.broadcast %broadcast_in_dim3A_255 : f32 to vector<16xf32>
      %swap3A_257 = arith.constant 480 : index
      %swap3A_258 = tpu.vector_load %arg6[%swap3A_257] {strides = array<i32>} : memref<1000xf32, #tpu.memory_space<vmem>>, vector<16xf32>,
      %swap3A_259 = vector.shape_cast %swap3A_258 : vector<16xf32> to vector<16xf32>
      %swap3A_260 = vector.shape_cast %broadcast_in_dim3A_256 : vector<16xf32> to vector<16xf32>
      tpu.vector_store %arg6[%swap3A_257], %swap3A_260 {strides = array<i32>} : memref<1000xf32, #tpu.memory_space<vmem>>, vector<16xf32>,
      %broadcast_in_dim3A_261 = arith.constant 0.000000e+00 : f32
      %broadcast_in_dim3A_262 = vector.broadcast %broadcast_in_dim3A_261 : f32 to vector<16xf32>
      %swap3A_263 = arith.constant 496 : index
      %swap3A_264 = tpu.vector_load %arg6[%swap3A_263] {strides = array<i32>} : memref<1000xf32, #tpu.memory_space<vmem>>, vector<16xf32>,
      %swap3A_265 = vector.shape_cast %swap3A_264 : vector<16xf32> to vector<16xf32>
      %swap3A_266 = vector.shape_cast %broadcast_in_dim3A_262 : vector<16xf32> to vector<16xf32>
      tpu.vector_store %arg6[%swap3A_263], %swap3A_266 {strides = array<i32>} : memref<1000xf32, #tpu.memory_space<vmem>>, vector<16xf32>,
      %broadcast_in_dim3A_267 = arith.constant 0.000000e+00 : f32
      %broadcast_in_dim3A_268 = vector.broadcast %broadcast_in_dim3A_267 : f32 to vector<16xf32>
      %swap3A_269 = arith.constant 512 : index
      %swap3A_270 = tpu.vector_load %arg6[%swap3A_269] {strides = array<i32>} : memref<1000xf32, #tpu.memory_space<vmem>>, vector<16xf32>,
      %swap3A_271 = vector.shape_cast %swap3A_270 : vector<16xf32> to vector<16xf32>
      %swap3A_272 = vector.shape_cast %broadcast_in_dim3A_268 : vector<16xf32> to vector<16xf32>
      tpu.vector_store %arg6[%swap3A_269], %swap3A_272 {strides = array<i32>} : memref<1000xf32, #tpu.memory_space<vmem>>, vector<16xf32>,
      %broadcast_in_dim3A_273 = arith.constant 0.000000e+00 : f32
      %broadcast_in_dim3A_274 = vector.broadcast %broadcast_in_dim3A_273 : f32 to vector<16xf32>
      %swap3A_275 = arith.constant 528 : index
      %swap3A_276 = tpu.vector_load %arg6[%swap3A_275] {strides = array<i32>} : memref<1000xf32, #tpu.memory_space<vmem>>, vector<16xf32>,
      %swap3A_277 = vector.shape_cast %swap3A_276 : vector<16xf32> to vector<16xf32>
      %swap3A_278 = vector.shape_cast %broadcast_in_dim3A_274 : vector<16xf32> to vector<16xf32>
      tpu.vector_store %arg6[%swap3A_275], %swap3A_278 {strides = array<i32>} : memref<1000xf32, #tpu.memory_space<vmem>>, vector<16xf32>,
      %broadcast_in_dim3A_279 = arith.constant 0.000000e+00 : f32
      %broadcast_in_dim3A_280 = vector.broadcast %broadcast_in_dim3A_279 : f32 to vector<16xf32>
      %swap3A_281 = arith.constant 544 : index
      %swap3A_282 = tpu.vector_load %arg6[%swap3A_281] {strides = array<i32>} : memref<1000xf32, #tpu.memory_space<vmem>>, vector<16xf32>,
      %swap3A_283 = vector.shape_cast %swap3A_282 : vector<16xf32> to vector<16xf32>
      %swap3A_284 = vector.shape_cast %broadcast_in_dim3A_280 : vector<16xf32> to vector<16xf32>
      tpu.vector_store %arg6[%swap3A_281], %swap3A_284 {strides = array<i32>} : memref<1000xf32, #tpu.memory_space<vmem>>, vector<16xf32>,
      %broadcast_in_dim3A_285 = arith.constant 0.000000e+00 : f32
      %broadcast_in_dim3A_286 = vector.broadcast %broadcast_in_dim3A_285 : f32 to vector<16xf32>
      %swap3A_287 = arith.constant 560 : index
      %swap3A_288 = tpu.vector_load %arg6[%swap3A_287] {strides = array<i32>} : memref<1000xf32, #tpu.memory_space<vmem>>, vector<16xf32>,
      %swap3A_289 = vector.shape_cast %swap3A_288 : vector<16xf32> to vector<16xf32>
      %swap3A_290 = vector.shape_cast %broadcast_in_dim3A_286 : vector<16xf32> to vector<16xf32>
      tpu.vector_store %arg6[%swap3A_287], %swap3A_290 {strides = array<i32>} : memref<1000xf32, #tpu.memory_space<vmem>>, vector<16xf32>,
      %broadcast_in_dim3A_291 = arith.constant 0.000000e+00 : f32
      %broadcast_in_dim3A_292 = vector.broadcast %broadcast_in_dim3A_291 : f32 to vector<16xf32>
      %swap3A_293 = arith.constant 576 : index
      %swap3A_294 = tpu.vector_load %arg6[%swap3A_293] {strides = array<i32>} : memref<1000xf32, #tpu.memory_space<vmem>>, vector<16xf32>,
      %swap3A_295 = vector.shape_cast %swap3A_294 : vector<16xf32> to vector<16xf32>
      %swap3A_296 = vector.shape_cast %broadcast_in_dim3A_292 : vector<16xf32> to vector<16xf32>
      tpu.vector_store %arg6[%swap3A_293], %swap3A_296 {strides = array<i32>} : memref<1000xf32, #tpu.memory_space<vmem>>, vector<16xf32>,
      %broadcast_in_dim3A_297 = arith.constant 0.000000e+00 : f32
      %broadcast_in_dim3A_298 = vector.broadcast %broadcast_in_dim3A_297 : f32 to vector<16xf32>
      %swap3A_299 = arith.constant 592 : index
      %swap3A_300 = tpu.vector_load %arg6[%swap3A_299] {strides = array<i32>} : memref<1000xf32, #tpu.memory_space<vmem>>, vector<16xf32>,
      %swap3A_301 = vector.shape_cast %swap3A_300 : vector<16xf32> to vector<16xf32>
      %swap3A_302 = vector.shape_cast %broadcast_in_dim3A_298 : vector<16xf32> to vector<16xf32>
      tpu.vector_store %arg6[%swap3A_299], %swap3A_302 {strides = array<i32>} : memref<1000xf32, #tpu.memory_space<vmem>>, vector<16xf32>,
      %broadcast_in_dim3A_303 = arith.constant 0.000000e+00 : f32
      %broadcast_in_dim3A_304 = vector.broadcast %broadcast_in_dim3A_303 : f32 to vector<16xf32>
      %swap3A_305 = arith.constant 608 : index
      %swap3A_306 = tpu.vector_load %arg6[%swap3A_305] {strides = array<i32>} : memref<1000xf32, #tpu.memory_space<vmem>>, vector<16xf32>,
      %swap3A_307 = vector.shape_cast %swap3A_306 : vector<16xf32> to vector<16xf32>
      %swap3A_308 = vector.shape_cast %broadcast_in_dim3A_304 : vector<16xf32> to vector<16xf32>
      tpu.vector_store %arg6[%swap3A_305], %swap3A_308 {strides = array<i32>} : memref<1000xf32, #tpu.memory_space<vmem>>, vector<16xf32>,
      %broadcast_in_dim3A_309 = arith.constant 0.000000e+00 : f32
      %broadcast_in_dim3A_310 = vector.broadcast %broadcast_in_dim3A_309 : f32 to vector<16xf32>
      %swap3A_311 = arith.constant 624 : index
      %swap3A_312 = tpu.vector_load %arg6[%swap3A_311] {strides = array<i32>} : memref<1000xf32, #tpu.memory_space<vmem>>, vector<16xf32>,
      %swap3A_313 = vector.shape_cast %swap3A_312 : vector<16xf32> to vector<16xf32>
      %swap3A_314 = vector.shape_cast %broadcast_in_dim3A_310 : vector<16xf32> to vector<16xf32>
      tpu.vector_store %arg6[%swap3A_311], %swap3A_314 {strides = array<i32>} : memref<1000xf32, #tpu.memory_space<vmem>>, vector<16xf32>,
      %broadcast_in_dim3A_315 = arith.constant 0.000000e+00 : f32
      %broadcast_in_dim3A_316 = vector.broadcast %broadcast_in_dim3A_315 : f32 to vector<16xf32>
      %swap3A_317 = arith.constant 640 : index
      %swap3A_318 = tpu.vector_load %arg6[%swap3A_317] {strides = array<i32>} : memref<1000xf32, #tpu.memory_space<vmem>>, vector<16xf32>,
      %swap3A_319 = vector.shape_cast %swap3A_318 : vector<16xf32> to vector<16xf32>
      %swap3A_320 = vector.shape_cast %broadcast_in_dim3A_316 : vector<16xf32> to vector<16xf32>
      tpu.vector_store %arg6[%swap3A_317], %swap3A_320 {strides = array<i32>} : memref<1000xf32, #tpu.memory_space<vmem>>, vector<16xf32>,
      %broadcast_in_dim3A_321 = arith.constant 0.000000e+00 : f32
      %broadcast_in_dim3A_322 = vector.broadcast %broadcast_in_dim3A_321 : f32 to vector<16xf32>
      %swap3A_323 = arith.constant 656 : index
      %swap3A_324 = tpu.vector_load %arg6[%swap3A_323] {strides = array<i32>} : memref<1000xf32, #tpu.memory_space<vmem>>, vector<16xf32>,
      %swap3A_325 = vector.shape_cast %swap3A_324 : vector<16xf32> to vector<16xf32>
      %swap3A_326 = vector.shape_cast %broadcast_in_dim3A_322 : vector<16xf32> to vector<16xf32>
      tpu.vector_store %arg6[%swap3A_323], %swap3A_326 {strides = array<i32>} : memref<1000xf32, #tpu.memory_space<vmem>>, vector<16xf32>,
      %broadcast_in_dim3A_327 = arith.constant 0.000000e+00 : f32
      %broadcast_in_dim3A_328 = vector.broadcast %broadcast_in_dim3A_327 : f32 to vector<16xf32>
      %swap3A_329 = arith.constant 672 : index
      %swap3A_330 = tpu.vector_load %arg6[%swap3A_329] {strides = array<i32>} : memref<1000xf32, #tpu.memory_space<vmem>>, vector<16xf32>,
      %swap3A_331 = vector.shape_cast %swap3A_330 : vector<16xf32> to vector<16xf32>
      %swap3A_332 = vector.shape_cast %broadcast_in_dim3A_328 : vector<16xf32> to vector<16xf32>
      tpu.vector_store %arg6[%swap3A_329], %swap3A_332 {strides = array<i32>} : memref<1000xf32, #tpu.memory_space<vmem>>, vector<16xf32>,
      %broadcast_in_dim3A_333 = arith.constant 0.000000e+00 : f32
      %broadcast_in_dim3A_334 = vector.broadcast %broadcast_in_dim3A_333 : f32 to vector<16xf32>
      %swap3A_335 = arith.constant 688 : index
      %swap3A_336 = tpu.vector_load %arg6[%swap3A_335] {strides = array<i32>} : memref<1000xf32, #tpu.memory_space<vmem>>, vector<16xf32>,
      %swap3A_337 = vector.shape_cast %swap3A_336 : vector<16xf32> to vector<16xf32>
      %swap3A_338 = vector.shape_cast %broadcast_in_dim3A_334 : vector<16xf32> to vector<16xf32>
      tpu.vector_store %arg6[%swap3A_335], %swap3A_338 {strides = array<i32>} : memref<1000xf32, #tpu.memory_space<vmem>>, vector<16xf32>,
      %broadcast_in_dim3A_339 = arith.constant 0.000000e+00 : f32
      %broadcast_in_dim3A_340 = vector.broadcast %broadcast_in_dim3A_339 : f32 to vector<16xf32>
      %swap3A_341 = arith.constant 704 : index
      %swap3A_342 = tpu.vector_load %arg6[%swap3A_341] {strides = array<i32>} : memref<1000xf32, #tpu.memory_space<vmem>>, vector<16xf32>,
      %swap3A_343 = vector.shape_cast %swap3A_342 : vector<16xf32> to vector<16xf32>
      %swap3A_344 = vector.shape_cast %broadcast_in_dim3A_340 : vector<16xf32> to vector<16xf32>
      tpu.vector_store %arg6[%swap3A_341], %swap3A_344 {strides = array<i32>} : memref<1000xf32, #tpu.memory_space<vmem>>, vector<16xf32>,
      %broadcast_in_dim3A_345 = arith.constant 0.000000e+00 : f32
      %broadcast_in_dim3A_346 = vector.broadcast %broadcast_in_dim3A_345 : f32 to vector<16xf32>
      %swap3A_347 = arith.constant 720 : index
      %swap3A_348 = tpu.vector_load %arg6[%swap3A_347] {strides = array<i32>} : memref<1000xf32, #tpu.memory_space<vmem>>, vector<16xf32>,
      %swap3A_349 = vector.shape_cast %swap3A_348 : vector<16xf32> to vector<16xf32>
      %swap3A_350 = vector.shape_cast %broadcast_in_dim3A_346 : vector<16xf32> to vector<16xf32>
      tpu.vector_store %arg6[%swap3A_347], %swap3A_350 {strides = array<i32>} : memref<1000xf32, #tpu.memory_space<vmem>>, vector<16xf32>,
      %broadcast_in_dim3A_351 = arith.constant 0.000000e+00 : f32
      %broadcast_in_dim3A_352 = vector.broadcast %broadcast_in_dim3A_351 : f32 to vector<16xf32>
      %swap3A_353 = arith.constant 736 : index
      %swap3A_354 = tpu.vector_load %arg6[%swap3A_353] {strides = array<i32>} : memref<1000xf32, #tpu.memory_space<vmem>>, vector<16xf32>,
      %swap3A_355 = vector.shape_cast %swap3A_354 : vector<16xf32> to vector<16xf32>
      %swap3A_356 = vector.shape_cast %broadcast_in_dim3A_352 : vector<16xf32> to vector<16xf32>
      tpu.vector_store %arg6[%swap3A_353], %swap3A_356 {strides = array<i32>} : memref<1000xf32, #tpu.memory_space<vmem>>, vector<16xf32>,
      %broadcast_in_dim3A_357 = arith.constant 0.000000e+00 : f32
      %broadcast_in_dim3A_358 = vector.broadcast %broadcast_in_dim3A_357 : f32 to vector<16xf32>
      %swap3A_359 = arith.constant 752 : index
      %swap3A_360 = tpu.vector_load %arg6[%swap3A_359] {strides = array<i32>} : memref<1000xf32, #tpu.memory_space<vmem>>, vector<16xf32>,
      %swap3A_361 = vector.shape_cast %swap3A_360 : vector<16xf32> to vector<16xf32>
      %swap3A_362 = vector.shape_cast %broadcast_in_dim3A_358 : vector<16xf32> to vector<16xf32>
      tpu.vector_store %arg6[%swap3A_359], %swap3A_362 {strides = array<i32>} : memref<1000xf32, #tpu.memory_space<vmem>>, vector<16xf32>,
      %broadcast_in_dim3A_363 = arith.constant 0.000000e+00 : f32
      %broadcast_in_dim3A_364 = vector.broadcast %broadcast_in_dim3A_363 : f32 to vector<16xf32>
      %swap3A_365 = arith.constant 768 : index
      %swap3A_366 = tpu.vector_load %arg6[%swap3A_365] {strides = array<i32>} : memref<1000xf32, #tpu.memory_space<vmem>>, vector<16xf32>,
      %swap3A_367 = vector.shape_cast %swap3A_366 : vector<16xf32> to vector<16xf32>
      %swap3A_368 = vector.shape_cast %broadcast_in_dim3A_364 : vector<16xf32> to vector<16xf32>
      tpu.vector_store %arg6[%swap3A_365], %swap3A_368 {strides = array<i32>} : memref<1000xf32, #tpu.memory_space<vmem>>, vector<16xf32>,
      %broadcast_in_dim3A_369 = arith.constant 0.000000e+00 : f32
      %broadcast_in_dim3A_370 = vector.broadcast %broadcast_in_dim3A_369 : f32 to vector<16xf32>
      %swap3A_371 = arith.constant 784 : index
      %swap3A_372 = tpu.vector_load %arg6[%swap3A_371] {strides = array<i32>} : memref<1000xf32, #tpu.memory_space<vmem>>, vector<16xf32>,
      %swap3A_373 = vector.shape_cast %swap3A_372 : vector<16xf32> to vector<16xf32>
      %swap3A_374 = vector.shape_cast %broadcast_in_dim3A_370 : vector<16xf32> to vector<16xf32>
      tpu.vector_store %arg6[%swap3A_371], %swap3A_374 {strides = array<i32>} : memref<1000xf32, #tpu.memory_space<vmem>>, vector<16xf32>,
      %broadcast_in_dim3A_375 = arith.constant 0.000000e+00 : f32
      %broadcast_in_dim3A_376 = vector.broadcast %broadcast_in_dim3A_375 : f32 to vector<16xf32>
      %swap3A_377 = arith.constant 800 : index
      %swap3A_378 = tpu.vector_load %arg6[%swap3A_377] {strides = array<i32>} : memref<1000xf32, #tpu.memory_space<vmem>>, vector<16xf32>,
      %swap3A_379 = vector.shape_cast %swap3A_378 : vector<16xf32> to vector<16xf32>
      %swap3A_380 = vector.shape_cast %broadcast_in_dim3A_376 : vector<16xf32> to vector<16xf32>
      tpu.vector_store %arg6[%swap3A_377], %swap3A_380 {strides = array<i32>} : memref<1000xf32, #tpu.memory_space<vmem>>, vector<16xf32>,
      %broadcast_in_dim3A_381 = arith.constant 0.000000e+00 : f32
      %broadcast_in_dim3A_382 = vector.broadcast %broadcast_in_dim3A_381 : f32 to vector<16xf32>
      %swap3A_383 = arith.constant 816 : index
      %swap3A_384 = tpu.vector_load %arg6[%swap3A_383] {strides = array<i32>} : memref<1000xf32, #tpu.memory_space<vmem>>, vector<16xf32>,
      %swap3A_385 = vector.shape_cast %swap3A_384 : vector<16xf32> to vector<16xf32>
      %swap3A_386 = vector.shape_cast %broadcast_in_dim3A_382 : vector<16xf32> to vector<16xf32>
      tpu.vector_store %arg6[%swap3A_383], %swap3A_386 {strides = array<i32>} : memref<1000xf32, #tpu.memory_space<vmem>>, vector<16xf32>,
      %broadcast_in_dim3A_387 = arith.constant 0.000000e+00 : f32
      %broadcast_in_dim3A_388 = vector.broadcast %broadcast_in_dim3A_387 : f32 to vector<16xf32>
      %swap3A_389 = arith.constant 832 : index
      %swap3A_390 = tpu.vector_load %arg6[%swap3A_389] {strides = array<i32>} : memref<1000xf32, #tpu.memory_space<vmem>>, vector<16xf32>,
      %swap3A_391 = vector.shape_cast %swap3A_390 : vector<16xf32> to vector<16xf32>
      %swap3A_392 = vector.shape_cast %broadcast_in_dim3A_388 : vector<16xf32> to vector<16xf32>
      tpu.vector_store %arg6[%swap3A_389], %swap3A_392 {strides = array<i32>} : memref<1000xf32, #tpu.memory_space<vmem>>, vector<16xf32>,
      %broadcast_in_dim3A_393 = arith.constant 0.000000e+00 : f32
      %broadcast_in_dim3A_394 = vector.broadcast %broadcast_in_dim3A_393 : f32 to vector<16xf32>
      %swap3A_395 = arith.constant 848 : index
      %swap3A_396 = tpu.vector_load %arg6[%swap3A_395] {strides = array<i32>} : memref<1000xf32, #tpu.memory_space<vmem>>, vector<16xf32>,
      %swap3A_397 = vector.shape_cast %swap3A_396 : vector<16xf32> to vector<16xf32>
      %swap3A_398 = vector.shape_cast %broadcast_in_dim3A_394 : vector<16xf32> to vector<16xf32>
      tpu.vector_store %arg6[%swap3A_395], %swap3A_398 {strides = array<i32>} : memref<1000xf32, #tpu.memory_space<vmem>>, vector<16xf32>,
      %broadcast_in_dim3A_399 = arith.constant 0.000000e+00 : f32
      %broadcast_in_dim3A_400 = vector.broadcast %broadcast_in_dim3A_399 : f32 to vector<16xf32>
      %swap3A_401 = arith.constant 864 : index
      %swap3A_402 = tpu.vector_load %arg6[%swap3A_401] {strides = array<i32>} : memref<1000xf32, #tpu.memory_space<vmem>>, vector<16xf32>,
      %swap3A_403 = vector.shape_cast %swap3A_402 : vector<16xf32> to vector<16xf32>
      %swap3A_404 = vector.shape_cast %broadcast_in_dim3A_400 : vector<16xf32> to vector<16xf32>
      tpu.vector_store %arg6[%swap3A_401], %swap3A_404 {strides = array<i32>} : memref<1000xf32, #tpu.memory_space<vmem>>, vector<16xf32>,
      %broadcast_in_dim3A_405 = arith.constant 0.000000e+00 : f32
      %broadcast_in_dim3A_406 = vector.broadcast %broadcast_in_dim3A_405 : f32 to vector<16xf32>
      %swap3A_407 = arith.constant 880 : index
      %swap3A_408 = tpu.vector_load %arg6[%swap3A_407] {strides = array<i32>} : memref<1000xf32, #tpu.memory_space<vmem>>, vector<16xf32>,
      %swap3A_409 = vector.shape_cast %swap3A_408 : vector<16xf32> to vector<16xf32>
      %swap3A_410 = vector.shape_cast %broadcast_in_dim3A_406 : vector<16xf32> to vector<16xf32>
      tpu.vector_store %arg6[%swap3A_407], %swap3A_410 {strides = array<i32>} : memref<1000xf32, #tpu.memory_space<vmem>>, vector<16xf32>,
      %broadcast_in_dim3A_411 = arith.constant 0.000000e+00 : f32
      %broadcast_in_dim3A_412 = vector.broadcast %broadcast_in_dim3A_411 : f32 to vector<16xf32>
      %swap3A_413 = arith.constant 896 : index
      %swap3A_414 = tpu.vector_load %arg6[%swap3A_413] {strides = array<i32>} : memref<1000xf32, #tpu.memory_space<vmem>>, vector<16xf32>,
      %swap3A_415 = vector.shape_cast %swap3A_414 : vector<16xf32> to vector<16xf32>
      %swap3A_416 = vector.shape_cast %broadcast_in_dim3A_412 : vector<16xf32> to vector<16xf32>
      tpu.vector_store %arg6[%swap3A_413], %swap3A_416 {strides = array<i32>} : memref<1000xf32, #tpu.memory_space<vmem>>, vector<16xf32>,
      %broadcast_in_dim3A_417 = arith.constant 0.000000e+00 : f32
      %broadcast_in_dim3A_418 = vector.broadcast %broadcast_in_dim3A_417 : f32 to vector<16xf32>
      %swap3A_419 = arith.constant 912 : index
      %swap3A_420 = tpu.vector_load %arg6[%swap3A_419] {strides = array<i32>} : memref<1000xf32, #tpu.memory_space<vmem>>, vector<16xf32>,
      %swap3A_421 = vector.shape_cast %swap3A_420 : vector<16xf32> to vector<16xf32>
      %swap3A_422 = vector.shape_cast %broadcast_in_dim3A_418 : vector<16xf32> to vector<16xf32>
      tpu.vector_store %arg6[%swap3A_419], %swap3A_422 {strides = array<i32>} : memref<1000xf32, #tpu.memory_space<vmem>>, vector<16xf32>,
      %broadcast_in_dim3A_423 = arith.constant 0.000000e+00 : f32
      %broadcast_in_dim3A_424 = vector.broadcast %broadcast_in_dim3A_423 : f32 to vector<16xf32>
      %swap3A_425 = arith.constant 928 : index
      %swap3A_426 = tpu.vector_load %arg6[%swap3A_425] {strides = array<i32>} : memref<1000xf32, #tpu.memory_space<vmem>>, vector<16xf32>,
      %swap3A_427 = vector.shape_cast %swap3A_426 : vector<16xf32> to vector<16xf32>
      %swap3A_428 = vector.shape_cast %broadcast_in_dim3A_424 : vector<16xf32> to vector<16xf32>
      tpu.vector_store %arg6[%swap3A_425], %swap3A_428 {strides = array<i32>} : memref<1000xf32, #tpu.memory_space<vmem>>, vector<16xf32>,
      %broadcast_in_dim3A_429 = arith.constant 0.000000e+00 : f32
      %broadcast_in_dim3A_430 = vector.broadcast %broadcast_in_dim3A_429 : f32 to vector<16xf32>
      %swap3A_431 = arith.constant 944 : index
      %swap3A_432 = tpu.vector_load %arg6[%swap3A_431] {strides = array<i32>} : memref<1000xf32, #tpu.memory_space<vmem>>, vector<16xf32>,
      %swap3A_433 = vector.shape_cast %swap3A_432 : vector<16xf32> to vector<16xf32>
      %swap3A_434 = vector.shape_cast %broadcast_in_dim3A_430 : vector<16xf32> to vector<16xf32>
      tpu.vector_store %arg6[%swap3A_431], %swap3A_434 {strides = array<i32>} : memref<1000xf32, #tpu.memory_space<vmem>>, vector<16xf32>,
      %broadcast_in_dim3A_435 = arith.constant 0.000000e+00 : f32
      %broadcast_in_dim3A_436 = vector.broadcast %broadcast_in_dim3A_435 : f32 to vector<16xf32>
      %swap3A_437 = arith.constant 960 : index
      %swap3A_438 = tpu.vector_load %arg6[%swap3A_437] {strides = array<i32>} : memref<1000xf32, #tpu.memory_space<vmem>>, vector<16xf32>,
      %swap3A_439 = vector.shape_cast %swap3A_438 : vector<16xf32> to vector<16xf32>
      %swap3A_440 = vector.shape_cast %broadcast_in_dim3A_436 : vector<16xf32> to vector<16xf32>
      tpu.vector_store %arg6[%swap3A_437], %swap3A_440 {strides = array<i32>} : memref<1000xf32, #tpu.memory_space<vmem>>, vector<16xf32>,
      %broadcast_in_dim3A_441 = arith.constant 0.000000e+00 : f32
      %broadcast_in_dim3A_442 = vector.broadcast %broadcast_in_dim3A_441 : f32 to vector<16xf32>
      %swap3A_443 = arith.constant 976 : index
      %swap3A_444 = tpu.vector_load %arg6[%swap3A_443] {strides = array<i32>} : memref<1000xf32, #tpu.memory_space<vmem>>, vector<16xf32>,
      %swap3A_445 = vector.shape_cast %swap3A_444 : vector<16xf32> to vector<16xf32>
      %swap3A_446 = vector.shape_cast %broadcast_in_dim3A_442 : vector<16xf32> to vector<16xf32>
      tpu.vector_store %arg6[%swap3A_443], %swap3A_446 {strides = array<i32>} : memref<1000xf32, #tpu.memory_space<vmem>>, vector<16xf32>,
      %broadcast_in_dim3A_447 = arith.constant 0.000000e+00 : f32
      %broadcast_in_dim3A_448 = vector.broadcast %broadcast_in_dim3A_447 : f32 to vector<16xf32>
      %swap3A_449 = arith.constant 984 : index
      %swap3A_450 = tpu.vector_load %arg6[%swap3A_449] {strides = array<i32>} : memref<1000xf32, #tpu.memory_space<vmem>>, vector<16xf32>,
      %swap3A_451 = vector.shape_cast %swap3A_450 : vector<16xf32> to vector<16xf32>
      %swap3A_452 = vector.shape_cast %broadcast_in_dim3A_448 : vector<16xf32> to vector<16xf32>
      tpu.vector_store %arg6[%swap3A_449], %swap3A_452 {strides = array<i32>} : memref<1000xf32, #tpu.memory_space<vmem>>, vector<16xf32>,
      %mul3A_453 = arith.constant 1000 : i32
      %mul3A_454 = arith.muli %arg1, %mul3A_453 : i32
      "tpu.region"() ({
        %run_scoped3A_455 = tpu.sem_alloc : memref<!tpu.dma_semaphore, #tpu.memory_space<semaphore_mem>>
        %dma_start3A = tpu.memref_slice %arg8[%mul3A_454] : memref<10000xf32, #tpu.memory_space<vmem_shared>> -> memref<1000xf32, #tpu.memory_space<vmem_shared>>
        %dma_start3A_456 = tpu.memref_slice %arg8[%mul3A_454] : memref<10000xf32, #tpu.memory_space<vmem_shared>> -> memref<1000xf32, #tpu.memory_space<vmem_shared>>
        tpu.enqueue_dma source(%arg6 : memref<1000xf32, #tpu.memory_space<vmem>>) target(%dma_start3A_456 : memref<1000xf32, #tpu.memory_space<vmem_shared>>) target_semaphore(%run_scoped3A_455 : memref<!tpu.dma_semaphore, #tpu.memory_space<semaphore_mem>>)
        %dma_wait3A = tpu.memref_slice %arg8[%mul3A_454] : memref<10000xf32, #tpu.memory_space<vmem_shared>> -> memref<1000xf32, #tpu.memory_space<vmem_shared>>
        %dma_wait3A_457 = tpu.memref_slice %arg8[%mul3A_454] : memref<10000xf32, #tpu.memory_space<vmem_shared>> -> memref<1000xf32, #tpu.memory_space<vmem_shared>>
        tpu.wait_dma2 semaphore(%run_scoped3A_455 : memref<!tpu.dma_semaphore, #tpu.memory_space<semaphore_mem>>) src(%arg6 : memref<1000xf32, #tpu.memory_space<vmem>>) dst(%dma_wait3A_457 : memref<1000xf32, #tpu.memory_space<vmem_shared>>)
        tpu.yield
      }) : () -> ()
    } else {
    }
    %barrier3A = arith.constant 0 : index
    tpu.barrier barrier_id(%barrier3A)
    %run_scoped3A = arith.constant 0 : i32
    "tpu.region"() ({
      %run_scoped3A_75 = tpu.sem_alloc : memref<!tpu.dma_semaphore, #tpu.memory_space<semaphore_mem>>
      %dma_start3A = arith.constant 0 : i32
      %dma_start3A_76 = arith.constant 0 : i32
      %dma_start3A_77 = tpu.memref_slice %arg2[%add3A, %run_scoped3A, %dma_start3A, %dma_start3A_76] : memref<32x2x40x125xi32, #tpu.memory_space<hbm>> -> memref<1x1x40x125xi32, #tpu.memory_space<hbm>>
      %dma_start3A_78 = tpu.memref_squeeze %dma_start3A_77 : memref<1x1x40x125xi32, #tpu.memory_space<hbm>> -> memref<40x125xi32, #tpu.memory_space<hbm>>
      %dma_start3A_79 = arith.constant 0 : i32
      %dma_start3A_80 = arith.constant 0 : i32
      %dma_start3A_81 = tpu.memref_slice %arg2[%add3A, %run_scoped3A, %dma_start3A_79, %dma_start3A_80] : memref<32x2x40x125xi32, #tpu.memory_space<hbm>> -> memref<1x1x40x125xi32, #tpu.memory_space<hbm>>
      %dma_start3A_82 = tpu.memref_squeeze %dma_start3A_81 : memref<1x1x40x125xi32, #tpu.memory_space<hbm>> -> memref<40x125xi32, #tpu.memory_space<hbm>>
      tpu.enqueue_dma source(%dma_start3A_82 : memref<40x125xi32, #tpu.memory_space<hbm>>) target(%arg4 : memref<40x125xi32, #tpu.memory_space<vmem>>) target_semaphore(%run_scoped3A_75 : memref<!tpu.dma_semaphore, #tpu.memory_space<semaphore_mem>>)
      %dma_wait3A = arith.constant 0 : i32
      %dma_wait3A_83 = arith.constant 0 : i32
      %dma_wait3A_84 = tpu.memref_slice %arg2[%add3A, %run_scoped3A, %dma_wait3A, %dma_wait3A_83] : memref<32x2x40x125xi32, #tpu.memory_space<hbm>> -> memref<1x1x40x125xi32, #tpu.memory_space<hbm>>
      %dma_wait3A_85 = tpu.memref_squeeze %dma_wait3A_84 : memref<1x1x40x125xi32, #tpu.memory_space<hbm>> -> memref<40x125xi32, #tpu.memory_space<hbm>>
      %dma_wait3A_86 = arith.constant 0 : i32
      %dma_wait3A_87 = arith.constant 0 : i32
      %dma_wait3A_88 = tpu.memref_slice %arg2[%add3A, %run_scoped3A, %dma_wait3A_86, %dma_wait3A_87] : memref<32x2x40x125xi32, #tpu.memory_space<hbm>> -> memref<1x1x40x125xi32, #tpu.memory_space<hbm>>
      %dma_wait3A_89 = tpu.memref_squeeze %dma_wait3A_88 : memref<1x1x40x125xi32, #tpu.memory_space<hbm>> -> memref<40x125xi32, #tpu.memory_space<hbm>>
      tpu.wait_dma2 semaphore(%run_scoped3A_75 : memref<!tpu.dma_semaphore, #tpu.memory_space<semaphore_mem>>) src(%dma_wait3A_89 : memref<40x125xi32, #tpu.memory_space<hbm>>) dst(%arg4 : memref<40x125xi32, #tpu.memory_space<vmem>>)
      tpu.yield
    }) : () -> ()
    %scan3A = arith.constant 0 : i32
    %scan3A_49 = arith.constant 40 : i32
    %scan3A_50 = arith.addi %scan3A, %scan3A_49 : i32
    %scan3A_51 = arith.constant 1 : i32
    scf.for %scan3A_75 = %scan3A to %scan3A_50 step %scan3A_51  : i32 {
      %mul3A_76 = arith.constant 1 : i32
      %mul3A_77 = arith.muli %scan3A_75, %mul3A_76 : i32
      %add3A_78 = arith.constant 0 : i32
      %add3A_79 = arith.addi %add3A_78, %mul3A_77 : i32
      %dma_start3A = arith.constant 0 : i32
      %dma_start3A_80 = tpu.memref_slice %arg5[%dma_start3A] : memref<128xf32, #tpu.memory_space<vmem>> -> memref<125xf32, #tpu.memory_space<vmem>>
      %dma_start3A_81 = arith.constant 0 : i32
      %dma_start3A_82 = tpu.memref_slice %arg4[%add3A_79, %dma_start3A_81] : memref<40x125xi32, #tpu.memory_space<vmem>> -> memref<1x125xi32, #tpu.memory_space<vmem>>
      %dma_start3A_83 = tpu.memref_squeeze %dma_start3A_82 : memref<1x125xi32, #tpu.memory_space<vmem>> -> memref<125xi32, #tpu.memory_space<vmem>>
      %dma_start3A_84 = arith.constant 0 : i32
      %dma_start3A_85 = tpu.memref_slice %arg8[%dma_start3A_84] : memref<10000xf32, #tpu.memory_space<vmem_shared>> -> memref<10000xf32, #tpu.memory_space<vmem_shared>>
      tpu.enqueue_indirect_dma source(%dma_start3A_80 : memref<125xf32, #tpu.memory_space<vmem>>) target(%dma_start3A_85 : memref<10000xf32, #tpu.memory_space<vmem_shared>>) offsets(%dma_start3A_83 : memref<125xi32, #tpu.memory_space<vmem>>) semaphore(%arg7 : memref<!tpu.dma_semaphore, #tpu.memory_space<semaphore_mem>>) {add = true}
    }
    %scan3A_52 = arith.constant 40 : i32
    %scan3A_53 = arith.constant 0 : i32
    %scan3A_54 = arith.constant 40 : i32
    %scan3A_55 = arith.addi %scan3A_53, %scan3A_54 : i32
    %scan3A_56 = arith.constant 1 : i32
    scf.for %scan3A_75 = %scan3A_53 to %scan3A_55 step %scan3A_56  : i32 {
      %mul3A_76 = arith.constant 1 : i32
      %mul3A_77 = arith.muli %scan3A_75, %mul3A_76 : i32
      %add3A_78 = arith.constant 0 : i32
      %add3A_79 = arith.addi %add3A_78, %mul3A_77 : i32
      %dma_wait3A = arith.constant 0 : i32
      %dma_wait3A_80 = tpu.memref_slice %arg5[%dma_wait3A] : memref<128xf32, #tpu.memory_space<vmem>> -> memref<125xf32, #tpu.memory_space<vmem>>
      %dma_wait3A_81 = arith.constant 0 : i32
      %dma_wait3A_82 = tpu.memref_slice %arg4[%add3A_79, %dma_wait3A_81] : memref<40x125xi32, #tpu.memory_space<vmem>> -> memref<1x125xi32, #tpu.memory_space<vmem>>
      %dma_wait3A_83 = tpu.memref_squeeze %dma_wait3A_82 : memref<1x125xi32, #tpu.memory_space<vmem>> -> memref<125xi32, #tpu.memory_space<vmem>>
      %dma_wait3A_84 = arith.constant 0 : i32
      %dma_wait3A_85 = tpu.memref_slice %arg8[%dma_wait3A_84] : memref<10000xf32, #tpu.memory_space<vmem_shared>> -> memref<10000xf32, #tpu.memory_space<vmem_shared>>
      tpu.wait_indirect_dma semaphore(%arg7 : memref<!tpu.dma_semaphore, #tpu.memory_space<semaphore_mem>>) src(%dma_wait3A_80 : memref<125xf32, #tpu.memory_space<vmem>>) dst(%dma_wait3A_85 : memref<10000xf32, #tpu.memory_space<vmem_shared>>)
    }
    %scan3A_57 = arith.constant 40 : i32
    %run_scoped3A_58 = arith.constant 1 : i32
    "tpu.region"() ({
      %run_scoped3A_75 = tpu.sem_alloc : memref<!tpu.dma_semaphore, #tpu.memory_space<semaphore_mem>>
      %dma_start3A = arith.constant 0 : i32
      %dma_start3A_76 = arith.constant 0 : i32
      %dma_start3A_77 = tpu.memref_slice %arg2[%add3A, %run_scoped3A_58, %dma_start3A, %dma_start3A_76] : memref<32x2x40x125xi32, #tpu.memory_space<hbm>> -> memref<1x1x40x125xi32, #tpu.memory_space<hbm>>
      %dma_start3A_78 = tpu.memref_squeeze %dma_start3A_77 : memref<1x1x40x125xi32, #tpu.memory_space<hbm>> -> memref<40x125xi32, #tpu.memory_space<hbm>>
      %dma_start3A_79 = arith.constant 0 : i32
      %dma_start3A_80 = arith.constant 0 : i32
      %dma_start3A_81 = tpu.memref_slice %arg2[%add3A, %run_scoped3A_58, %dma_start3A_79, %dma_start3A_80] : memref<32x2x40x125xi32, #tpu.memory_space<hbm>> -> memref<1x1x40x125xi32, #tpu.memory_space<hbm>>
      %dma_start3A_82 = tpu.memref_squeeze %dma_start3A_81 : memref<1x1x40x125xi32, #tpu.memory_space<hbm>> -> memref<40x125xi32, #tpu.memory_space<hbm>>
      tpu.enqueue_dma source(%dma_start3A_82 : memref<40x125xi32, #tpu.memory_space<hbm>>) target(%arg4 : memref<40x125xi32, #tpu.memory_space<vmem>>) target_semaphore(%run_scoped3A_75 : memref<!tpu.dma_semaphore, #tpu.memory_space<semaphore_mem>>)
      %dma_wait3A = arith.constant 0 : i32
      %dma_wait3A_83 = arith.constant 0 : i32
      %dma_wait3A_84 = tpu.memref_slice %arg2[%add3A, %run_scoped3A_58, %dma_wait3A, %dma_wait3A_83] : memref<32x2x40x125xi32, #tpu.memory_space<hbm>> -> memref<1x1x40x125xi32, #tpu.memory_space<hbm>>
      %dma_wait3A_85 = tpu.memref_squeeze %dma_wait3A_84 : memref<1x1x40x125xi32, #tpu.memory_space<hbm>> -> memref<40x125xi32, #tpu.memory_space<hbm>>
      %dma_wait3A_86 = arith.constant 0 : i32
      %dma_wait3A_87 = arith.constant 0 : i32
      %dma_wait3A_88 = tpu.memref_slice %arg2[%add3A, %run_scoped3A_58, %dma_wait3A_86, %dma_wait3A_87] : memref<32x2x40x125xi32, #tpu.memory_space<hbm>> -> memref<1x1x40x125xi32, #tpu.memory_space<hbm>>
      %dma_wait3A_89 = tpu.memref_squeeze %dma_wait3A_88 : memref<1x1x40x125xi32, #tpu.memory_space<hbm>> -> memref<40x125xi32, #tpu.memory_space<hbm>>
      tpu.wait_dma2 semaphore(%run_scoped3A_75 : memref<!tpu.dma_semaphore, #tpu.memory_space<semaphore_mem>>) src(%dma_wait3A_89 : memref<40x125xi32, #tpu.memory_space<hbm>>) dst(%arg4 : memref<40x125xi32, #tpu.memory_space<vmem>>)
      tpu.yield
    }) : () -> ()
    %scan3A_59 = arith.constant 0 : i32
    %scan3A_60 = arith.constant 40 : i32
    %scan3A_61 = arith.addi %scan3A_59, %scan3A_60 : i32
    %scan3A_62 = arith.constant 1 : i32
    scf.for %scan3A_75 = %scan3A_59 to %scan3A_61 step %scan3A_62  : i32 {
      %mul3A_76 = arith.constant 1 : i32
      %mul3A_77 = arith.muli %scan3A_75, %mul3A_76 : i32
      %add3A_78 = arith.constant 0 : i32
      %add3A_79 = arith.addi %add3A_78, %mul3A_77 : i32
      %dma_start3A = arith.constant 0 : i32
      %dma_start3A_80 = tpu.memref_slice %arg5[%dma_start3A] : memref<128xf32, #tpu.memory_space<vmem>> -> memref<125xf32, #tpu.memory_space<vmem>>
      %dma_start3A_81 = arith.constant 0 : i32
      %dma_start3A_82 = tpu.memref_slice %arg4[%add3A_79, %dma_start3A_81] : memref<40x125xi32, #tpu.memory_space<vmem>> -> memref<1x125xi32, #tpu.memory_space<vmem>>
      %dma_start3A_83 = tpu.memref_squeeze %dma_start3A_82 : memref<1x125xi32, #tpu.memory_space<vmem>> -> memref<125xi32, #tpu.memory_space<vmem>>
      %dma_start3A_84 = arith.constant 0 : i32
      %dma_start3A_85 = tpu.memref_slice %arg8[%dma_start3A_84] : memref<10000xf32, #tpu.memory_space<vmem_shared>> -> memref<10000xf32, #tpu.memory_space<vmem_shared>>
      tpu.enqueue_indirect_dma source(%dma_start3A_80 : memref<125xf32, #tpu.memory_space<vmem>>) target(%dma_start3A_85 : memref<10000xf32, #tpu.memory_space<vmem_shared>>) offsets(%dma_start3A_83 : memref<125xi32, #tpu.memory_space<vmem>>) semaphore(%arg7 : memref<!tpu.dma_semaphore, #tpu.memory_space<semaphore_mem>>) {add = true}
    }
    %scan3A_63 = arith.constant 40 : i32
    %scan3A_64 = arith.constant 0 : i32
    %scan3A_65 = arith.constant 40 : i32
    %scan3A_66 = arith.addi %scan3A_64, %scan3A_65 : i32
    %scan3A_67 = arith.constant 1 : i32
    scf.for %scan3A_75 = %scan3A_64 to %scan3A_66 step %scan3A_67  : i32 {
      %mul3A_76 = arith.constant 1 : i32
      %mul3A_77 = arith.muli %scan3A_75, %mul3A_76 : i32
      %add3A_78 = arith.constant 0 : i32
      %add3A_79 = arith.addi %add3A_78, %mul3A_77 : i32
      %dma_wait3A = arith.constant 0 : i32
      %dma_wait3A_80 = tpu.memref_slice %arg5[%dma_wait3A] : memref<128xf32, #tpu.memory_space<vmem>> -> memref<125xf32, #tpu.memory_space<vmem>>
      %dma_wait3A_81 = arith.constant 0 : i32
      %dma_wait3A_82 = tpu.memref_slice %arg4[%add3A_79, %dma_wait3A_81] : memref<40x125xi32, #tpu.memory_space<vmem>> -> memref<1x125xi32, #tpu.memory_space<vmem>>
      %dma_wait3A_83 = tpu.memref_squeeze %dma_wait3A_82 : memref<1x125xi32, #tpu.memory_space<vmem>> -> memref<125xi32, #tpu.memory_space<vmem>>
      %dma_wait3A_84 = arith.constant 0 : i32
      %dma_wait3A_85 = tpu.memref_slice %arg8[%dma_wait3A_84] : memref<10000xf32, #tpu.memory_space<vmem_shared>> -> memref<10000xf32, #tpu.memory_space<vmem_shared>>
      tpu.wait_indirect_dma semaphore(%arg7 : memref<!tpu.dma_semaphore, #tpu.memory_space<semaphore_mem>>) src(%dma_wait3A_80 : memref<125xf32, #tpu.memory_space<vmem>>) dst(%dma_wait3A_85 : memref<10000xf32, #tpu.memory_space<vmem_shared>>)
    }
    %scan3A_68 = arith.constant 40 : i32
    %barrier3A_69 = arith.constant 0 : index
    tpu.barrier barrier_id(%barrier3A_69)
    %lt3A_70 = arith.constant 10 : i32
    %lt3A_71 = arith.cmpi slt, %arg1, %lt3A_70 : i32
    %convert_element_type3A_72 = arith.extui %lt3A_71 : i1 to i32
    %cond3A_73 = arith.constant 0 : i32
    %cond3A_74 = arith.cmpi ne, %convert_element_type3A_72, %cond3A_73 : i32
    scf.if %cond3A_74 {
      %mul3A_75 = arith.constant 1000 : i32
      %mul3A_76 = arith.muli %arg1, %mul3A_75 : i32
      "tpu.region"() ({
        %run_scoped3A_82 = tpu.sem_alloc : memref<!tpu.dma_semaphore, #tpu.memory_space<semaphore_mem>>
        %dma_start3A = tpu.memref_slice %arg8[%mul3A_76] : memref<10000xf32, #tpu.memory_space<vmem_shared>> -> memref<1000xf32, #tpu.memory_space<vmem_shared>>
        %dma_start3A_83 = tpu.memref_slice %arg8[%mul3A_76] : memref<10000xf32, #tpu.memory_space<vmem_shared>> -> memref<1000xf32, #tpu.memory_space<vmem_shared>>
        tpu.enqueue_dma source(%dma_start3A_83 : memref<1000xf32, #tpu.memory_space<vmem_shared>>) target(%arg6 : memref<1000xf32, #tpu.memory_space<vmem>>) target_semaphore(%run_scoped3A_82 : memref<!tpu.dma_semaphore, #tpu.memory_space<semaphore_mem>>)
        %dma_wait3A = tpu.memref_slice %arg8[%mul3A_76] : memref<10000xf32, #tpu.memory_space<vmem_shared>> -> memref<1000xf32, #tpu.memory_space<vmem_shared>>
        %dma_wait3A_84 = tpu.memref_slice %arg8[%mul3A_76] : memref<10000xf32, #tpu.memory_space<vmem_shared>> -> memref<1000xf32, #tpu.memory_space<vmem_shared>>
        tpu.wait_dma2 semaphore(%run_scoped3A_82 : memref<!tpu.dma_semaphore, #tpu.memory_space<semaphore_mem>>) src(%dma_wait3A_84 : memref<1000xf32, #tpu.memory_space<vmem_shared>>) dst(%arg6 : memref<1000xf32, #tpu.memory_space<vmem>>)
        tpu.yield
      }) : () -> ()
      %mul3A_77 = arith.constant 10000 : i32
      %mul3A_78 = arith.muli %arg0, %mul3A_77 : i32
      %mul3A_79 = arith.constant 1000 : i32
      %mul3A_80 = arith.muli %arg1, %mul3A_79 : i32
      %add3A_81 = arith.addi %mul3A_78, %mul3A_80 : i32
      "tpu.region"() ({
        %run_scoped3A_82 = tpu.sem_alloc : memref<!tpu.dma_semaphore, #tpu.memory_space<semaphore_mem>>
        %dma_start3A = tpu.memref_slice %arg3[%add3A_81] : memref<20000xf32, #tpu.memory_space<hbm>> -> memref<1000xf32, #tpu.memory_space<hbm>>
        %dma_start3A_83 = tpu.memref_slice %arg3[%add3A_81] : memref<20000xf32, #tpu.memory_space<hbm>> -> memref<1000xf32, #tpu.memory_space<hbm>>
        tpu.enqueue_dma source(%arg6 : memref<1000xf32, #tpu.memory_space<vmem>>) target(%dma_start3A_83 : memref<1000xf32, #tpu.memory_space<hbm>>) target_semaphore(%run_scoped3A_82 : memref<!tpu.dma_semaphore, #tpu.memory_space<semaphore_mem>>)
        %dma_wait3A = tpu.memref_slice %arg3[%add3A_81] : memref<20000xf32, #tpu.memory_space<hbm>> -> memref<1000xf32, #tpu.memory_space<hbm>>
        %dma_wait3A_84 = tpu.memref_slice %arg3[%add3A_81] : memref<20000xf32, #tpu.memory_space<hbm>> -> memref<1000xf32, #tpu.memory_space<hbm>>
        tpu.wait_dma2 semaphore(%run_scoped3A_82 : memref<!tpu.dma_semaphore, #tpu.memory_space<semaphore_mem>>) src(%arg6 : memref<1000xf32, #tpu.memory_space<vmem>>) dst(%dma_wait3A_84 : memref<1000xf32, #tpu.memory_space<hbm>>)
        tpu.yield
      }) : () -> ()
    } else {
    }
    return
  }
}

#map = affine_map<(d0, d1) -> (0, 0)>
#map1 = affine_map<(d0, d1) -> (0, 0, 0, 0)>
#map2 = affine_map<(d0, d1) -> (0, 0, 0)>
module attributes {stable_mosaic.version = 14 : i64} {
  func.func @_sc_aggregate(%arg0: i32, %arg1: i32, %arg2: memref<10000x128xf32, #tpu.memory_space<hbm>>, %arg3: memref<32x2x40x125xi32, #tpu.memory_space<hbm>>, %arg4: memref<32x2x40x125xi32, #tpu.memory_space<hbm>>, %arg5: memref<125x128xf32, #tpu.memory_space<hbm>>, %arg6: memref<2x10000x128xf32, #tpu.memory_space<hbm>>, %arg7: memref<40x125xi32, #tpu.memory_space<vmem>>, %arg8: memref<40x125xi32, #tpu.memory_space<vmem>>, %arg9: memref<125x128xf32, #tpu.memory_space<vmem>>, %arg10: memref<125x128xf32, #tpu.memory_space<vmem>>, %arg11: memref<!tpu.dma_semaphore, #tpu.memory_space<semaphore_mem>>, %arg12: memref<!tpu.dma_semaphore, #tpu.memory_space<semaphore_mem>>, %arg13: memref<10000x128xf32, #tpu.memory_space<vmem_shared>>) attributes {dimension_semantics = [#tpu.dimension_semantics<core_parallel>, #tpu.dimension_semantics<subcore_parallel>], iteration_bounds = array<i64: 2, 16>, scalar_prefetch = 0 : i64, scratch_operands = 7 : i64, tpu.core_type = #tpu.core_type<sc_vector_subcore>, window_params = [{transform_indices = #map}, {transform_indices = #map1}, {transform_indices = #map1}, {transform_indices = #map}, {transform_indices = #map2}]} {
    %mul3A = arith.constant 16 : i32
    %mul3A_0 = arith.muli %arg0, %mul3A : i32
    %add3A = arith.addi %mul3A_0, %arg1 : i32
    tpu.enqueue_dma source(%arg5 : memref<125x128xf32, #tpu.memory_space<hbm>>) target(%arg9 : memref<125x128xf32, #tpu.memory_space<vmem>>) target_semaphore(%arg11 : memref<!tpu.dma_semaphore, #tpu.memory_space<semaphore_mem>>)
    %run_scoped3A = arith.constant 0 : i32
    "tpu.region"() ({
      %run_scoped3A_229 = tpu.sem_alloc : memref<!tpu.dma_semaphore, #tpu.memory_space<semaphore_mem>>
      %dma_start3A_230 = arith.constant 0 : i32
      %dma_start3A_231 = arith.constant 0 : i32
      %dma_start3A_232 = tpu.memref_slice %arg3[%add3A, %run_scoped3A, %dma_start3A_230, %dma_start3A_231] : memref<32x2x40x125xi32, #tpu.memory_space<hbm>> -> memref<1x1x40x125xi32, #tpu.memory_space<hbm>>
      %dma_start3A_233 = tpu.memref_squeeze %dma_start3A_232 : memref<1x1x40x125xi32, #tpu.memory_space<hbm>> -> memref<40x125xi32, #tpu.memory_space<hbm>>
      %dma_start3A_234 = arith.constant 0 : i32
      %dma_start3A_235 = arith.constant 0 : i32
      %dma_start3A_236 = tpu.memref_slice %arg3[%add3A, %run_scoped3A, %dma_start3A_234, %dma_start3A_235] : memref<32x2x40x125xi32, #tpu.memory_space<hbm>> -> memref<1x1x40x125xi32, #tpu.memory_space<hbm>>
      %dma_start3A_237 = tpu.memref_squeeze %dma_start3A_236 : memref<1x1x40x125xi32, #tpu.memory_space<hbm>> -> memref<40x125xi32, #tpu.memory_space<hbm>>
      tpu.enqueue_dma source(%dma_start3A_237 : memref<40x125xi32, #tpu.memory_space<hbm>>) target(%arg7 : memref<40x125xi32, #tpu.memory_space<vmem>>) target_semaphore(%run_scoped3A_229 : memref<!tpu.dma_semaphore, #tpu.memory_space<semaphore_mem>>)
      %dma_wait3A_238 = arith.constant 0 : i32
      %dma_wait3A_239 = arith.constant 0 : i32
      %dma_wait3A_240 = tpu.memref_slice %arg3[%add3A, %run_scoped3A, %dma_wait3A_238, %dma_wait3A_239] : memref<32x2x40x125xi32, #tpu.memory_space<hbm>> -> memref<1x1x40x125xi32, #tpu.memory_space<hbm>>
      %dma_wait3A_241 = tpu.memref_squeeze %dma_wait3A_240 : memref<1x1x40x125xi32, #tpu.memory_space<hbm>> -> memref<40x125xi32, #tpu.memory_space<hbm>>
      %dma_wait3A_242 = arith.constant 0 : i32
      %dma_wait3A_243 = arith.constant 0 : i32
      %dma_wait3A_244 = tpu.memref_slice %arg3[%add3A, %run_scoped3A, %dma_wait3A_242, %dma_wait3A_243] : memref<32x2x40x125xi32, #tpu.memory_space<hbm>> -> memref<1x1x40x125xi32, #tpu.memory_space<hbm>>
      %dma_wait3A_245 = tpu.memref_squeeze %dma_wait3A_244 : memref<1x1x40x125xi32, #tpu.memory_space<hbm>> -> memref<40x125xi32, #tpu.memory_space<hbm>>
      tpu.wait_dma2 semaphore(%run_scoped3A_229 : memref<!tpu.dma_semaphore, #tpu.memory_space<semaphore_mem>>) src(%dma_wait3A_245 : memref<40x125xi32, #tpu.memory_space<hbm>>) dst(%arg7 : memref<40x125xi32, #tpu.memory_space<vmem>>)
      tpu.yield
    }) : () -> ()
    %run_scoped3A_1 = arith.constant 0 : i32
    "tpu.region"() ({
      %run_scoped3A_229 = tpu.sem_alloc : memref<!tpu.dma_semaphore, #tpu.memory_space<semaphore_mem>>
      %dma_start3A_230 = arith.constant 0 : i32
      %dma_start3A_231 = arith.constant 0 : i32
      %dma_start3A_232 = tpu.memref_slice %arg4[%add3A, %run_scoped3A_1, %dma_start3A_230, %dma_start3A_231] : memref<32x2x40x125xi32, #tpu.memory_space<hbm>> -> memref<1x1x40x125xi32, #tpu.memory_space<hbm>>
      %dma_start3A_233 = tpu.memref_squeeze %dma_start3A_232 : memref<1x1x40x125xi32, #tpu.memory_space<hbm>> -> memref<40x125xi32, #tpu.memory_space<hbm>>
      %dma_start3A_234 = arith.constant 0 : i32
      %dma_start3A_235 = arith.constant 0 : i32
      %dma_start3A_236 = tpu.memref_slice %arg4[%add3A, %run_scoped3A_1, %dma_start3A_234, %dma_start3A_235] : memref<32x2x40x125xi32, #tpu.memory_space<hbm>> -> memref<1x1x40x125xi32, #tpu.memory_space<hbm>>
      %dma_start3A_237 = tpu.memref_squeeze %dma_start3A_236 : memref<1x1x40x125xi32, #tpu.memory_space<hbm>> -> memref<40x125xi32, #tpu.memory_space<hbm>>
      tpu.enqueue_dma source(%dma_start3A_237 : memref<40x125xi32, #tpu.memory_space<hbm>>) target(%arg8 : memref<40x125xi32, #tpu.memory_space<vmem>>) target_semaphore(%run_scoped3A_229 : memref<!tpu.dma_semaphore, #tpu.memory_space<semaphore_mem>>)
      %dma_wait3A_238 = arith.constant 0 : i32
      %dma_wait3A_239 = arith.constant 0 : i32
      %dma_wait3A_240 = tpu.memref_slice %arg4[%add3A, %run_scoped3A_1, %dma_wait3A_238, %dma_wait3A_239] : memref<32x2x40x125xi32, #tpu.memory_space<hbm>> -> memref<1x1x40x125xi32, #tpu.memory_space<hbm>>
      %dma_wait3A_241 = tpu.memref_squeeze %dma_wait3A_240 : memref<1x1x40x125xi32, #tpu.memory_space<hbm>> -> memref<40x125xi32, #tpu.memory_space<hbm>>
      %dma_wait3A_242 = arith.constant 0 : i32
      %dma_wait3A_243 = arith.constant 0 : i32
      %dma_wait3A_244 = tpu.memref_slice %arg4[%add3A, %run_scoped3A_1, %dma_wait3A_242, %dma_wait3A_243] : memref<32x2x40x125xi32, #tpu.memory_space<hbm>> -> memref<1x1x40x125xi32, #tpu.memory_space<hbm>>
      %dma_wait3A_245 = tpu.memref_squeeze %dma_wait3A_244 : memref<1x1x40x125xi32, #tpu.memory_space<hbm>> -> memref<40x125xi32, #tpu.memory_space<hbm>>
      tpu.wait_dma2 semaphore(%run_scoped3A_229 : memref<!tpu.dma_semaphore, #tpu.memory_space<semaphore_mem>>) src(%dma_wait3A_245 : memref<40x125xi32, #tpu.memory_space<hbm>>) dst(%arg8 : memref<40x125xi32, #tpu.memory_space<vmem>>)
      tpu.yield
    }) : () -> ()
    tpu.wait_dma2 semaphore(%arg11 : memref<!tpu.dma_semaphore, #tpu.memory_space<semaphore_mem>>) src(%arg5 : memref<125x128xf32, #tpu.memory_space<hbm>>) dst(%arg9 : memref<125x128xf32, #tpu.memory_space<vmem>>)
    %mul3A_2 = arith.constant 624 : i32
    %mul3A_3 = arith.muli %arg1, %mul3A_2 : i32
    %add3A_4 = arith.constant 0 : i32
    %add3A_5 = arith.addi %mul3A_3, %add3A_4 : i32
    %dma_start3A = arith.constant 0 : i32
    %dma_start3A_6 = arith.constant 0 : i32
    %dma_start3A_7 = tpu.memref_slice %arg9[%dma_start3A, %dma_start3A_6] : memref<125x128xf32, #tpu.memory_space<vmem>> -> memref<104x128xf32, #tpu.memory_space<vmem>>
    %dma_start3A_8 = arith.constant 0 : i32
    %dma_start3A_9 = tpu.memref_slice %arg13[%add3A_5, %dma_start3A_8] : memref<10000x128xf32, #tpu.memory_space<vmem_shared>> -> memref<104x128xf32, #tpu.memory_space<vmem_shared>>
    %dma_start3A_10 = arith.constant 0 : i32
    %dma_start3A_11 = tpu.memref_slice %arg13[%add3A_5, %dma_start3A_10] : memref<10000x128xf32, #tpu.memory_space<vmem_shared>> -> memref<104x128xf32, #tpu.memory_space<vmem_shared>>
    %dma_start3A_12 = arith.constant 0 : i32
    %dma_start3A_13 = arith.constant 0 : i32
    %dma_start3A_14 = tpu.memref_slice %arg9[%dma_start3A_12, %dma_start3A_13] : memref<125x128xf32, #tpu.memory_space<vmem>> -> memref<104x128xf32, #tpu.memory_space<vmem>>
    tpu.enqueue_dma source(%dma_start3A_14 : memref<104x128xf32, #tpu.memory_space<vmem>>) target(%dma_start3A_11 : memref<104x128xf32, #tpu.memory_space<vmem_shared>>) target_semaphore(%arg11 : memref<!tpu.dma_semaphore, #tpu.memory_space<semaphore_mem>>)
    %add3A_15 = arith.constant 104 : i32
    %add3A_16 = arith.addi %mul3A_3, %add3A_15 : i32
    %dma_start3A_17 = arith.constant 0 : i32
    %dma_start3A_18 = arith.constant 0 : i32
    %dma_start3A_19 = tpu.memref_slice %arg9[%dma_start3A_17, %dma_start3A_18] : memref<125x128xf32, #tpu.memory_space<vmem>> -> memref<104x128xf32, #tpu.memory_space<vmem>>
    %dma_start3A_20 = arith.constant 0 : i32
    %dma_start3A_21 = tpu.memref_slice %arg13[%add3A_16, %dma_start3A_20] : memref<10000x128xf32, #tpu.memory_space<vmem_shared>> -> memref<104x128xf32, #tpu.memory_space<vmem_shared>>
    %dma_start3A_22 = arith.constant 0 : i32
    %dma_start3A_23 = tpu.memref_slice %arg13[%add3A_16, %dma_start3A_22] : memref<10000x128xf32, #tpu.memory_space<vmem_shared>> -> memref<104x128xf32, #tpu.memory_space<vmem_shared>>
    %dma_start3A_24 = arith.constant 0 : i32
    %dma_start3A_25 = arith.constant 0 : i32
    %dma_start3A_26 = tpu.memref_slice %arg9[%dma_start3A_24, %dma_start3A_25] : memref<125x128xf32, #tpu.memory_space<vmem>> -> memref<104x128xf32, #tpu.memory_space<vmem>>
    tpu.enqueue_dma source(%dma_start3A_26 : memref<104x128xf32, #tpu.memory_space<vmem>>) target(%dma_start3A_23 : memref<104x128xf32, #tpu.memory_space<vmem_shared>>) target_semaphore(%arg11 : memref<!tpu.dma_semaphore, #tpu.memory_space<semaphore_mem>>)
    %add3A_27 = arith.constant 208 : i32
    %add3A_28 = arith.addi %mul3A_3, %add3A_27 : i32
    %dma_start3A_29 = arith.constant 0 : i32
    %dma_start3A_30 = arith.constant 0 : i32
    %dma_start3A_31 = tpu.memref_slice %arg9[%dma_start3A_29, %dma_start3A_30] : memref<125x128xf32, #tpu.memory_space<vmem>> -> memref<104x128xf32, #tpu.memory_space<vmem>>
    %dma_start3A_32 = arith.constant 0 : i32
    %dma_start3A_33 = tpu.memref_slice %arg13[%add3A_28, %dma_start3A_32] : memref<10000x128xf32, #tpu.memory_space<vmem_shared>> -> memref<104x128xf32, #tpu.memory_space<vmem_shared>>
    %dma_start3A_34 = arith.constant 0 : i32
    %dma_start3A_35 = tpu.memref_slice %arg13[%add3A_28, %dma_start3A_34] : memref<10000x128xf32, #tpu.memory_space<vmem_shared>> -> memref<104x128xf32, #tpu.memory_space<vmem_shared>>
    %dma_start3A_36 = arith.constant 0 : i32
    %dma_start3A_37 = arith.constant 0 : i32
    %dma_start3A_38 = tpu.memref_slice %arg9[%dma_start3A_36, %dma_start3A_37] : memref<125x128xf32, #tpu.memory_space<vmem>> -> memref<104x128xf32, #tpu.memory_space<vmem>>
    tpu.enqueue_dma source(%dma_start3A_38 : memref<104x128xf32, #tpu.memory_space<vmem>>) target(%dma_start3A_35 : memref<104x128xf32, #tpu.memory_space<vmem_shared>>) target_semaphore(%arg11 : memref<!tpu.dma_semaphore, #tpu.memory_space<semaphore_mem>>)
    %add3A_39 = arith.constant 312 : i32
    %add3A_40 = arith.addi %mul3A_3, %add3A_39 : i32
    %dma_start3A_41 = arith.constant 0 : i32
    %dma_start3A_42 = arith.constant 0 : i32
    %dma_start3A_43 = tpu.memref_slice %arg9[%dma_start3A_41, %dma_start3A_42] : memref<125x128xf32, #tpu.memory_space<vmem>> -> memref<104x128xf32, #tpu.memory_space<vmem>>
    %dma_start3A_44 = arith.constant 0 : i32
    %dma_start3A_45 = tpu.memref_slice %arg13[%add3A_40, %dma_start3A_44] : memref<10000x128xf32, #tpu.memory_space<vmem_shared>> -> memref<104x128xf32, #tpu.memory_space<vmem_shared>>
    %dma_start3A_46 = arith.constant 0 : i32
    %dma_start3A_47 = tpu.memref_slice %arg13[%add3A_40, %dma_start3A_46] : memref<10000x128xf32, #tpu.memory_space<vmem_shared>> -> memref<104x128xf32, #tpu.memory_space<vmem_shared>>
    %dma_start3A_48 = arith.constant 0 : i32
    %dma_start3A_49 = arith.constant 0 : i32
    %dma_start3A_50 = tpu.memref_slice %arg9[%dma_start3A_48, %dma_start3A_49] : memref<125x128xf32, #tpu.memory_space<vmem>> -> memref<104x128xf32, #tpu.memory_space<vmem>>
    tpu.enqueue_dma source(%dma_start3A_50 : memref<104x128xf32, #tpu.memory_space<vmem>>) target(%dma_start3A_47 : memref<104x128xf32, #tpu.memory_space<vmem_shared>>) target_semaphore(%arg11 : memref<!tpu.dma_semaphore, #tpu.memory_space<semaphore_mem>>)
    %add3A_51 = arith.constant 416 : i32
    %add3A_52 = arith.addi %mul3A_3, %add3A_51 : i32
    %dma_start3A_53 = arith.constant 0 : i32
    %dma_start3A_54 = arith.constant 0 : i32
    %dma_start3A_55 = tpu.memref_slice %arg9[%dma_start3A_53, %dma_start3A_54] : memref<125x128xf32, #tpu.memory_space<vmem>> -> memref<104x128xf32, #tpu.memory_space<vmem>>
    %dma_start3A_56 = arith.constant 0 : i32
    %dma_start3A_57 = tpu.memref_slice %arg13[%add3A_52, %dma_start3A_56] : memref<10000x128xf32, #tpu.memory_space<vmem_shared>> -> memref<104x128xf32, #tpu.memory_space<vmem_shared>>
    %dma_start3A_58 = arith.constant 0 : i32
    %dma_start3A_59 = tpu.memref_slice %arg13[%add3A_52, %dma_start3A_58] : memref<10000x128xf32, #tpu.memory_space<vmem_shared>> -> memref<104x128xf32, #tpu.memory_space<vmem_shared>>
    %dma_start3A_60 = arith.constant 0 : i32
    %dma_start3A_61 = arith.constant 0 : i32
    %dma_start3A_62 = tpu.memref_slice %arg9[%dma_start3A_60, %dma_start3A_61] : memref<125x128xf32, #tpu.memory_space<vmem>> -> memref<104x128xf32, #tpu.memory_space<vmem>>
    tpu.enqueue_dma source(%dma_start3A_62 : memref<104x128xf32, #tpu.memory_space<vmem>>) target(%dma_start3A_59 : memref<104x128xf32, #tpu.memory_space<vmem_shared>>) target_semaphore(%arg11 : memref<!tpu.dma_semaphore, #tpu.memory_space<semaphore_mem>>)
    %add3A_63 = arith.constant 520 : i32
    %add3A_64 = arith.addi %mul3A_3, %add3A_63 : i32
    %dma_start3A_65 = arith.constant 0 : i32
    %dma_start3A_66 = arith.constant 0 : i32
    %dma_start3A_67 = tpu.memref_slice %arg9[%dma_start3A_65, %dma_start3A_66] : memref<125x128xf32, #tpu.memory_space<vmem>> -> memref<104x128xf32, #tpu.memory_space<vmem>>
    %dma_start3A_68 = arith.constant 0 : i32
    %dma_start3A_69 = tpu.memref_slice %arg13[%add3A_64, %dma_start3A_68] : memref<10000x128xf32, #tpu.memory_space<vmem_shared>> -> memref<104x128xf32, #tpu.memory_space<vmem_shared>>
    %dma_start3A_70 = arith.constant 0 : i32
    %dma_start3A_71 = tpu.memref_slice %arg13[%add3A_64, %dma_start3A_70] : memref<10000x128xf32, #tpu.memory_space<vmem_shared>> -> memref<104x128xf32, #tpu.memory_space<vmem_shared>>
    %dma_start3A_72 = arith.constant 0 : i32
    %dma_start3A_73 = arith.constant 0 : i32
    %dma_start3A_74 = tpu.memref_slice %arg9[%dma_start3A_72, %dma_start3A_73] : memref<125x128xf32, #tpu.memory_space<vmem>> -> memref<104x128xf32, #tpu.memory_space<vmem>>
    tpu.enqueue_dma source(%dma_start3A_74 : memref<104x128xf32, #tpu.memory_space<vmem>>) target(%dma_start3A_71 : memref<104x128xf32, #tpu.memory_space<vmem_shared>>) target_semaphore(%arg11 : memref<!tpu.dma_semaphore, #tpu.memory_space<semaphore_mem>>)
    %add3A_75 = arith.constant 0 : i32
    %add3A_76 = arith.addi %mul3A_3, %add3A_75 : i32
    %dma_wait3A = arith.constant 0 : i32
    %dma_wait3A_77 = arith.constant 0 : i32
    %dma_wait3A_78 = tpu.memref_slice %arg9[%dma_wait3A, %dma_wait3A_77] : memref<125x128xf32, #tpu.memory_space<vmem>> -> memref<104x128xf32, #tpu.memory_space<vmem>>
    %dma_wait3A_79 = arith.constant 0 : i32
    %dma_wait3A_80 = tpu.memref_slice %arg13[%add3A_76, %dma_wait3A_79] : memref<10000x128xf32, #tpu.memory_space<vmem_shared>> -> memref<104x128xf32, #tpu.memory_space<vmem_shared>>
    %dma_wait3A_81 = arith.constant 0 : i32
    %dma_wait3A_82 = tpu.memref_slice %arg13[%add3A_76, %dma_wait3A_81] : memref<10000x128xf32, #tpu.memory_space<vmem_shared>> -> memref<104x128xf32, #tpu.memory_space<vmem_shared>>
    %dma_wait3A_83 = arith.constant 0 : i32
    %dma_wait3A_84 = arith.constant 0 : i32
    %dma_wait3A_85 = tpu.memref_slice %arg9[%dma_wait3A_83, %dma_wait3A_84] : memref<125x128xf32, #tpu.memory_space<vmem>> -> memref<104x128xf32, #tpu.memory_space<vmem>>
    tpu.wait_dma2 semaphore(%arg11 : memref<!tpu.dma_semaphore, #tpu.memory_space<semaphore_mem>>) src(%dma_wait3A_85 : memref<104x128xf32, #tpu.memory_space<vmem>>) dst(%dma_wait3A_82 : memref<104x128xf32, #tpu.memory_space<vmem_shared>>)
    %add3A_86 = arith.constant 104 : i32
    %add3A_87 = arith.addi %mul3A_3, %add3A_86 : i32
    %dma_wait3A_88 = arith.constant 0 : i32
    %dma_wait3A_89 = arith.constant 0 : i32
    %dma_wait3A_90 = tpu.memref_slice %arg9[%dma_wait3A_88, %dma_wait3A_89] : memref<125x128xf32, #tpu.memory_space<vmem>> -> memref<104x128xf32, #tpu.memory_space<vmem>>
    %dma_wait3A_91 = arith.constant 0 : i32
    %dma_wait3A_92 = tpu.memref_slice %arg13[%add3A_87, %dma_wait3A_91] : memref<10000x128xf32, #tpu.memory_space<vmem_shared>> -> memref<104x128xf32, #tpu.memory_space<vmem_shared>>
    %dma_wait3A_93 = arith.constant 0 : i32
    %dma_wait3A_94 = tpu.memref_slice %arg13[%add3A_87, %dma_wait3A_93] : memref<10000x128xf32, #tpu.memory_space<vmem_shared>> -> memref<104x128xf32, #tpu.memory_space<vmem_shared>>
    %dma_wait3A_95 = arith.constant 0 : i32
    %dma_wait3A_96 = arith.constant 0 : i32
    %dma_wait3A_97 = tpu.memref_slice %arg9[%dma_wait3A_95, %dma_wait3A_96] : memref<125x128xf32, #tpu.memory_space<vmem>> -> memref<104x128xf32, #tpu.memory_space<vmem>>
    tpu.wait_dma2 semaphore(%arg11 : memref<!tpu.dma_semaphore, #tpu.memory_space<semaphore_mem>>) src(%dma_wait3A_97 : memref<104x128xf32, #tpu.memory_space<vmem>>) dst(%dma_wait3A_94 : memref<104x128xf32, #tpu.memory_space<vmem_shared>>)
    %add3A_98 = arith.constant 208 : i32
    %add3A_99 = arith.addi %mul3A_3, %add3A_98 : i32
    %dma_wait3A_100 = arith.constant 0 : i32
    %dma_wait3A_101 = arith.constant 0 : i32
    %dma_wait3A_102 = tpu.memref_slice %arg9[%dma_wait3A_100, %dma_wait3A_101] : memref<125x128xf32, #tpu.memory_space<vmem>> -> memref<104x128xf32, #tpu.memory_space<vmem>>
    %dma_wait3A_103 = arith.constant 0 : i32
    %dma_wait3A_104 = tpu.memref_slice %arg13[%add3A_99, %dma_wait3A_103] : memref<10000x128xf32, #tpu.memory_space<vmem_shared>> -> memref<104x128xf32, #tpu.memory_space<vmem_shared>>
    %dma_wait3A_105 = arith.constant 0 : i32
    %dma_wait3A_106 = tpu.memref_slice %arg13[%add3A_99, %dma_wait3A_105] : memref<10000x128xf32, #tpu.memory_space<vmem_shared>> -> memref<104x128xf32, #tpu.memory_space<vmem_shared>>
    %dma_wait3A_107 = arith.constant 0 : i32
    %dma_wait3A_108 = arith.constant 0 : i32
    %dma_wait3A_109 = tpu.memref_slice %arg9[%dma_wait3A_107, %dma_wait3A_108] : memref<125x128xf32, #tpu.memory_space<vmem>> -> memref<104x128xf32, #tpu.memory_space<vmem>>
    tpu.wait_dma2 semaphore(%arg11 : memref<!tpu.dma_semaphore, #tpu.memory_space<semaphore_mem>>) src(%dma_wait3A_109 : memref<104x128xf32, #tpu.memory_space<vmem>>) dst(%dma_wait3A_106 : memref<104x128xf32, #tpu.memory_space<vmem_shared>>)
    %add3A_110 = arith.constant 312 : i32
    %add3A_111 = arith.addi %mul3A_3, %add3A_110 : i32
    %dma_wait3A_112 = arith.constant 0 : i32
    %dma_wait3A_113 = arith.constant 0 : i32
    %dma_wait3A_114 = tpu.memref_slice %arg9[%dma_wait3A_112, %dma_wait3A_113] : memref<125x128xf32, #tpu.memory_space<vmem>> -> memref<104x128xf32, #tpu.memory_space<vmem>>
    %dma_wait3A_115 = arith.constant 0 : i32
    %dma_wait3A_116 = tpu.memref_slice %arg13[%add3A_111, %dma_wait3A_115] : memref<10000x128xf32, #tpu.memory_space<vmem_shared>> -> memref<104x128xf32, #tpu.memory_space<vmem_shared>>
    %dma_wait3A_117 = arith.constant 0 : i32
    %dma_wait3A_118 = tpu.memref_slice %arg13[%add3A_111, %dma_wait3A_117] : memref<10000x128xf32, #tpu.memory_space<vmem_shared>> -> memref<104x128xf32, #tpu.memory_space<vmem_shared>>
    %dma_wait3A_119 = arith.constant 0 : i32
    %dma_wait3A_120 = arith.constant 0 : i32
    %dma_wait3A_121 = tpu.memref_slice %arg9[%dma_wait3A_119, %dma_wait3A_120] : memref<125x128xf32, #tpu.memory_space<vmem>> -> memref<104x128xf32, #tpu.memory_space<vmem>>
    tpu.wait_dma2 semaphore(%arg11 : memref<!tpu.dma_semaphore, #tpu.memory_space<semaphore_mem>>) src(%dma_wait3A_121 : memref<104x128xf32, #tpu.memory_space<vmem>>) dst(%dma_wait3A_118 : memref<104x128xf32, #tpu.memory_space<vmem_shared>>)
    %add3A_122 = arith.constant 416 : i32
    %add3A_123 = arith.addi %mul3A_3, %add3A_122 : i32
    %dma_wait3A_124 = arith.constant 0 : i32
    %dma_wait3A_125 = arith.constant 0 : i32
    %dma_wait3A_126 = tpu.memref_slice %arg9[%dma_wait3A_124, %dma_wait3A_125] : memref<125x128xf32, #tpu.memory_space<vmem>> -> memref<104x128xf32, #tpu.memory_space<vmem>>
    %dma_wait3A_127 = arith.constant 0 : i32
    %dma_wait3A_128 = tpu.memref_slice %arg13[%add3A_123, %dma_wait3A_127] : memref<10000x128xf32, #tpu.memory_space<vmem_shared>> -> memref<104x128xf32, #tpu.memory_space<vmem_shared>>
    %dma_wait3A_129 = arith.constant 0 : i32
    %dma_wait3A_130 = tpu.memref_slice %arg13[%add3A_123, %dma_wait3A_129] : memref<10000x128xf32, #tpu.memory_space<vmem_shared>> -> memref<104x128xf32, #tpu.memory_space<vmem_shared>>
    %dma_wait3A_131 = arith.constant 0 : i32
    %dma_wait3A_132 = arith.constant 0 : i32
    %dma_wait3A_133 = tpu.memref_slice %arg9[%dma_wait3A_131, %dma_wait3A_132] : memref<125x128xf32, #tpu.memory_space<vmem>> -> memref<104x128xf32, #tpu.memory_space<vmem>>
    tpu.wait_dma2 semaphore(%arg11 : memref<!tpu.dma_semaphore, #tpu.memory_space<semaphore_mem>>) src(%dma_wait3A_133 : memref<104x128xf32, #tpu.memory_space<vmem>>) dst(%dma_wait3A_130 : memref<104x128xf32, #tpu.memory_space<vmem_shared>>)
    %add3A_134 = arith.constant 520 : i32
    %add3A_135 = arith.addi %mul3A_3, %add3A_134 : i32
    %dma_wait3A_136 = arith.constant 0 : i32
    %dma_wait3A_137 = arith.constant 0 : i32
    %dma_wait3A_138 = tpu.memref_slice %arg9[%dma_wait3A_136, %dma_wait3A_137] : memref<125x128xf32, #tpu.memory_space<vmem>> -> memref<104x128xf32, #tpu.memory_space<vmem>>
    %dma_wait3A_139 = arith.constant 0 : i32
    %dma_wait3A_140 = tpu.memref_slice %arg13[%add3A_135, %dma_wait3A_139] : memref<10000x128xf32, #tpu.memory_space<vmem_shared>> -> memref<104x128xf32, #tpu.memory_space<vmem_shared>>
    %dma_wait3A_141 = arith.constant 0 : i32
    %dma_wait3A_142 = tpu.memref_slice %arg13[%add3A_135, %dma_wait3A_141] : memref<10000x128xf32, #tpu.memory_space<vmem_shared>> -> memref<104x128xf32, #tpu.memory_space<vmem_shared>>
    %dma_wait3A_143 = arith.constant 0 : i32
    %dma_wait3A_144 = arith.constant 0 : i32
    %dma_wait3A_145 = tpu.memref_slice %arg9[%dma_wait3A_143, %dma_wait3A_144] : memref<125x128xf32, #tpu.memory_space<vmem>> -> memref<104x128xf32, #tpu.memory_space<vmem>>
    tpu.wait_dma2 semaphore(%arg11 : memref<!tpu.dma_semaphore, #tpu.memory_space<semaphore_mem>>) src(%dma_wait3A_145 : memref<104x128xf32, #tpu.memory_space<vmem>>) dst(%dma_wait3A_142 : memref<104x128xf32, #tpu.memory_space<vmem_shared>>)
    %eq3A = arith.constant 15 : i32
    %eq3A_146 = arith.cmpi eq, %arg1, %eq3A : i32
    %convert_element_type3A = arith.extui %eq3A_146 : i1 to i32
    %cond3A = arith.constant 0 : i32
    %cond3A_147 = arith.cmpi ne, %convert_element_type3A, %cond3A : i32
    scf.if %cond3A_147 {
      "tpu.region"() ({
        %run_scoped3A_229 = tpu.sem_alloc : memref<!tpu.dma_semaphore, #tpu.memory_space<semaphore_mem>>
        %dma_start3A_230 = arith.constant 0 : i32
        %dma_start3A_231 = arith.constant 0 : i32
        %dma_start3A_232 = tpu.memref_slice %arg9[%dma_start3A_230, %dma_start3A_231] : memref<125x128xf32, #tpu.memory_space<vmem>> -> memref<16x128xf32, #tpu.memory_space<vmem>>
        %dma_start3A_233 = arith.constant 9984 : i32
        %dma_start3A_234 = arith.constant 0 : i32
        %dma_start3A_235 = tpu.memref_slice %arg13[%dma_start3A_233, %dma_start3A_234] : memref<10000x128xf32, #tpu.memory_space<vmem_shared>> -> memref<16x128xf32, #tpu.memory_space<vmem_shared>>
        %dma_start3A_236 = arith.constant 9984 : i32
        %dma_start3A_237 = arith.constant 0 : i32
        %dma_start3A_238 = tpu.memref_slice %arg13[%dma_start3A_236, %dma_start3A_237] : memref<10000x128xf32, #tpu.memory_space<vmem_shared>> -> memref<16x128xf32, #tpu.memory_space<vmem_shared>>
        %dma_start3A_239 = arith.constant 0 : i32
        %dma_start3A_240 = arith.constant 0 : i32
        %dma_start3A_241 = tpu.memref_slice %arg9[%dma_start3A_239, %dma_start3A_240] : memref<125x128xf32, #tpu.memory_space<vmem>> -> memref<16x128xf32, #tpu.memory_space<vmem>>
        tpu.enqueue_dma source(%dma_start3A_241 : memref<16x128xf32, #tpu.memory_space<vmem>>) target(%dma_start3A_238 : memref<16x128xf32, #tpu.memory_space<vmem_shared>>) target_semaphore(%run_scoped3A_229 : memref<!tpu.dma_semaphore, #tpu.memory_space<semaphore_mem>>)
        %dma_wait3A_242 = arith.constant 0 : i32
        %dma_wait3A_243 = arith.constant 0 : i32
        %dma_wait3A_244 = tpu.memref_slice %arg9[%dma_wait3A_242, %dma_wait3A_243] : memref<125x128xf32, #tpu.memory_space<vmem>> -> memref<16x128xf32, #tpu.memory_space<vmem>>
        %dma_wait3A_245 = arith.constant 9984 : i32
        %dma_wait3A_246 = arith.constant 0 : i32
        %dma_wait3A_247 = tpu.memref_slice %arg13[%dma_wait3A_245, %dma_wait3A_246] : memref<10000x128xf32, #tpu.memory_space<vmem_shared>> -> memref<16x128xf32, #tpu.memory_space<vmem_shared>>
        %dma_wait3A_248 = arith.constant 9984 : i32
        %dma_wait3A_249 = arith.constant 0 : i32
        %dma_wait3A_250 = tpu.memref_slice %arg13[%dma_wait3A_248, %dma_wait3A_249] : memref<10000x128xf32, #tpu.memory_space<vmem_shared>> -> memref<16x128xf32, #tpu.memory_space<vmem_shared>>
        %dma_wait3A_251 = arith.constant 0 : i32
        %dma_wait3A_252 = arith.constant 0 : i32
        %dma_wait3A_253 = tpu.memref_slice %arg9[%dma_wait3A_251, %dma_wait3A_252] : memref<125x128xf32, #tpu.memory_space<vmem>> -> memref<16x128xf32, #tpu.memory_space<vmem>>
        tpu.wait_dma2 semaphore(%run_scoped3A_229 : memref<!tpu.dma_semaphore, #tpu.memory_space<semaphore_mem>>) src(%dma_wait3A_253 : memref<16x128xf32, #tpu.memory_space<vmem>>) dst(%dma_wait3A_250 : memref<16x128xf32, #tpu.memory_space<vmem_shared>>)
        tpu.yield
      }) : () -> ()
    } else {
    }
    %barrier3A = arith.constant 0 : index
    tpu.barrier barrier_id(%barrier3A)
    %dma_start3A_148 = arith.constant 0 : i32
    %dma_start3A_149 = arith.constant 0 : i32
    %dma_start3A_150 = tpu.memref_slice %arg7[%dma_start3A_148, %dma_start3A_149] : memref<40x125xi32, #tpu.memory_space<vmem>> -> memref<1x125xi32, #tpu.memory_space<vmem>>
    %dma_start3A_151 = tpu.memref_squeeze %dma_start3A_150 : memref<1x125xi32, #tpu.memory_space<vmem>> -> memref<125xi32, #tpu.memory_space<vmem>>
    %dma_start3A_152 = arith.constant 0 : i32
    %dma_start3A_153 = arith.constant 0 : i32
    %dma_start3A_154 = tpu.memref_slice %arg2[%dma_start3A_152, %dma_start3A_153] : memref<10000x128xf32, #tpu.memory_space<hbm>> -> memref<10000x128xf32, #tpu.memory_space<hbm>>
    tpu.enqueue_indirect_dma source(%dma_start3A_154 : memref<10000x128xf32, #tpu.memory_space<hbm>>) target(%arg9 : memref<125x128xf32, #tpu.memory_space<vmem>>) offsets(%dma_start3A_151 : memref<125xi32, #tpu.memory_space<vmem>>) semaphore(%arg11 : memref<!tpu.dma_semaphore, #tpu.memory_space<semaphore_mem>>)
    %scan3A = arith.constant 0 : i32
    %scan3A_155 = arith.constant 19 : i32
    %scan3A_156 = arith.addi %scan3A, %scan3A_155 : i32
    %scan3A_157 = arith.constant 1 : i32
    scf.for %scan3A_229 = %scan3A to %scan3A_156 step %scan3A_157  : i32 {
      %mul3A_230 = arith.constant 1 : i32
      %mul3A_231 = arith.muli %scan3A_229, %mul3A_230 : i32
      %add3A_232 = arith.constant 0 : i32
      %add3A_233 = arith.addi %add3A_232, %mul3A_231 : i32
      %mul3A_234 = arith.constant 2 : i32
      %mul3A_235 = arith.muli %mul3A_234, %add3A_233 : i32
      %add3A_236 = arith.constant 1 : i32
      %add3A_237 = arith.addi %mul3A_235, %add3A_236 : i32
      %dma_start3A_238 = arith.constant 0 : i32
      %dma_start3A_239 = tpu.memref_slice %arg7[%add3A_237, %dma_start3A_238] : memref<40x125xi32, #tpu.memory_space<vmem>> -> memref<1x125xi32, #tpu.memory_space<vmem>>
      %dma_start3A_240 = tpu.memref_squeeze %dma_start3A_239 : memref<1x125xi32, #tpu.memory_space<vmem>> -> memref<125xi32, #tpu.memory_space<vmem>>
      %dma_start3A_241 = arith.constant 0 : i32
      %dma_start3A_242 = arith.constant 0 : i32
      %dma_start3A_243 = tpu.memref_slice %arg2[%dma_start3A_241, %dma_start3A_242] : memref<10000x128xf32, #tpu.memory_space<hbm>> -> memref<10000x128xf32, #tpu.memory_space<hbm>>
      tpu.enqueue_indirect_dma source(%dma_start3A_243 : memref<10000x128xf32, #tpu.memory_space<hbm>>) target(%arg10 : memref<125x128xf32, #tpu.memory_space<vmem>>) offsets(%dma_start3A_240 : memref<125xi32, #tpu.memory_space<vmem>>) semaphore(%arg12 : memref<!tpu.dma_semaphore, #tpu.memory_space<semaphore_mem>>)
      %dma_wait3A_244 = arith.constant 0 : i32
      %dma_wait3A_245 = tpu.memref_slice %arg7[%mul3A_235, %dma_wait3A_244] : memref<40x125xi32, #tpu.memory_space<vmem>> -> memref<1x125xi32, #tpu.memory_space<vmem>>
      %dma_wait3A_246 = tpu.memref_squeeze %dma_wait3A_245 : memref<1x125xi32, #tpu.memory_space<vmem>> -> memref<125xi32, #tpu.memory_space<vmem>>
      %dma_wait3A_247 = arith.constant 0 : i32
      %dma_wait3A_248 = arith.constant 0 : i32
      %dma_wait3A_249 = tpu.memref_slice %arg2[%dma_wait3A_247, %dma_wait3A_248] : memref<10000x128xf32, #tpu.memory_space<hbm>> -> memref<10000x128xf32, #tpu.memory_space<hbm>>
      tpu.wait_indirect_dma semaphore(%arg11 : memref<!tpu.dma_semaphore, #tpu.memory_space<semaphore_mem>>) src(%dma_wait3A_249 : memref<10000x128xf32, #tpu.memory_space<hbm>>) dst(%arg9 : memref<125x128xf32, #tpu.memory_space<vmem>>)
      "tpu.region"() ({
        %run_scoped3A_268 = tpu.sem_alloc : memref<!tpu.dma_semaphore, #tpu.memory_space<semaphore_mem>>
        %dma_start3A_269 = arith.constant 0 : i32
        %dma_start3A_270 = tpu.memref_slice %arg8[%mul3A_235, %dma_start3A_269] : memref<40x125xi32, #tpu.memory_space<vmem>> -> memref<1x125xi32, #tpu.memory_space<vmem>>
        %dma_start3A_271 = tpu.memref_squeeze %dma_start3A_270 : memref<1x125xi32, #tpu.memory_space<vmem>> -> memref<125xi32, #tpu.memory_space<vmem>>
        %dma_start3A_272 = arith.constant 0 : i32
        %dma_start3A_273 = arith.constant 0 : i32
        %dma_start3A_274 = tpu.memref_slice %arg13[%dma_start3A_272, %dma_start3A_273] : memref<10000x128xf32, #tpu.memory_space<vmem_shared>> -> memref<10000x128xf32, #tpu.memory_space<vmem_shared>>
        tpu.enqueue_indirect_dma source(%arg9 : memref<125x128xf32, #tpu.memory_space<vmem>>) target(%dma_start3A_274 : memref<10000x128xf32, #tpu.memory_space<vmem_shared>>) offsets(%dma_start3A_271 : memref<125xi32, #tpu.memory_space<vmem>>) semaphore(%run_scoped3A_268 : memref<!tpu.dma_semaphore, #tpu.memory_space<semaphore_mem>>) {add = true}
        %dma_wait3A_275 = arith.constant 0 : i32
        %dma_wait3A_276 = tpu.memref_slice %arg8[%mul3A_235, %dma_wait3A_275] : memref<40x125xi32, #tpu.memory_space<vmem>> -> memref<1x125xi32, #tpu.memory_space<vmem>>
        %dma_wait3A_277 = tpu.memref_squeeze %dma_wait3A_276 : memref<1x125xi32, #tpu.memory_space<vmem>> -> memref<125xi32, #tpu.memory_space<vmem>>
        %dma_wait3A_278 = arith.constant 0 : i32
        %dma_wait3A_279 = arith.constant 0 : i32
        %dma_wait3A_280 = tpu.memref_slice %arg13[%dma_wait3A_278, %dma_wait3A_279] : memref<10000x128xf32, #tpu.memory_space<vmem_shared>> -> memref<10000x128xf32, #tpu.memory_space<vmem_shared>>
        tpu.wait_indirect_dma semaphore(%run_scoped3A_268 : memref<!tpu.dma_semaphore, #tpu.memory_space<semaphore_mem>>) src(%arg9 : memref<125x128xf32, #tpu.memory_space<vmem>>) dst(%dma_wait3A_280 : memref<10000x128xf32, #tpu.memory_space<vmem_shared>>)
        tpu.yield
      }) : () -> ()
      %add3A_250 = arith.constant 2 : i32
      %add3A_251 = arith.addi %mul3A_235, %add3A_250 : i32
      %dma_start3A_252 = arith.constant 0 : i32
      %dma_start3A_253 = tpu.memref_slice %arg7[%add3A_251, %dma_start3A_252] : memref<40x125xi32, #tpu.memory_space<vmem>> -> memref<1x125xi32, #tpu.memory_space<vmem>>
      %dma_start3A_254 = tpu.memref_squeeze %dma_start3A_253 : memref<1x125xi32, #tpu.memory_space<vmem>> -> memref<125xi32, #tpu.memory_space<vmem>>
      %dma_start3A_255 = arith.constant 0 : i32
      %dma_start3A_256 = arith.constant 0 : i32
      %dma_start3A_257 = tpu.memref_slice %arg2[%dma_start3A_255, %dma_start3A_256] : memref<10000x128xf32, #tpu.memory_space<hbm>> -> memref<10000x128xf32, #tpu.memory_space<hbm>>
      tpu.enqueue_indirect_dma source(%dma_start3A_257 : memref<10000x128xf32, #tpu.memory_space<hbm>>) target(%arg9 : memref<125x128xf32, #tpu.memory_space<vmem>>) offsets(%dma_start3A_254 : memref<125xi32, #tpu.memory_space<vmem>>) semaphore(%arg11 : memref<!tpu.dma_semaphore, #tpu.memory_space<semaphore_mem>>)
      %add3A_258 = arith.constant 1 : i32
      %add3A_259 = arith.addi %mul3A_235, %add3A_258 : i32
      %dma_wait3A_260 = arith.constant 0 : i32
      %dma_wait3A_261 = tpu.memref_slice %arg7[%add3A_259, %dma_wait3A_260] : memref<40x125xi32, #tpu.memory_space<vmem>> -> memref<1x125xi32, #tpu.memory_space<vmem>>
      %dma_wait3A_262 = tpu.memref_squeeze %dma_wait3A_261 : memref<1x125xi32, #tpu.memory_space<vmem>> -> memref<125xi32, #tpu.memory_space<vmem>>
      %dma_wait3A_263 = arith.constant 0 : i32
      %dma_wait3A_264 = arith.constant 0 : i32
      %dma_wait3A_265 = tpu.memref_slice %arg2[%dma_wait3A_263, %dma_wait3A_264] : memref<10000x128xf32, #tpu.memory_space<hbm>> -> memref<10000x128xf32, #tpu.memory_space<hbm>>
      tpu.wait_indirect_dma semaphore(%arg12 : memref<!tpu.dma_semaphore, #tpu.memory_space<semaphore_mem>>) src(%dma_wait3A_265 : memref<10000x128xf32, #tpu.memory_space<hbm>>) dst(%arg10 : memref<125x128xf32, #tpu.memory_space<vmem>>)
      %add3A_266 = arith.constant 1 : i32
      %add3A_267 = arith.addi %mul3A_235, %add3A_266 : i32
      "tpu.region"() ({
        %run_scoped3A_268 = tpu.sem_alloc : memref<!tpu.dma_semaphore, #tpu.memory_space<semaphore_mem>>
        %dma_start3A_269 = arith.constant 0 : i32
        %dma_start3A_270 = tpu.memref_slice %arg8[%add3A_267, %dma_start3A_269] : memref<40x125xi32, #tpu.memory_space<vmem>> -> memref<1x125xi32, #tpu.memory_space<vmem>>
        %dma_start3A_271 = tpu.memref_squeeze %dma_start3A_270 : memref<1x125xi32, #tpu.memory_space<vmem>> -> memref<125xi32, #tpu.memory_space<vmem>>
        %dma_start3A_272 = arith.constant 0 : i32
        %dma_start3A_273 = arith.constant 0 : i32
        %dma_start3A_274 = tpu.memref_slice %arg13[%dma_start3A_272, %dma_start3A_273] : memref<10000x128xf32, #tpu.memory_space<vmem_shared>> -> memref<10000x128xf32, #tpu.memory_space<vmem_shared>>
        tpu.enqueue_indirect_dma source(%arg10 : memref<125x128xf32, #tpu.memory_space<vmem>>) target(%dma_start3A_274 : memref<10000x128xf32, #tpu.memory_space<vmem_shared>>) offsets(%dma_start3A_271 : memref<125xi32, #tpu.memory_space<vmem>>) semaphore(%run_scoped3A_268 : memref<!tpu.dma_semaphore, #tpu.memory_space<semaphore_mem>>) {add = true}
        %dma_wait3A_275 = arith.constant 0 : i32
        %dma_wait3A_276 = tpu.memref_slice %arg8[%add3A_267, %dma_wait3A_275] : memref<40x125xi32, #tpu.memory_space<vmem>> -> memref<1x125xi32, #tpu.memory_space<vmem>>
        %dma_wait3A_277 = tpu.memref_squeeze %dma_wait3A_276 : memref<1x125xi32, #tpu.memory_space<vmem>> -> memref<125xi32, #tpu.memory_space<vmem>>
        %dma_wait3A_278 = arith.constant 0 : i32
        %dma_wait3A_279 = arith.constant 0 : i32
        %dma_wait3A_280 = tpu.memref_slice %arg13[%dma_wait3A_278, %dma_wait3A_279] : memref<10000x128xf32, #tpu.memory_space<vmem_shared>> -> memref<10000x128xf32, #tpu.memory_space<vmem_shared>>
        tpu.wait_indirect_dma semaphore(%run_scoped3A_268 : memref<!tpu.dma_semaphore, #tpu.memory_space<semaphore_mem>>) src(%arg10 : memref<125x128xf32, #tpu.memory_space<vmem>>) dst(%dma_wait3A_280 : memref<10000x128xf32, #tpu.memory_space<vmem_shared>>)
        tpu.yield
      }) : () -> ()
    }
    %scan3A_158 = arith.constant 19 : i32
    %dma_start3A_159 = arith.constant 39 : i32
    %dma_start3A_160 = arith.constant 0 : i32
    %dma_start3A_161 = tpu.memref_slice %arg7[%dma_start3A_159, %dma_start3A_160] : memref<40x125xi32, #tpu.memory_space<vmem>> -> memref<1x125xi32, #tpu.memory_space<vmem>>
    %dma_start3A_162 = tpu.memref_squeeze %dma_start3A_161 : memref<1x125xi32, #tpu.memory_space<vmem>> -> memref<125xi32, #tpu.memory_space<vmem>>
    %dma_start3A_163 = arith.constant 0 : i32
    %dma_start3A_164 = arith.constant 0 : i32
    %dma_start3A_165 = tpu.memref_slice %arg2[%dma_start3A_163, %dma_start3A_164] : memref<10000x128xf32, #tpu.memory_space<hbm>> -> memref<10000x128xf32, #tpu.memory_space<hbm>>
    tpu.enqueue_indirect_dma source(%dma_start3A_165 : memref<10000x128xf32, #tpu.memory_space<hbm>>) target(%arg10 : memref<125x128xf32, #tpu.memory_space<vmem>>) offsets(%dma_start3A_162 : memref<125xi32, #tpu.memory_space<vmem>>) semaphore(%arg12 : memref<!tpu.dma_semaphore, #tpu.memory_space<semaphore_mem>>)
    %dma_wait3A_166 = arith.constant 38 : i32
    %dma_wait3A_167 = arith.constant 0 : i32
    %dma_wait3A_168 = tpu.memref_slice %arg7[%dma_wait3A_166, %dma_wait3A_167] : memref<40x125xi32, #tpu.memory_space<vmem>> -> memref<1x125xi32, #tpu.memory_space<vmem>>
    %dma_wait3A_169 = tpu.memref_squeeze %dma_wait3A_168 : memref<1x125xi32, #tpu.memory_space<vmem>> -> memref<125xi32, #tpu.memory_space<vmem>>
    %dma_wait3A_170 = arith.constant 0 : i32
    %dma_wait3A_171 = arith.constant 0 : i32
    %dma_wait3A_172 = tpu.memref_slice %arg2[%dma_wait3A_170, %dma_wait3A_171] : memref<10000x128xf32, #tpu.memory_space<hbm>> -> memref<10000x128xf32, #tpu.memory_space<hbm>>
    tpu.wait_indirect_dma semaphore(%arg11 : memref<!tpu.dma_semaphore, #tpu.memory_space<semaphore_mem>>) src(%dma_wait3A_172 : memref<10000x128xf32, #tpu.memory_space<hbm>>) dst(%arg9 : memref<125x128xf32, #tpu.memory_space<vmem>>)
    %run_scoped3A_173 = arith.constant 38 : i32
    "tpu.region"() ({
      %run_scoped3A_229 = tpu.sem_alloc : memref<!tpu.dma_semaphore, #tpu.memory_space<semaphore_mem>>
      %dma_start3A_230 = arith.constant 0 : i32
      %dma_start3A_231 = tpu.memref_slice %arg8[%run_scoped3A_173, %dma_start3A_230] : memref<40x125xi32, #tpu.memory_space<vmem>> -> memref<1x125xi32, #tpu.memory_space<vmem>>
      %dma_start3A_232 = tpu.memref_squeeze %dma_start3A_231 : memref<1x125xi32, #tpu.memory_space<vmem>> -> memref<125xi32, #tpu.memory_space<vmem>>
      %dma_start3A_233 = arith.constant 0 : i32
      %dma_start3A_234 = arith.constant 0 : i32
      %dma_start3A_235 = tpu.memref_slice %arg13[%dma_start3A_233, %dma_start3A_234] : memref<10000x128xf32, #tpu.memory_space<vmem_shared>> -> memref<10000x128xf32, #tpu.memory_space<vmem_shared>>
      tpu.enqueue_indirect_dma source(%arg9 : memref<125x128xf32, #tpu.memory_space<vmem>>) target(%dma_start3A_235 : memref<10000x128xf32, #tpu.memory_space<vmem_shared>>) offsets(%dma_start3A_232 : memref<125xi32, #tpu.memory_space<vmem>>) semaphore(%run_scoped3A_229 : memref<!tpu.dma_semaphore, #tpu.memory_space<semaphore_mem>>) {add = true}
      %dma_wait3A_236 = arith.constant 0 : i32
      %dma_wait3A_237 = tpu.memref_slice %arg8[%run_scoped3A_173, %dma_wait3A_236] : memref<40x125xi32, #tpu.memory_space<vmem>> -> memref<1x125xi32, #tpu.memory_space<vmem>>
      %dma_wait3A_238 = tpu.memref_squeeze %dma_wait3A_237 : memref<1x125xi32, #tpu.memory_space<vmem>> -> memref<125xi32, #tpu.memory_space<vmem>>
      %dma_wait3A_239 = arith.constant 0 : i32
      %dma_wait3A_240 = arith.constant 0 : i32
      %dma_wait3A_241 = tpu.memref_slice %arg13[%dma_wait3A_239, %dma_wait3A_240] : memref<10000x128xf32, #tpu.memory_space<vmem_shared>> -> memref<10000x128xf32, #tpu.memory_space<vmem_shared>>
      tpu.wait_indirect_dma semaphore(%run_scoped3A_229 : memref<!tpu.dma_semaphore, #tpu.memory_space<semaphore_mem>>) src(%arg9 : memref<125x128xf32, #tpu.memory_space<vmem>>) dst(%dma_wait3A_241 : memref<10000x128xf32, #tpu.memory_space<vmem_shared>>)
      tpu.yield
    }) : () -> ()
    %dma_wait3A_174 = arith.constant 39 : i32
    %dma_wait3A_175 = arith.constant 0 : i32
    %dma_wait3A_176 = tpu.memref_slice %arg7[%dma_wait3A_174, %dma_wait3A_175] : memref<40x125xi32, #tpu.memory_space<vmem>> -> memref<1x125xi32, #tpu.memory_space<vmem>>
    %dma_wait3A_177 = tpu.memref_squeeze %dma_wait3A_176 : memref<1x125xi32, #tpu.memory_space<vmem>> -> memref<125xi32, #tpu.memory_space<vmem>>
    %dma_wait3A_178 = arith.constant 0 : i32
    %dma_wait3A_179 = arith.constant 0 : i32
    %dma_wait3A_180 = tpu.memref_slice %arg2[%dma_wait3A_178, %dma_wait3A_179] : memref<10000x128xf32, #tpu.memory_space<hbm>> -> memref<10000x128xf32, #tpu.memory_space<hbm>>
    tpu.wait_indirect_dma semaphore(%arg12 : memref<!tpu.dma_semaphore, #tpu.memory_space<semaphore_mem>>) src(%dma_wait3A_180 : memref<10000x128xf32, #tpu.memory_space<hbm>>) dst(%arg10 : memref<125x128xf32, #tpu.memory_space<vmem>>)
    %run_scoped3A_181 = arith.constant 39 : i32
    "tpu.region"() ({
      %run_scoped3A_229 = tpu.sem_alloc : memref<!tpu.dma_semaphore, #tpu.memory_space<semaphore_mem>>
      %dma_start3A_230 = arith.constant 0 : i32
      %dma_start3A_231 = tpu.memref_slice %arg8[%run_scoped3A_181, %dma_start3A_230] : memref<40x125xi32, #tpu.memory_space<vmem>> -> memref<1x125xi32, #tpu.memory_space<vmem>>
      %dma_start3A_232 = tpu.memref_squeeze %dma_start3A_231 : memref<1x125xi32, #tpu.memory_space<vmem>> -> memref<125xi32, #tpu.memory_space<vmem>>
      %dma_start3A_233 = arith.constant 0 : i32
      %dma_start3A_234 = arith.constant 0 : i32
      %dma_start3A_235 = tpu.memref_slice %arg13[%dma_start3A_233, %dma_start3A_234] : memref<10000x128xf32, #tpu.memory_space<vmem_shared>> -> memref<10000x128xf32, #tpu.memory_space<vmem_shared>>
      tpu.enqueue_indirect_dma source(%arg10 : memref<125x128xf32, #tpu.memory_space<vmem>>) target(%dma_start3A_235 : memref<10000x128xf32, #tpu.memory_space<vmem_shared>>) offsets(%dma_start3A_232 : memref<125xi32, #tpu.memory_space<vmem>>) semaphore(%run_scoped3A_229 : memref<!tpu.dma_semaphore, #tpu.memory_space<semaphore_mem>>) {add = true}
      %dma_wait3A_236 = arith.constant 0 : i32
      %dma_wait3A_237 = tpu.memref_slice %arg8[%run_scoped3A_181, %dma_wait3A_236] : memref<40x125xi32, #tpu.memory_space<vmem>> -> memref<1x125xi32, #tpu.memory_space<vmem>>
      %dma_wait3A_238 = tpu.memref_squeeze %dma_wait3A_237 : memref<1x125xi32, #tpu.memory_space<vmem>> -> memref<125xi32, #tpu.memory_space<vmem>>
      %dma_wait3A_239 = arith.constant 0 : i32
      %dma_wait3A_240 = arith.constant 0 : i32
      %dma_wait3A_241 = tpu.memref_slice %arg13[%dma_wait3A_239, %dma_wait3A_240] : memref<10000x128xf32, #tpu.memory_space<vmem_shared>> -> memref<10000x128xf32, #tpu.memory_space<vmem_shared>>
      tpu.wait_indirect_dma semaphore(%run_scoped3A_229 : memref<!tpu.dma_semaphore, #tpu.memory_space<semaphore_mem>>) src(%arg10 : memref<125x128xf32, #tpu.memory_space<vmem>>) dst(%dma_wait3A_241 : memref<10000x128xf32, #tpu.memory_space<vmem_shared>>)
      tpu.yield
    }) : () -> ()
    %run_scoped3A_182 = arith.constant 1 : i32
    "tpu.region"() ({
      %run_scoped3A_229 = tpu.sem_alloc : memref<!tpu.dma_semaphore, #tpu.memory_space<semaphore_mem>>
      %dma_start3A_230 = arith.constant 0 : i32
      %dma_start3A_231 = arith.constant 0 : i32
      %dma_start3A_232 = tpu.memref_slice %arg3[%add3A, %run_scoped3A_182, %dma_start3A_230, %dma_start3A_231] : memref<32x2x40x125xi32, #tpu.memory_space<hbm>> -> memref<1x1x40x125xi32, #tpu.memory_space<hbm>>
      %dma_start3A_233 = tpu.memref_squeeze %dma_start3A_232 : memref<1x1x40x125xi32, #tpu.memory_space<hbm>> -> memref<40x125xi32, #tpu.memory_space<hbm>>
      %dma_start3A_234 = arith.constant 0 : i32
      %dma_start3A_235 = arith.constant 0 : i32
      %dma_start3A_236 = tpu.memref_slice %arg3[%add3A, %run_scoped3A_182, %dma_start3A_234, %dma_start3A_235] : memref<32x2x40x125xi32, #tpu.memory_space<hbm>> -> memref<1x1x40x125xi32, #tpu.memory_space<hbm>>
      %dma_start3A_237 = tpu.memref_squeeze %dma_start3A_236 : memref<1x1x40x125xi32, #tpu.memory_space<hbm>> -> memref<40x125xi32, #tpu.memory_space<hbm>>
      tpu.enqueue_dma source(%dma_start3A_237 : memref<40x125xi32, #tpu.memory_space<hbm>>) target(%arg7 : memref<40x125xi32, #tpu.memory_space<vmem>>) target_semaphore(%run_scoped3A_229 : memref<!tpu.dma_semaphore, #tpu.memory_space<semaphore_mem>>)
      %dma_wait3A_238 = arith.constant 0 : i32
      %dma_wait3A_239 = arith.constant 0 : i32
      %dma_wait3A_240 = tpu.memref_slice %arg3[%add3A, %run_scoped3A_182, %dma_wait3A_238, %dma_wait3A_239] : memref<32x2x40x125xi32, #tpu.memory_space<hbm>> -> memref<1x1x40x125xi32, #tpu.memory_space<hbm>>
      %dma_wait3A_241 = tpu.memref_squeeze %dma_wait3A_240 : memref<1x1x40x125xi32, #tpu.memory_space<hbm>> -> memref<40x125xi32, #tpu.memory_space<hbm>>
      %dma_wait3A_242 = arith.constant 0 : i32
      %dma_wait3A_243 = arith.constant 0 : i32
      %dma_wait3A_244 = tpu.memref_slice %arg3[%add3A, %run_scoped3A_182, %dma_wait3A_242, %dma_wait3A_243] : memref<32x2x40x125xi32, #tpu.memory_space<hbm>> -> memref<1x1x40x125xi32, #tpu.memory_space<hbm>>
      %dma_wait3A_245 = tpu.memref_squeeze %dma_wait3A_244 : memref<1x1x40x125xi32, #tpu.memory_space<hbm>> -> memref<40x125xi32, #tpu.memory_space<hbm>>
      tpu.wait_dma2 semaphore(%run_scoped3A_229 : memref<!tpu.dma_semaphore, #tpu.memory_space<semaphore_mem>>) src(%dma_wait3A_245 : memref<40x125xi32, #tpu.memory_space<hbm>>) dst(%arg7 : memref<40x125xi32, #tpu.memory_space<vmem>>)
      tpu.yield
    }) : () -> ()
    %run_scoped3A_183 = arith.constant 1 : i32
    "tpu.region"() ({
      %run_scoped3A_229 = tpu.sem_alloc : memref<!tpu.dma_semaphore, #tpu.memory_space<semaphore_mem>>
      %dma_start3A_230 = arith.constant 0 : i32
      %dma_start3A_231 = arith.constant 0 : i32
      %dma_start3A_232 = tpu.memref_slice %arg4[%add3A, %run_scoped3A_183, %dma_start3A_230, %dma_start3A_231] : memref<32x2x40x125xi32, #tpu.memory_space<hbm>> -> memref<1x1x40x125xi32, #tpu.memory_space<hbm>>
      %dma_start3A_233 = tpu.memref_squeeze %dma_start3A_232 : memref<1x1x40x125xi32, #tpu.memory_space<hbm>> -> memref<40x125xi32, #tpu.memory_space<hbm>>
      %dma_start3A_234 = arith.constant 0 : i32
      %dma_start3A_235 = arith.constant 0 : i32
      %dma_start3A_236 = tpu.memref_slice %arg4[%add3A, %run_scoped3A_183, %dma_start3A_234, %dma_start3A_235] : memref<32x2x40x125xi32, #tpu.memory_space<hbm>> -> memref<1x1x40x125xi32, #tpu.memory_space<hbm>>
      %dma_start3A_237 = tpu.memref_squeeze %dma_start3A_236 : memref<1x1x40x125xi32, #tpu.memory_space<hbm>> -> memref<40x125xi32, #tpu.memory_space<hbm>>
      tpu.enqueue_dma source(%dma_start3A_237 : memref<40x125xi32, #tpu.memory_space<hbm>>) target(%arg8 : memref<40x125xi32, #tpu.memory_space<vmem>>) target_semaphore(%run_scoped3A_229 : memref<!tpu.dma_semaphore, #tpu.memory_space<semaphore_mem>>)
      %dma_wait3A_238 = arith.constant 0 : i32
      %dma_wait3A_239 = arith.constant 0 : i32
      %dma_wait3A_240 = tpu.memref_slice %arg4[%add3A, %run_scoped3A_183, %dma_wait3A_238, %dma_wait3A_239] : memref<32x2x40x125xi32, #tpu.memory_space<hbm>> -> memref<1x1x40x125xi32, #tpu.memory_space<hbm>>
      %dma_wait3A_241 = tpu.memref_squeeze %dma_wait3A_240 : memref<1x1x40x125xi32, #tpu.memory_space<hbm>> -> memref<40x125xi32, #tpu.memory_space<hbm>>
      %dma_wait3A_242 = arith.constant 0 : i32
      %dma_wait3A_243 = arith.constant 0 : i32
      %dma_wait3A_244 = tpu.memref_slice %arg4[%add3A, %run_scoped3A_183, %dma_wait3A_242, %dma_wait3A_243] : memref<32x2x40x125xi32, #tpu.memory_space<hbm>> -> memref<1x1x40x125xi32, #tpu.memory_space<hbm>>
      %dma_wait3A_245 = tpu.memref_squeeze %dma_wait3A_244 : memref<1x1x40x125xi32, #tpu.memory_space<hbm>> -> memref<40x125xi32, #tpu.memory_space<hbm>>
      tpu.wait_dma2 semaphore(%run_scoped3A_229 : memref<!tpu.dma_semaphore, #tpu.memory_space<semaphore_mem>>) src(%dma_wait3A_245 : memref<40x125xi32, #tpu.memory_space<hbm>>) dst(%arg8 : memref<40x125xi32, #tpu.memory_space<vmem>>)
      tpu.yield
    }) : () -> ()
    %dma_start3A_184 = arith.constant 0 : i32
    %dma_start3A_185 = arith.constant 0 : i32
    %dma_start3A_186 = tpu.memref_slice %arg7[%dma_start3A_184, %dma_start3A_185] : memref<40x125xi32, #tpu.memory_space<vmem>> -> memref<1x125xi32, #tpu.memory_space<vmem>>
    %dma_start3A_187 = tpu.memref_squeeze %dma_start3A_186 : memref<1x125xi32, #tpu.memory_space<vmem>> -> memref<125xi32, #tpu.memory_space<vmem>>
    %dma_start3A_188 = arith.constant 0 : i32
    %dma_start3A_189 = arith.constant 0 : i32
    %dma_start3A_190 = tpu.memref_slice %arg2[%dma_start3A_188, %dma_start3A_189] : memref<10000x128xf32, #tpu.memory_space<hbm>> -> memref<10000x128xf32, #tpu.memory_space<hbm>>
    tpu.enqueue_indirect_dma source(%dma_start3A_190 : memref<10000x128xf32, #tpu.memory_space<hbm>>) target(%arg9 : memref<125x128xf32, #tpu.memory_space<vmem>>) offsets(%dma_start3A_187 : memref<125xi32, #tpu.memory_space<vmem>>) semaphore(%arg11 : memref<!tpu.dma_semaphore, #tpu.memory_space<semaphore_mem>>)
    %scan3A_191 = arith.constant 0 : i32
    %scan3A_192 = arith.constant 19 : i32
    %scan3A_193 = arith.addi %scan3A_191, %scan3A_192 : i32
    %scan3A_194 = arith.constant 1 : i32
    scf.for %scan3A_229 = %scan3A_191 to %scan3A_193 step %scan3A_194  : i32 {
      %mul3A_230 = arith.constant 1 : i32
      %mul3A_231 = arith.muli %scan3A_229, %mul3A_230 : i32
      %add3A_232 = arith.constant 0 : i32
      %add3A_233 = arith.addi %add3A_232, %mul3A_231 : i32
      %mul3A_234 = arith.constant 2 : i32
      %mul3A_235 = arith.muli %mul3A_234, %add3A_233 : i32
      %add3A_236 = arith.constant 1 : i32
      %add3A_237 = arith.addi %mul3A_235, %add3A_236 : i32
      %dma_start3A_238 = arith.constant 0 : i32
      %dma_start3A_239 = tpu.memref_slice %arg7[%add3A_237, %dma_start3A_238] : memref<40x125xi32, #tpu.memory_space<vmem>> -> memref<1x125xi32, #tpu.memory_space<vmem>>
      %dma_start3A_240 = tpu.memref_squeeze %dma_start3A_239 : memref<1x125xi32, #tpu.memory_space<vmem>> -> memref<125xi32, #tpu.memory_space<vmem>>
      %dma_start3A_241 = arith.constant 0 : i32
      %dma_start3A_242 = arith.constant 0 : i32
      %dma_start3A_243 = tpu.memref_slice %arg2[%dma_start3A_241, %dma_start3A_242] : memref<10000x128xf32, #tpu.memory_space<hbm>> -> memref<10000x128xf32, #tpu.memory_space<hbm>>
      tpu.enqueue_indirect_dma source(%dma_start3A_243 : memref<10000x128xf32, #tpu.memory_space<hbm>>) target(%arg10 : memref<125x128xf32, #tpu.memory_space<vmem>>) offsets(%dma_start3A_240 : memref<125xi32, #tpu.memory_space<vmem>>) semaphore(%arg12 : memref<!tpu.dma_semaphore, #tpu.memory_space<semaphore_mem>>)
      %dma_wait3A_244 = arith.constant 0 : i32
      %dma_wait3A_245 = tpu.memref_slice %arg7[%mul3A_235, %dma_wait3A_244] : memref<40x125xi32, #tpu.memory_space<vmem>> -> memref<1x125xi32, #tpu.memory_space<vmem>>
      %dma_wait3A_246 = tpu.memref_squeeze %dma_wait3A_245 : memref<1x125xi32, #tpu.memory_space<vmem>> -> memref<125xi32, #tpu.memory_space<vmem>>
      %dma_wait3A_247 = arith.constant 0 : i32
      %dma_wait3A_248 = arith.constant 0 : i32
      %dma_wait3A_249 = tpu.memref_slice %arg2[%dma_wait3A_247, %dma_wait3A_248] : memref<10000x128xf32, #tpu.memory_space<hbm>> -> memref<10000x128xf32, #tpu.memory_space<hbm>>
      tpu.wait_indirect_dma semaphore(%arg11 : memref<!tpu.dma_semaphore, #tpu.memory_space<semaphore_mem>>) src(%dma_wait3A_249 : memref<10000x128xf32, #tpu.memory_space<hbm>>) dst(%arg9 : memref<125x128xf32, #tpu.memory_space<vmem>>)
      "tpu.region"() ({
        %run_scoped3A_268 = tpu.sem_alloc : memref<!tpu.dma_semaphore, #tpu.memory_space<semaphore_mem>>
        %dma_start3A_269 = arith.constant 0 : i32
        %dma_start3A_270 = tpu.memref_slice %arg8[%mul3A_235, %dma_start3A_269] : memref<40x125xi32, #tpu.memory_space<vmem>> -> memref<1x125xi32, #tpu.memory_space<vmem>>
        %dma_start3A_271 = tpu.memref_squeeze %dma_start3A_270 : memref<1x125xi32, #tpu.memory_space<vmem>> -> memref<125xi32, #tpu.memory_space<vmem>>
        %dma_start3A_272 = arith.constant 0 : i32
        %dma_start3A_273 = arith.constant 0 : i32
        %dma_start3A_274 = tpu.memref_slice %arg13[%dma_start3A_272, %dma_start3A_273] : memref<10000x128xf32, #tpu.memory_space<vmem_shared>> -> memref<10000x128xf32, #tpu.memory_space<vmem_shared>>
        tpu.enqueue_indirect_dma source(%arg9 : memref<125x128xf32, #tpu.memory_space<vmem>>) target(%dma_start3A_274 : memref<10000x128xf32, #tpu.memory_space<vmem_shared>>) offsets(%dma_start3A_271 : memref<125xi32, #tpu.memory_space<vmem>>) semaphore(%run_scoped3A_268 : memref<!tpu.dma_semaphore, #tpu.memory_space<semaphore_mem>>) {add = true}
        %dma_wait3A_275 = arith.constant 0 : i32
        %dma_wait3A_276 = tpu.memref_slice %arg8[%mul3A_235, %dma_wait3A_275] : memref<40x125xi32, #tpu.memory_space<vmem>> -> memref<1x125xi32, #tpu.memory_space<vmem>>
        %dma_wait3A_277 = tpu.memref_squeeze %dma_wait3A_276 : memref<1x125xi32, #tpu.memory_space<vmem>> -> memref<125xi32, #tpu.memory_space<vmem>>
        %dma_wait3A_278 = arith.constant 0 : i32
        %dma_wait3A_279 = arith.constant 0 : i32
        %dma_wait3A_280 = tpu.memref_slice %arg13[%dma_wait3A_278, %dma_wait3A_279] : memref<10000x128xf32, #tpu.memory_space<vmem_shared>> -> memref<10000x128xf32, #tpu.memory_space<vmem_shared>>
        tpu.wait_indirect_dma semaphore(%run_scoped3A_268 : memref<!tpu.dma_semaphore, #tpu.memory_space<semaphore_mem>>) src(%arg9 : memref<125x128xf32, #tpu.memory_space<vmem>>) dst(%dma_wait3A_280 : memref<10000x128xf32, #tpu.memory_space<vmem_shared>>)
        tpu.yield
      }) : () -> ()
      %add3A_250 = arith.constant 2 : i32
      %add3A_251 = arith.addi %mul3A_235, %add3A_250 : i32
      %dma_start3A_252 = arith.constant 0 : i32
      %dma_start3A_253 = tpu.memref_slice %arg7[%add3A_251, %dma_start3A_252] : memref<40x125xi32, #tpu.memory_space<vmem>> -> memref<1x125xi32, #tpu.memory_space<vmem>>
      %dma_start3A_254 = tpu.memref_squeeze %dma_start3A_253 : memref<1x125xi32, #tpu.memory_space<vmem>> -> memref<125xi32, #tpu.memory_space<vmem>>
      %dma_start3A_255 = arith.constant 0 : i32
      %dma_start3A_256 = arith.constant 0 : i32
      %dma_start3A_257 = tpu.memref_slice %arg2[%dma_start3A_255, %dma_start3A_256] : memref<10000x128xf32, #tpu.memory_space<hbm>> -> memref<10000x128xf32, #tpu.memory_space<hbm>>
      tpu.enqueue_indirect_dma source(%dma_start3A_257 : memref<10000x128xf32, #tpu.memory_space<hbm>>) target(%arg9 : memref<125x128xf32, #tpu.memory_space<vmem>>) offsets(%dma_start3A_254 : memref<125xi32, #tpu.memory_space<vmem>>) semaphore(%arg11 : memref<!tpu.dma_semaphore, #tpu.memory_space<semaphore_mem>>)
      %add3A_258 = arith.constant 1 : i32
      %add3A_259 = arith.addi %mul3A_235, %add3A_258 : i32
      %dma_wait3A_260 = arith.constant 0 : i32
      %dma_wait3A_261 = tpu.memref_slice %arg7[%add3A_259, %dma_wait3A_260] : memref<40x125xi32, #tpu.memory_space<vmem>> -> memref<1x125xi32, #tpu.memory_space<vmem>>
      %dma_wait3A_262 = tpu.memref_squeeze %dma_wait3A_261 : memref<1x125xi32, #tpu.memory_space<vmem>> -> memref<125xi32, #tpu.memory_space<vmem>>
      %dma_wait3A_263 = arith.constant 0 : i32
      %dma_wait3A_264 = arith.constant 0 : i32
      %dma_wait3A_265 = tpu.memref_slice %arg2[%dma_wait3A_263, %dma_wait3A_264] : memref<10000x128xf32, #tpu.memory_space<hbm>> -> memref<10000x128xf32, #tpu.memory_space<hbm>>
      tpu.wait_indirect_dma semaphore(%arg12 : memref<!tpu.dma_semaphore, #tpu.memory_space<semaphore_mem>>) src(%dma_wait3A_265 : memref<10000x128xf32, #tpu.memory_space<hbm>>) dst(%arg10 : memref<125x128xf32, #tpu.memory_space<vmem>>)
      %add3A_266 = arith.constant 1 : i32
      %add3A_267 = arith.addi %mul3A_235, %add3A_266 : i32
      "tpu.region"() ({
        %run_scoped3A_268 = tpu.sem_alloc : memref<!tpu.dma_semaphore, #tpu.memory_space<semaphore_mem>>
        %dma_start3A_269 = arith.constant 0 : i32
        %dma_start3A_270 = tpu.memref_slice %arg8[%add3A_267, %dma_start3A_269] : memref<40x125xi32, #tpu.memory_space<vmem>> -> memref<1x125xi32, #tpu.memory_space<vmem>>
        %dma_start3A_271 = tpu.memref_squeeze %dma_start3A_270 : memref<1x125xi32, #tpu.memory_space<vmem>> -> memref<125xi32, #tpu.memory_space<vmem>>
        %dma_start3A_272 = arith.constant 0 : i32
        %dma_start3A_273 = arith.constant 0 : i32
        %dma_start3A_274 = tpu.memref_slice %arg13[%dma_start3A_272, %dma_start3A_273] : memref<10000x128xf32, #tpu.memory_space<vmem_shared>> -> memref<10000x128xf32, #tpu.memory_space<vmem_shared>>
        tpu.enqueue_indirect_dma source(%arg10 : memref<125x128xf32, #tpu.memory_space<vmem>>) target(%dma_start3A_274 : memref<10000x128xf32, #tpu.memory_space<vmem_shared>>) offsets(%dma_start3A_271 : memref<125xi32, #tpu.memory_space<vmem>>) semaphore(%run_scoped3A_268 : memref<!tpu.dma_semaphore, #tpu.memory_space<semaphore_mem>>) {add = true}
        %dma_wait3A_275 = arith.constant 0 : i32
        %dma_wait3A_276 = tpu.memref_slice %arg8[%add3A_267, %dma_wait3A_275] : memref<40x125xi32, #tpu.memory_space<vmem>> -> memref<1x125xi32, #tpu.memory_space<vmem>>
        %dma_wait3A_277 = tpu.memref_squeeze %dma_wait3A_276 : memref<1x125xi32, #tpu.memory_space<vmem>> -> memref<125xi32, #tpu.memory_space<vmem>>
        %dma_wait3A_278 = arith.constant 0 : i32
        %dma_wait3A_279 = arith.constant 0 : i32
        %dma_wait3A_280 = tpu.memref_slice %arg13[%dma_wait3A_278, %dma_wait3A_279] : memref<10000x128xf32, #tpu.memory_space<vmem_shared>> -> memref<10000x128xf32, #tpu.memory_space<vmem_shared>>
        tpu.wait_indirect_dma semaphore(%run_scoped3A_268 : memref<!tpu.dma_semaphore, #tpu.memory_space<semaphore_mem>>) src(%arg10 : memref<125x128xf32, #tpu.memory_space<vmem>>) dst(%dma_wait3A_280 : memref<10000x128xf32, #tpu.memory_space<vmem_shared>>)
        tpu.yield
      }) : () -> ()
    }
    %scan3A_195 = arith.constant 19 : i32
    %dma_start3A_196 = arith.constant 39 : i32
    %dma_start3A_197 = arith.constant 0 : i32
    %dma_start3A_198 = tpu.memref_slice %arg7[%dma_start3A_196, %dma_start3A_197] : memref<40x125xi32, #tpu.memory_space<vmem>> -> memref<1x125xi32, #tpu.memory_space<vmem>>
    %dma_start3A_199 = tpu.memref_squeeze %dma_start3A_198 : memref<1x125xi32, #tpu.memory_space<vmem>> -> memref<125xi32, #tpu.memory_space<vmem>>
    %dma_start3A_200 = arith.constant 0 : i32
    %dma_start3A_201 = arith.constant 0 : i32
    %dma_start3A_202 = tpu.memref_slice %arg2[%dma_start3A_200, %dma_start3A_201] : memref<10000x128xf32, #tpu.memory_space<hbm>> -> memref<10000x128xf32, #tpu.memory_space<hbm>>
    tpu.enqueue_indirect_dma source(%dma_start3A_202 : memref<10000x128xf32, #tpu.memory_space<hbm>>) target(%arg10 : memref<125x128xf32, #tpu.memory_space<vmem>>) offsets(%dma_start3A_199 : memref<125xi32, #tpu.memory_space<vmem>>) semaphore(%arg12 : memref<!tpu.dma_semaphore, #tpu.memory_space<semaphore_mem>>)
    %dma_wait3A_203 = arith.constant 38 : i32
    %dma_wait3A_204 = arith.constant 0 : i32
    %dma_wait3A_205 = tpu.memref_slice %arg7[%dma_wait3A_203, %dma_wait3A_204] : memref<40x125xi32, #tpu.memory_space<vmem>> -> memref<1x125xi32, #tpu.memory_space<vmem>>
    %dma_wait3A_206 = tpu.memref_squeeze %dma_wait3A_205 : memref<1x125xi32, #tpu.memory_space<vmem>> -> memref<125xi32, #tpu.memory_space<vmem>>
    %dma_wait3A_207 = arith.constant 0 : i32
    %dma_wait3A_208 = arith.constant 0 : i32
    %dma_wait3A_209 = tpu.memref_slice %arg2[%dma_wait3A_207, %dma_wait3A_208] : memref<10000x128xf32, #tpu.memory_space<hbm>> -> memref<10000x128xf32, #tpu.memory_space<hbm>>
    tpu.wait_indirect_dma semaphore(%arg11 : memref<!tpu.dma_semaphore, #tpu.memory_space<semaphore_mem>>) src(%dma_wait3A_209 : memref<10000x128xf32, #tpu.memory_space<hbm>>) dst(%arg9 : memref<125x128xf32, #tpu.memory_space<vmem>>)
    %run_scoped3A_210 = arith.constant 38 : i32
    "tpu.region"() ({
      %run_scoped3A_229 = tpu.sem_alloc : memref<!tpu.dma_semaphore, #tpu.memory_space<semaphore_mem>>
      %dma_start3A_230 = arith.constant 0 : i32
      %dma_start3A_231 = tpu.memref_slice %arg8[%run_scoped3A_210, %dma_start3A_230] : memref<40x125xi32, #tpu.memory_space<vmem>> -> memref<1x125xi32, #tpu.memory_space<vmem>>
      %dma_start3A_232 = tpu.memref_squeeze %dma_start3A_231 : memref<1x125xi32, #tpu.memory_space<vmem>> -> memref<125xi32, #tpu.memory_space<vmem>>
      %dma_start3A_233 = arith.constant 0 : i32
      %dma_start3A_234 = arith.constant 0 : i32
      %dma_start3A_235 = tpu.memref_slice %arg13[%dma_start3A_233, %dma_start3A_234] : memref<10000x128xf32, #tpu.memory_space<vmem_shared>> -> memref<10000x128xf32, #tpu.memory_space<vmem_shared>>
      tpu.enqueue_indirect_dma source(%arg9 : memref<125x128xf32, #tpu.memory_space<vmem>>) target(%dma_start3A_235 : memref<10000x128xf32, #tpu.memory_space<vmem_shared>>) offsets(%dma_start3A_232 : memref<125xi32, #tpu.memory_space<vmem>>) semaphore(%run_scoped3A_229 : memref<!tpu.dma_semaphore, #tpu.memory_space<semaphore_mem>>) {add = true}
      %dma_wait3A_236 = arith.constant 0 : i32
      %dma_wait3A_237 = tpu.memref_slice %arg8[%run_scoped3A_210, %dma_wait3A_236] : memref<40x125xi32, #tpu.memory_space<vmem>> -> memref<1x125xi32, #tpu.memory_space<vmem>>
      %dma_wait3A_238 = tpu.memref_squeeze %dma_wait3A_237 : memref<1x125xi32, #tpu.memory_space<vmem>> -> memref<125xi32, #tpu.memory_space<vmem>>
      %dma_wait3A_239 = arith.constant 0 : i32
      %dma_wait3A_240 = arith.constant 0 : i32
      %dma_wait3A_241 = tpu.memref_slice %arg13[%dma_wait3A_239, %dma_wait3A_240] : memref<10000x128xf32, #tpu.memory_space<vmem_shared>> -> memref<10000x128xf32, #tpu.memory_space<vmem_shared>>
      tpu.wait_indirect_dma semaphore(%run_scoped3A_229 : memref<!tpu.dma_semaphore, #tpu.memory_space<semaphore_mem>>) src(%arg9 : memref<125x128xf32, #tpu.memory_space<vmem>>) dst(%dma_wait3A_241 : memref<10000x128xf32, #tpu.memory_space<vmem_shared>>)
      tpu.yield
    }) : () -> ()
    %dma_wait3A_211 = arith.constant 39 : i32
    %dma_wait3A_212 = arith.constant 0 : i32
    %dma_wait3A_213 = tpu.memref_slice %arg7[%dma_wait3A_211, %dma_wait3A_212] : memref<40x125xi32, #tpu.memory_space<vmem>> -> memref<1x125xi32, #tpu.memory_space<vmem>>
    %dma_wait3A_214 = tpu.memref_squeeze %dma_wait3A_213 : memref<1x125xi32, #tpu.memory_space<vmem>> -> memref<125xi32, #tpu.memory_space<vmem>>
    %dma_wait3A_215 = arith.constant 0 : i32
    %dma_wait3A_216 = arith.constant 0 : i32
    %dma_wait3A_217 = tpu.memref_slice %arg2[%dma_wait3A_215, %dma_wait3A_216] : memref<10000x128xf32, #tpu.memory_space<hbm>> -> memref<10000x128xf32, #tpu.memory_space<hbm>>
    tpu.wait_indirect_dma semaphore(%arg12 : memref<!tpu.dma_semaphore, #tpu.memory_space<semaphore_mem>>) src(%dma_wait3A_217 : memref<10000x128xf32, #tpu.memory_space<hbm>>) dst(%arg10 : memref<125x128xf32, #tpu.memory_space<vmem>>)
    %run_scoped3A_218 = arith.constant 39 : i32
    "tpu.region"() ({
      %run_scoped3A_229 = tpu.sem_alloc : memref<!tpu.dma_semaphore, #tpu.memory_space<semaphore_mem>>
      %dma_start3A_230 = arith.constant 0 : i32
      %dma_start3A_231 = tpu.memref_slice %arg8[%run_scoped3A_218, %dma_start3A_230] : memref<40x125xi32, #tpu.memory_space<vmem>> -> memref<1x125xi32, #tpu.memory_space<vmem>>
      %dma_start3A_232 = tpu.memref_squeeze %dma_start3A_231 : memref<1x125xi32, #tpu.memory_space<vmem>> -> memref<125xi32, #tpu.memory_space<vmem>>
      %dma_start3A_233 = arith.constant 0 : i32
      %dma_start3A_234 = arith.constant 0 : i32
      %dma_start3A_235 = tpu.memref_slice %arg13[%dma_start3A_233, %dma_start3A_234] : memref<10000x128xf32, #tpu.memory_space<vmem_shared>> -> memref<10000x128xf32, #tpu.memory_space<vmem_shared>>
      tpu.enqueue_indirect_dma source(%arg10 : memref<125x128xf32, #tpu.memory_space<vmem>>) target(%dma_start3A_235 : memref<10000x128xf32, #tpu.memory_space<vmem_shared>>) offsets(%dma_start3A_232 : memref<125xi32, #tpu.memory_space<vmem>>) semaphore(%run_scoped3A_229 : memref<!tpu.dma_semaphore, #tpu.memory_space<semaphore_mem>>) {add = true}
      %dma_wait3A_236 = arith.constant 0 : i32
      %dma_wait3A_237 = tpu.memref_slice %arg8[%run_scoped3A_218, %dma_wait3A_236] : memref<40x125xi32, #tpu.memory_space<vmem>> -> memref<1x125xi32, #tpu.memory_space<vmem>>
      %dma_wait3A_238 = tpu.memref_squeeze %dma_wait3A_237 : memref<1x125xi32, #tpu.memory_space<vmem>> -> memref<125xi32, #tpu.memory_space<vmem>>
      %dma_wait3A_239 = arith.constant 0 : i32
      %dma_wait3A_240 = arith.constant 0 : i32
      %dma_wait3A_241 = tpu.memref_slice %arg13[%dma_wait3A_239, %dma_wait3A_240] : memref<10000x128xf32, #tpu.memory_space<vmem_shared>> -> memref<10000x128xf32, #tpu.memory_space<vmem_shared>>
      tpu.wait_indirect_dma semaphore(%run_scoped3A_229 : memref<!tpu.dma_semaphore, #tpu.memory_space<semaphore_mem>>) src(%arg10 : memref<125x128xf32, #tpu.memory_space<vmem>>) dst(%dma_wait3A_241 : memref<10000x128xf32, #tpu.memory_space<vmem_shared>>)
      tpu.yield
    }) : () -> ()
    %barrier3A_219 = arith.constant 0 : index
    tpu.barrier barrier_id(%barrier3A_219)
    %lt3A = arith.constant 15 : i32
    %lt3A_220 = arith.cmpi slt, %arg1, %lt3A : i32
    %convert_element_type3A_221 = arith.extui %lt3A_220 : i1 to i32
    %cond3A_222 = arith.constant 0 : i32
    %cond3A_223 = arith.cmpi ne, %convert_element_type3A_221, %cond3A_222 : i32
    scf.if %cond3A_223 {
      %mul3A_229 = arith.constant 624 : i32
      %mul3A_230 = arith.muli %arg1, %mul3A_229 : i32
      %mul3A_231 = arith.constant 624 : i32
      %mul3A_232 = arith.muli %arg1, %mul3A_231 : i32
      "tpu.region"() ({
        %run_scoped3A_233 = tpu.sem_alloc : memref<!tpu.dma_semaphore, #tpu.memory_space<semaphore_mem>>
        %dma_start3A_234 = arith.constant 0 : i32
        %dma_start3A_235 = tpu.memref_slice %arg6[%arg0, %mul3A_232, %dma_start3A_234] : memref<2x10000x128xf32, #tpu.memory_space<hbm>> -> memref<1x624x128xf32, #tpu.memory_space<hbm>>
        %dma_start3A_236 = tpu.memref_squeeze %dma_start3A_235 : memref<1x624x128xf32, #tpu.memory_space<hbm>> -> memref<624x128xf32, #tpu.memory_space<hbm>>
        %dma_start3A_237 = arith.constant 0 : i32
        %dma_start3A_238 = tpu.memref_slice %arg13[%mul3A_230, %dma_start3A_237] : memref<10000x128xf32, #tpu.memory_space<vmem_shared>> -> memref<624x128xf32, #tpu.memory_space<vmem_shared>>
        tpu.enqueue_dma source(%dma_start3A_238 : memref<624x128xf32, #tpu.memory_space<vmem_shared>>) target(%dma_start3A_236 : memref<624x128xf32, #tpu.memory_space<hbm>>) target_semaphore(%run_scoped3A_233 : memref<!tpu.dma_semaphore, #tpu.memory_space<semaphore_mem>>)
        %dma_wait3A_239 = arith.constant 0 : i32
        %dma_wait3A_240 = tpu.memref_slice %arg6[%arg0, %mul3A_232, %dma_wait3A_239] : memref<2x10000x128xf32, #tpu.memory_space<hbm>> -> memref<1x624x128xf32, #tpu.memory_space<hbm>>
        %dma_wait3A_241 = tpu.memref_squeeze %dma_wait3A_240 : memref<1x624x128xf32, #tpu.memory_space<hbm>> -> memref<624x128xf32, #tpu.memory_space<hbm>>
        %dma_wait3A_242 = arith.constant 0 : i32
        %dma_wait3A_243 = tpu.memref_slice %arg13[%mul3A_230, %dma_wait3A_242] : memref<10000x128xf32, #tpu.memory_space<vmem_shared>> -> memref<624x128xf32, #tpu.memory_space<vmem_shared>>
        tpu.wait_dma2 semaphore(%run_scoped3A_233 : memref<!tpu.dma_semaphore, #tpu.memory_space<semaphore_mem>>) src(%dma_wait3A_243 : memref<624x128xf32, #tpu.memory_space<vmem_shared>>) dst(%dma_wait3A_241 : memref<624x128xf32, #tpu.memory_space<hbm>>)
        tpu.yield
      }) : () -> ()
    } else {
    }
    %eq3A_224 = arith.constant 15 : i32
    %eq3A_225 = arith.cmpi eq, %arg1, %eq3A_224 : i32
    %convert_element_type3A_226 = arith.extui %eq3A_225 : i1 to i32
    %cond3A_227 = arith.constant 0 : i32
    %cond3A_228 = arith.cmpi ne, %convert_element_type3A_226, %cond3A_227 : i32
    scf.if %cond3A_228 {
      "tpu.region"() ({
        %run_scoped3A_229 = tpu.sem_alloc : memref<!tpu.dma_semaphore, #tpu.memory_space<semaphore_mem>>
        %dma_start3A_230 = arith.constant 9360 : i32
        %dma_start3A_231 = arith.constant 0 : i32
        %dma_start3A_232 = tpu.memref_slice %arg6[%arg0, %dma_start3A_230, %dma_start3A_231] : memref<2x10000x128xf32, #tpu.memory_space<hbm>> -> memref<1x640x128xf32, #tpu.memory_space<hbm>>
        %dma_start3A_233 = tpu.memref_squeeze %dma_start3A_232 : memref<1x640x128xf32, #tpu.memory_space<hbm>> -> memref<640x128xf32, #tpu.memory_space<hbm>>
        %dma_start3A_234 = arith.constant 9360 : i32
        %dma_start3A_235 = arith.constant 0 : i32
        %dma_start3A_236 = tpu.memref_slice %arg13[%dma_start3A_234, %dma_start3A_235] : memref<10000x128xf32, #tpu.memory_space<vmem_shared>> -> memref<640x128xf32, #tpu.memory_space<vmem_shared>>
        tpu.enqueue_dma source(%dma_start3A_236 : memref<640x128xf32, #tpu.memory_space<vmem_shared>>) target(%dma_start3A_233 : memref<640x128xf32, #tpu.memory_space<hbm>>) target_semaphore(%run_scoped3A_229 : memref<!tpu.dma_semaphore, #tpu.memory_space<semaphore_mem>>)
        %dma_wait3A_237 = arith.constant 9360 : i32
        %dma_wait3A_238 = arith.constant 0 : i32
        %dma_wait3A_239 = tpu.memref_slice %arg6[%arg0, %dma_wait3A_237, %dma_wait3A_238] : memref<2x10000x128xf32, #tpu.memory_space<hbm>> -> memref<1x640x128xf32, #tpu.memory_space<hbm>>
        %dma_wait3A_240 = tpu.memref_squeeze %dma_wait3A_239 : memref<1x640x128xf32, #tpu.memory_space<hbm>> -> memref<640x128xf32, #tpu.memory_space<hbm>>
        %dma_wait3A_241 = arith.constant 9360 : i32
        %dma_wait3A_242 = arith.constant 0 : i32
        %dma_wait3A_243 = tpu.memref_slice %arg13[%dma_wait3A_241, %dma_wait3A_242] : memref<10000x128xf32, #tpu.memory_space<vmem_shared>> -> memref<640x128xf32, #tpu.memory_space<vmem_shared>>
        tpu.wait_dma2 semaphore(%run_scoped3A_229 : memref<!tpu.dma_semaphore, #tpu.memory_space<semaphore_mem>>) src(%dma_wait3A_243 : memref<640x128xf32, #tpu.memory_space<vmem_shared>>) dst(%dma_wait3A_240 : memref<640x128xf32, #tpu.memory_space<hbm>>)
        tpu.yield
      }) : () -> ()
    } else {
    }
    return
  }
}

module attributes {stable_mosaic.version = 14 : i64} {
  func.func @_tc_matmul_body(%arg0: i32, %arg1: memref<2000x128xf32, #tpu.memory_space<vmem>>, %arg2: memref<128x128xf32, #tpu.memory_space<vmem>>, %arg3: memref<2x2000x1xf32, #tpu.memory_space<vmem>>, %arg4: memref<2000x128xf32, #tpu.memory_space<vmem>>) attributes {dimension_semantics = [#tpu.dimension_semantics<arbitrary>], iteration_bounds = array<i64: 5>, scalar_prefetch = 0 : i64, scratch_operands = 0 : i64, tpu.core_type = #tpu.core_type<tc>, window_params = [{transform_indices = @transform_0, window_bounds = array<i64: 2000, 128>}, {pipeline_mode = #tpu.pipeline_mode<synchronous>, transform_indices = @transform_1, window_bounds = array<i64: 128, 128>}, {transform_indices = @transform_2, window_bounds = array<i64: 2, 2000, 1>}, {transform_indices = @transform_3, window_bounds = array<i64: 2000, 128>}]} {
    %get3A = arith.constant 0 : index
    %get3A_0 = arith.constant 0 : index
    %get3A_1 = arith.constant 0 : index
    %get3A_2 = vector.load %arg3[%get3A, %get3A_0, %get3A_1] : memref<2x2000x1xf32, #tpu.memory_space<vmem>>, vector<2x2000x1xf32>
    %slice3A = vector.extract_strided_slice %get3A_2 {offsets = [0, 0, 0], sizes = [1, 2000, 1], strides = [1, 1, 1]} : vector<2x2000x1xf32> to vector<1x2000x1xf32>
    %squeeze3A = vector.shape_cast %slice3A : vector<1x2000x1xf32> to vector<2000x1xf32>
    %slice3A_3 = vector.extract_strided_slice %get3A_2 {offsets = [1, 0, 0], sizes = [1, 2000, 1], strides = [1, 1, 1]} : vector<2x2000x1xf32> to vector<1x2000x1xf32>
    %squeeze3A_4 = vector.shape_cast %slice3A_3 : vector<1x2000x1xf32> to vector<2000x1xf32>
    %add3A = arith.addf %squeeze3A, %squeeze3A_4 : vector<2000x1xf32>
    %gt3A = arith.constant 0.000000e+00 : f32
    %gt3A_5 = vector.broadcast %gt3A : f32 to vector<2000x1xf32>
    %gt3A_6 = arith.cmpf ogt, %add3A, %gt3A_5 : vector<2000x1xf32>
    %max3A = arith.constant 1.000000e+00 : f32
    %max3A_7 = vector.broadcast %max3A : f32 to vector<2000x1xf32>
    %max3A_8 = arith.maximumf %add3A, %max3A_7 : vector<2000x1xf32>
    %rsqrt3A = math.rsqrt %max3A_8 : vector<2000x1xf32>
    %jit3A = arith.constant 0.000000e+00 : f32
    %broadcast_in_dim3A = vector.broadcast %jit3A : f32 to vector<2000x1xf32>
    %select_n3A = arith.select %gt3A_6, %rsqrt3A, %broadcast_in_dim3A : vector<2000x1xi1>, vector<2000x1xf32>
    %get3A_9 = arith.constant 0 : index
    %get3A_10 = arith.constant 0 : index
    %get3A_11 = vector.load %arg1[%get3A_9, %get3A_10] : memref<2000x128xf32, #tpu.memory_space<vmem>>, vector<2000x128xf32>
    %get3A_12 = arith.constant 0 : index
    %get3A_13 = arith.constant 0 : index
    %get3A_14 = vector.load %arg2[%get3A_12, %get3A_13] : memref<128x128xf32, #tpu.memory_space<vmem>>, vector<128x128xf32>
    %dot_general3A = arith.constant dense<0.000000e+00> : vector<2000x128xf32>
    %dot_general3A_15 = tpu.matmul %get3A_11, %get3A_14, %dot_general3A {dimension_numbers = #tpu.dot_dimension_numbers<[1], [1], [0], [0], [0, 0, 1, 0], [], []>, transpose_lhs_hint = false} : vector<2000x128xf32>, vector<128x128xf32>, vector<2000x128xf32> -> vector<2000x128xf32>
    %mul3A = vector.broadcast %select_n3A : vector<2000x1xf32> to vector<2000x128xf32>
    %mul3A_16 = arith.mulf %dot_general3A_15, %mul3A : vector<2000x128xf32>
    %swap3A = arith.constant 0 : index
    %swap3A_17 = arith.constant 0 : index
    %swap3A_18 = vector.load %arg4[%swap3A, %swap3A_17] : memref<2000x128xf32, #tpu.memory_space<vmem>>, vector<2000x128xf32>
    tpu.vector_store %arg4[%swap3A, %swap3A_17], %mul3A_16 {strides = array<i32>} : memref<2000x128xf32, #tpu.memory_space<vmem>>, vector<2000x128xf32>,
    return
  }
  func.func @transform_0(%arg0: i32) -> (i32, i32) {
    %c0_i32 = arith.constant 0 : i32
    %c0_i32_0 = arith.constant 0 : i32
    return %arg0, %c0_i32 : i32, i32
  }
  func.func @transform_1(%arg0: i32) -> (i32, i32) {
    %c0_i32 = arith.constant 0 : i32
    %c0_i32_0 = arith.constant 0 : i32
    %c0_i32_1 = arith.constant 0 : i32
    return %c0_i32, %c0_i32_0 : i32, i32
  }
  func.func @transform_2(%arg0: i32) -> (i32, i32, i32) {
    %c0_i32 = arith.constant 0 : i32
    %c0_i32_0 = arith.constant 0 : i32
    %c0_i32_1 = arith.constant 0 : i32
    return %c0_i32, %arg0, %c0_i32_0 : i32, i32, i32
  }
  func.func @transform_3(%arg0: i32) -> (i32, i32) {
    %c0_i32 = arith.constant 0 : i32
    %c0_i32_0 = arith.constant 0 : i32
    return %arg0, %c0_i32 : i32, i32
  }
}

module attributes {stable_mosaic.version = 14 : i64} {
  func.func @_tc_finalize_body(%arg0: i32, %arg1: memref<2x2000x128xf32, #tpu.memory_space<vmem>>, %arg2: memref<2x2000x1xf32, #tpu.memory_space<vmem>>, %arg3: memref<1x128xf32, #tpu.memory_space<vmem>>, %arg4: memref<2000x128xf32, #tpu.memory_space<vmem>>) attributes {dimension_semantics = [#tpu.dimension_semantics<arbitrary>], iteration_bounds = array<i64: 5>, scalar_prefetch = 0 : i64, scratch_operands = 0 : i64, tpu.core_type = #tpu.core_type<tc>, window_params = [{transform_indices = @transform_0, window_bounds = array<i64: 2, 2000, 128>}, {transform_indices = @transform_1, window_bounds = array<i64: 2, 2000, 1>}, {pipeline_mode = #tpu.pipeline_mode<synchronous>, transform_indices = @transform_2, window_bounds = array<i64: 1, 128>}, {transform_indices = @transform_3, window_bounds = array<i64: 2000, 128>}]} {
    %get3A = arith.constant 0 : index
    %get3A_0 = arith.constant 0 : index
    %get3A_1 = arith.constant 0 : index
    %get3A_2 = vector.load %arg2[%get3A, %get3A_0, %get3A_1] : memref<2x2000x1xf32, #tpu.memory_space<vmem>>, vector<2x2000x1xf32>
    %slice3A = vector.extract_strided_slice %get3A_2 {offsets = [0, 0, 0], sizes = [1, 2000, 1], strides = [1, 1, 1]} : vector<2x2000x1xf32> to vector<1x2000x1xf32>
    %squeeze3A = vector.shape_cast %slice3A : vector<1x2000x1xf32> to vector<2000x1xf32>
    %slice3A_3 = vector.extract_strided_slice %get3A_2 {offsets = [1, 0, 0], sizes = [1, 2000, 1], strides = [1, 1, 1]} : vector<2x2000x1xf32> to vector<1x2000x1xf32>
    %squeeze3A_4 = vector.shape_cast %slice3A_3 : vector<1x2000x1xf32> to vector<2000x1xf32>
    %add3A = arith.addf %squeeze3A, %squeeze3A_4 : vector<2000x1xf32>
    %gt3A = arith.constant 0.000000e+00 : f32
    %gt3A_5 = vector.broadcast %gt3A : f32 to vector<2000x1xf32>
    %gt3A_6 = arith.cmpf ogt, %add3A, %gt3A_5 : vector<2000x1xf32>
    %max3A = arith.constant 1.000000e+00 : f32
    %max3A_7 = vector.broadcast %max3A : f32 to vector<2000x1xf32>
    %max3A_8 = arith.maximumf %add3A, %max3A_7 : vector<2000x1xf32>
    %rsqrt3A = math.rsqrt %max3A_8 : vector<2000x1xf32>
    %jit3A = arith.constant 0.000000e+00 : f32
    %broadcast_in_dim3A = vector.broadcast %jit3A : f32 to vector<2000x1xf32>
    %select_n3A = arith.select %gt3A_6, %rsqrt3A, %broadcast_in_dim3A : vector<2000x1xi1>, vector<2000x1xf32>
    %get3A_9 = arith.constant 0 : index
    %get3A_10 = arith.constant 0 : index
    %get3A_11 = arith.constant 0 : index
    %get3A_12 = vector.load %arg1[%get3A_9, %get3A_10, %get3A_11] : memref<2x2000x128xf32, #tpu.memory_space<vmem>>, vector<1x2000x128xf32>
    %get3A_13 = vector.shape_cast %get3A_12 : vector<1x2000x128xf32> to vector<2000x128xf32>
    %get3A_14 = arith.constant 1 : index
    %get3A_15 = arith.constant 0 : index
    %get3A_16 = arith.constant 0 : index
    %get3A_17 = vector.load %arg1[%get3A_14, %get3A_15, %get3A_16] : memref<2x2000x128xf32, #tpu.memory_space<vmem>>, vector<1x2000x128xf32>
    %get3A_18 = vector.shape_cast %get3A_17 : vector<1x2000x128xf32> to vector<2000x128xf32>
    %add3A_19 = arith.addf %get3A_13, %get3A_18 : vector<2000x128xf32>
    %mul3A = vector.broadcast %select_n3A : vector<2000x1xf32> to vector<2000x128xf32>
    %mul3A_20 = arith.mulf %add3A_19, %mul3A : vector<2000x128xf32>
    %get3A_21 = arith.constant 0 : index
    %get3A_22 = arith.constant 0 : index
    %get3A_23 = vector.load %arg3[%get3A_21, %get3A_22] : memref<1x128xf32, #tpu.memory_space<vmem>>, vector<1x128xf32>
    %add3A_24 = vector.broadcast %get3A_23 : vector<1x128xf32> to vector<2000x128xf32>
    %add3A_25 = arith.addf %mul3A_20, %add3A_24 : vector<2000x128xf32>
    %max3A_26 = arith.constant 0.000000e+00 : f32
    %max3A_27 = vector.broadcast %max3A_26 : f32 to vector<2000x128xf32>
    %max3A_28 = arith.maximumf %add3A_25, %max3A_27 : vector<2000x128xf32>
    %swap3A = arith.constant 0 : index
    %swap3A_29 = arith.constant 0 : index
    %swap3A_30 = vector.load %arg4[%swap3A, %swap3A_29] : memref<2000x128xf32, #tpu.memory_space<vmem>>, vector<2000x128xf32>
    tpu.vector_store %arg4[%swap3A, %swap3A_29], %max3A_28 {strides = array<i32>} : memref<2000x128xf32, #tpu.memory_space<vmem>>, vector<2000x128xf32>,
    return
  }
  func.func @transform_0(%arg0: i32) -> (i32, i32, i32) {
    %c0_i32 = arith.constant 0 : i32
    %c0_i32_0 = arith.constant 0 : i32
    %c0_i32_1 = arith.constant 0 : i32
    return %c0_i32, %arg0, %c0_i32_0 : i32, i32, i32
  }
  func.func @transform_1(%arg0: i32) -> (i32, i32, i32) {
    %c0_i32 = arith.constant 0 : i32
    %c0_i32_0 = arith.constant 0 : i32
    %c0_i32_1 = arith.constant 0 : i32
    return %c0_i32, %arg0, %c0_i32_0 : i32, i32, i32
  }
  func.func @transform_2(%arg0: i32) -> (i32, i32) {
    %c0_i32 = arith.constant 0 : i32
    %c0_i32_0 = arith.constant 0 : i32
    %c0_i32_1 = arith.constant 0 : i32
    return %c0_i32, %c0_i32_0 : i32, i32
  }
  func.func @transform_3(%arg0: i32) -> (i32, i32) {
    %c0_i32 = arith.constant 0 : i32
    %c0_i32_0 = arith.constant 0 : i32
    return %arg0, %c0_i32 : i32, i32
  }
}

</mosaic_0001>

<sc_bundles>
// kernel: kernel.6.cloned.1.call-start
scs
__scs_entry_jumppad:
0x0: {  	(pc) =	sbr.rel $0x88, $3  }
0x1: {  	(tag) =	ssettag $0x0;
	lr =	simm.s32 $0x1  }
0x2: {  	[smem:$0x3F9D] =	sst lr;
	_ =	strace $0xD0000000  }
0x3: {  	_ = 	snop  }
0x4: {  	_ = 	snop  }
0x5: {  	_ = 	snop  }
0x6: {  	_ = 	snop  }
0x7: {  	_ = 	snop  }
__scs_overlays_trampoline_lowered:
0x8: {  	[smem:$0x3FAC] =	sst s0  }
0x9: {  	[smem:$0x3FAD] =	sst s1  }
0xa: {  	[smem:$0x3FAE] =	sst s2  }
0xb: {  	[smem:$0x3FAF] =	sst s3  }
0xc: {  	[smem:$0x3FB0] =	sst s4  }
0xd: {  	[smem:$0x3FB1] =	sst s5  }
0xe: {  	[smem:$0x3FB2] =	sst s6  }
0xf: {  	[smem:$0x3FB3] =	sst s7  }
0x10: {  	[smem:$0x3FB4] =	sst s8  }
0x11: {  	[smem:$0x3FB5] =	sst s9;
	s0 =	simm.s32 @!p0 $0x0  }
0x12: {  	s1 =	sld [smem:$0x3F9B];
	s0 =	simm.s32 @p0 $0x1  }
0x13: {  	[smem:$0x3FB6] =	sst s0;
	s0 =	simm.s32 @!p1 $0x0  }
0x14: {  	s2 =	sld [smem:$0x3F9A];
	s0 =	simm.s32 @p1 $0x1  }
0x15: {  	[smem:$0x3FB7] =	sst s0;
	s0 =	simm.s32 @!p2 $0x0  }
0x16: {  	s3 =	sld [smem:$0x3FDB];
	s0 =	simm.s32 @p2 $0x1  }
0x17: {  	s4 =	simm.s32 $0x1BF5;
	[smem:$0x3FB9] =	sst s0  }
0x18: {  	s0 =	sld [smem:$0x3F9C];
	_ =	swait.ge [sflag:s4], $0x0  }
0x19: {  	s7 =	sld [smem:$0x3F9D]  }
0x1a: {  	s8 =	sadd.s32 $0xFFFFE003, lr  }
0x1b: {  	s9 =	sadd.s32 $0xFFFFFEF7, lr;
	s5 =	simm.s32 $0xFFFFFFFF;
	p2 =	slt.u32 s8, $0xFFFFF086  }
0x1c: {  	p1 =	slt.u32 s9, $0xF7A;
	s5 =	simm.s32 @!p2 $0x0  }
0x1d: {  	s5 =	simm.s32 @p1 $0x1;
	p0 =	seq.s32 s7, s2  }
0x1e: {  	s7 =	smul.u32 @!p0 $0xF7A, s2;
	p2 =	seq.s32 @!p0 s5, $0x0  }
0x1f: {  	s9 =	smul.u32 $0xF7A, s1;
	s8 =	simm.s32 @!p0 $0x1BF5;
	p2 =	por !p2, p0  }
0x20: {  	[sflag:s8] =	ssyncset.s32 @!p0 $0xFFFFF086;
	s6 =	sadd.s32 @!p0 s3, s7;
	s7 =	simm.s32 @!p0 $0x108  }
0x21: {  	s3 =	sadd.s32 s3, s9;
	s6 =	sadd.s32 @!p0 $0x88, s6;
	s7 =	simm.s32 @p2 $0x1082  }
0x22: {  	[simem:s7], [sflag:s8] =	dma.local @!p0 [hbm:s6], $0xF7A  }
0x23: {  	s9 =	sor.u32 $0xD0000000, s2;
	s6 =	simm.s32 $0x108;
	_ =	swait.ge @!p0 [sflag:s8], $0x0  }
0x24: {  	s3 =	sadd.s32 $0x88, s3;
	s6 =	simm.s32 @!p1 $0x1082;
	[sflag:s4] =	ssyncset.s32 $0xFFFFF086  }
0x25: {  	[simem:s6], [sflag:s4] =	dma.local [hbm:s3], $0xF7A  }
0x26: {  	[smem:$0x3F9D] =	sst s1;
	(tag) =	ssettag s2;
	_ =	strace s9  }
0x27: {  	s1 =	sld [smem:$0x3FAD]  }
0x28: {  	s2 =	sld [smem:$0x3FAE]  }
0x29: {  	s4 =	sld [smem:$0x3FB0]  }
0x2a: {  	p0 =	seq.s32 s5, $0x0;
	s5 =	sld [smem:$0x3FB1]  }
0x2b: {  	s6 =	sld [smem:$0x3FB2]  }
0x2c: {  	s7 =	sld [smem:$0x3FB3]  }
0x2d: {  	s3 =	simm.s32 $0x108;
	s8 =	sld [smem:$0x3FB4]  }
0x2e: {  	s3 =	simm.s32 @!p0 $0x1082;
	s9 =	sld [smem:$0x3FB5]  }
0x2f: {  	lr =	sadd.s32 s0, s3;
	s0 =	sld [smem:$0x3FAC]  }
0x30: {  	s3 =	sld [smem:$0x3FAF]  }
0x31: {  	[smem:$0x3FB8] =	sst s10  }
0x32: {  	s10 =	sld [smem:$0x3FB6];
	_ =	sdelay $0x3  }
0x33: {  	p0 =	seq.s32 s10, $0x1;
	s10 =	sld [smem:$0x3FB8];
	_ =	sdelay $0x3  }
0x34: {  	[smem:$0x3FB8] =	sst s10  }
0x35: {  	s10 =	sld [smem:$0x3FB7];
	_ =	sdelay $0x3  }
0x36: {  	p1 =	seq.s32 s10, $0x1;
	s10 =	sld [smem:$0x3FB8];
	_ =	sdelay $0x3  }
0x37: {  	[smem:$0x3FB8] =	sst s10  }
0x38: {  	s10 =	sld [smem:$0x3FB9]  }
0x39: {  	_ = 	snop;
	(pc) =	sbr.ind lr, $3  }
0x3a: {  	_ = 	snop  }
0x3b: {  	_ = 	snop  }
0x3c: {  	p2 =	seq.s32 s10, $0x1;
	s10 =	sld [smem:$0x3FB8]  }
0x3d: {  	_ =	shalt  }
0x3e: {  	_ =	shalt  }
0x3f: {  	_ =	shalt  }
0x40: {  	_ =	shalt  }
0x41: {  	_ =	shalt  }
0x42: {  	_ =	shalt  }
0x43: {  	_ =	shalt  }
0x44: {  	_ =	shalt  }
0x45: {  	_ =	shalt  }
0x46: {  	_ =	shalt  }
0x47: {  	_ =	shalt  }
0x48: {  	_ =	shalt  }
0x49: {  	_ =	shalt  }
0x4a: {  	_ =	shalt  }
0x4b: {  	_ =	shalt  }
0x4c: {  	_ =	shalt  }
0x4d: {  	_ =	shalt  }
0x4e: {  	_ =	shalt  }
0x4f: {  	_ =	shalt  }
0x50: {  	_ =	shalt  }
0x51: {  	_ =	shalt  }
0x52: {  	_ =	shalt  }
0x53: {  	_ =	shalt  }
0x54: {  	_ =	shalt  }
0x55: {  	_ =	shalt  }
0x56: {  	_ =	shalt  }
0x57: {  	_ =	shalt  }
0x58: {  	_ =	shalt  }
0x59: {  	_ =	shalt  }
0x5a: {  	_ =	shalt  }
0x5b: {  	_ =	shalt  }
0x5c: {  	_ =	shalt  }
0x5d: {  	_ =	shalt  }
0x5e: {  	_ =	shalt  }
0x5f: {  	_ =	shalt  }
0x60: {  	_ =	shalt  }
0x61: {  	_ =	shalt  }
0x62: {  	_ =	shalt  }
0x63: {  	_ =	shalt  }
0x64: {  	_ =	shalt  }
0x65: {  	_ =	shalt  }
0x66: {  	_ =	shalt  }
0x67: {  	_ =	shalt  }
0x68: {  	_ =	shalt  }
0x69: {  	_ =	shalt  }
0x6a: {  	_ =	shalt  }
0x6b: {  	_ =	shalt  }
0x6c: {  	_ =	shalt  }
0x6d: {  	_ =	shalt  }
0x6e: {  	_ =	shalt  }
0x6f: {  	_ =	shalt  }
0x70: {  	_ =	shalt  }
0x71: {  	_ =	shalt  }
0x72: {  	_ =	shalt  }
0x73: {  	_ =	shalt  }
0x74: {  	_ =	shalt  }
0x75: {  	_ =	shalt  }
0x76: {  	_ =	shalt  }
0x77: {  	_ =	shalt  }
0x78: {  	_ =	shalt  }
0x79: {  	_ =	shalt  }
0x7a: {  	_ =	shalt  }
0x7b: {  	_ =	shalt  }
0x7c: {  	_ =	shalt  }
0x7d: {  	_ =	shalt  }
0x7e: {  	_ =	shalt  }
0x7f: {  	_ =	shalt  }
0x80: {  	_ =	shalt  }
0x81: {  	_ =	shalt  }
0x82: {  	_ =	shalt  }
0x83: {  	_ =	shalt  }
0x84: {  	_ =	shalt  }
0x85: {  	_ =	shalt  }
0x86: {  	_ =	shalt  }
0x87: {  	_ =	shalt  }
.Lfunc_end0:
.L_simem_size_0:
called_computation_lowered:
.L_overlay_start_0:
0x88: {  	s2 =	sld [smem:$0x3FD9]  }
0x89: {  	s3 =	sld [smem:$0x3FFE];
	_ =	sdelay $0x1  }
0x8a: {  	s1 =	srdreg.scid  }
0x8b: {  	s0 =	sand.u32 $0x1, s1  }
0x8c: {  	s17 =	sshll.u32 s0, $0xA;
	s2 =	sadd.s32 s3, s2  }
0x8d: {  	s2 =	sadd.s32 s2, s17  }
0x8e: {  	[smem:$0x3FC4] =	sst s2  }
0x8f: {  	_ = 	snop  }
0x90: {  	s2 =	sld [smem:$0x3FD0];
	(tm) =	ssettm $0x1  }
0x91: {  	s18 =	sld [smem:$0x3FFB];
	_ =	sdelay $0x3  }
0x92: {  	_ =	strace s18  }
0x93: {  	s3 =	sld [smem:$0x3FFC];
	_ =	sdelay $0x3  }
0x94: {  	_ =	strace s3  }
0x95: {  	s3 =	sld [smem:$0x3FFD];
	_ =	sdelay $0x3  }
0x96: {  	_ =	strace s3  }
0x97: {  	_ =	strace $0x8FFFFFFF  }
0x98: {  	s19 =	sld [smem:$0x3FDB];
	_ =	sdelay $0x1  }
0x99: {  	s4 =	simm.s32 $_scs_section_size  }
0x9a: {  	s5 =	simm.s32 $_size__tile_overlayer_lowered;
	s6 =	simm.s32 $_tile_overlayer_lowered  }
0x9b: {  	s22 =	simm.s32 $0x1BFF;
	s21 =	sshll.u32 s6, $0x1;
	s3 =	sadd.s32 s4, s19  }
0x9c: {  	s7 =	simm.s32 $0x0;
	s20 =	sshll.u32 s5, $0x1;
	s5 =	sadd.s32 s21, s3  }
0x9d: {  	[timem:s7], [sflag:s22] =	dma.local [hbm:s5], s20  }
0x9e: {  	_ =	swait.ge [sflag:s22], s20  }
0x9f: {  	s4 =	ssub.s32 $0x0, s20;
	[sflag:s22] =	ssyncset.done $0x0  }
0xa0: {  	[sflag:s22] =	ssyncadd.s32 s4;
	_ =	sdelay $0x1  }
0xa1: {  	s23 =	simm.s32 $0x1B8B  }
0xa2: {  	_ =	swait.ge [sflag:s23], $0x1  }
0xa3: {  	[sflag:s23] =	ssyncset.done $0x0  }
0xa4: {  	s25 =	simm.s32 $0x1B8E;
	s24 =	sld [smem:$0x3FFE];
	[sflag:s23] =	ssyncadd.s32 $0xFFFFFFFF  }
0xa5: {  	s26 =	simm.s32 $execute0_lowered;
	[smem:$0x3FD2] =	sst s25  }
0xa6: {  	s5 =	sshll.u32 s26, $0x1;
	_ =	strace $0x80000046;
	[dreg:$0x1] =	wrdreg $0xFFFFFFFF  }
0xa7: {  	s28 =	simm.s32 $_size_execute0_lowered;
	s3 =	sadd.s32 s3, s5;
	[dreg:$0x0] =	wrdreg $0x0  }
0xa8: {  	s5 =	sshll.u32 s28, $0x1;
	[dreg:$0x2] =	wrdreg s3  }
0xa9: {  	[dreg:$0x3] =	wrdreg s5  }
0xaa: {  	[dreg:$0x4] =	wrdreg $0xC0  }
0xab: {  	_ =	task [dreg:s7], $0x5FFFF  }
0xac: {  	[dreg:$0x1] =	wrdreg $0xFFFFFFFF  }
0xad: {  	[dreg:$0x0] =	wrdreg $0x60  }
0xae: {  	[dreg:$0x2] =	wrdreg s24  }
0xaf: {  	[dreg:$0x3] =	wrdreg s2  }
0xb0: {  	[dreg:$0x4] =	wrdreg $0x18800  }
0xb1: {  	[dreg:$0x5] =	wrdreg $0x9  }
0xb2: {  	_ =	task.clear_ibuf [dreg:s7], $0x6FFFF;
	_ =	strace $0x90000046  }
0xb3: {  	s29 =	simm.s32 $0x9;
	_ =	strace $0x80000048  }
0xb4: {  	_ =	swait.ge [sflag:s29], $0x1  }
0xb5: {  	[sflag:s29] =	ssyncadd.s32 $0xFFFFFFFF  }
0xb6: {  	_ =	strace $0x90000048  }
0xb7: {  	_ =	sfence  }
0xb8: {  	s30 =	sld [smem:$0x0];
	_ =	sdelay $0x2  }
0xb9: {  	s31 =	sshll.u32 s1, $0xD;
	s1 =	sshrl.u32 s1, $0x2  }
0xba: {  	s3 =	sand.u32 $0x4000, s31;
	s1 =	sadd.s32 s1, s30  }
0xbb: {  	s0 =	sor.u32 s3, s0;
	s1 =	sshll.u32 s1, $0x11  }
0xbc: {  	s0 =	sor.u32 s1, s0  }
0xbd: {  	s0 =	sadd.s32 $0x8F2B, s0  }
0xbe: {  	[sflag:s0] =	ssyncadd.remote.s32 $0x1  }
0xbf: {  	_ =	sfence.sel $0xFFFF  }
0xc0: {  	[dreg:$0x0] =	wrdreg $0xFFFFFFFF;
	(pc) =	sbr.abs _section_cstart, $3  }
0xc1: {  	[dreg:$0x1] =	wrdreg $0xFFFFFFFF  }
0xc2: {  	_ =	task.clear_ibuf [dreg:s7], $0x2FFFF;
	_ =	strace $0x9FFFFFFF  }
0xc3: {  	(tm) =	ssettm $0x7FFFFFFF  }
tec
execute0_lowered:
.L_overlay_start_1:
0x0: {  	(tag) =	ssettag $0x1  }
0x1: {  	s1 =	rddreg [dreg:$0x0]  }
0x2: {  	s0 =	srdreg.scid;
	s4 =	rddreg [dreg:$0x1]  }
0x3: {  	s10 =	stileid.u32;
	s2 =	rddreg [dreg:$0x2]  }
0x4: {  	s11 =	simm.s32 $0x2;
	s12 =	simm.s32 $0x7D;
	s13 =	simm.s32 $0x1400  }
0x5: {  	s31 =	simm.s32 $0x80;
	s14 =	simm.s32 $0xD80;
	s15 =	simm.s32 $0xE00  }
0x6: {  	s16 =	simm.s32 $0xE80;
	s17 =	simm.s32 $0xF00;
	s18 =	simm.s32 $0xF80  }
0x7: {  	s19 =	simm.s32 $0x1000;
	s20 =	simm.s32 $0x1080;
	s21 =	simm.s32 $0x1100  }
0x8: {  	s22 =	simm.s32 $0x1180;
	s23 =	simm.s32 $0x1200;
	s28 =	simm.s32 $0x1  }
0x9: {  	s29 =	simm.s32 $0x0;
	s0 =	sand.u32 $0x1, s0;
	s6 =	smul.u32 $0xFA0, s10  }
0xa: {  	s8 =	smul.u32 $0x3E8, s10;
	p0 =	sgt.u32 s10, $0x9;
	s3 =	sshll.u32 s0, $0x4  }
0xb: {  	s7 =	ssub.s32 $0x2, s0;
	s0 =	smul.u32 $0x2710, s0;
	s5 =	sor.u32 s10, s3  }
0xc: {  	s3 =	simm.s32 $0x0;
	s9 =	sshrl.u32 s7, $0x1;
	s6 =	sshrl.u32 s6, $0x2  }
0xd: {  	s26 =	sadd.s32 s8, s2;
	s10 =	simm.s32 $0xA00;
	s5 =	smul.u32 $0x2800, s5  }
0xe: {  	[smem:$0x7FF] =	sst s3;
	s24 =	ssub.s32 s7, s9;
	s6 =	sadd.s32 s6, s2  }
0xf: {  	s0 =	sadd.s32 s8, s0;
	s7 =	simm.s32 $0xC00;
	s8 =	simm.s32 $0xC80  }
0x10: {  	s9 =	simm.s32 $0xD00;
	_ =	strace $0x80000047;
	[dreg:$0x4] =	wrdreg s6  }
0x11: {  	[dreg:$0x7] =	wrdreg s26;
	s0 =	sshrl.u32 s0, $0x3;
	s30 =	smax.u32 s24, $0x1  }
0x12: {  	s6 =	simm.s32 $0xB80;
	s24 =	simm.s32 $0x1280;
	s5 =	sshrl.u32 s5, $0x3  }
0x13: {  	s0 =	sadd.s32 s4, s0;
	[dreg:$0x9] =	wrdreg s30;
	s1 =	sadd.s32 s5, s1  }
0x14: {  	s26 =	simm.s32 $0x1380;
	[dreg:$0x8] =	wrdreg s0;
	s25 =	sadd.s32 $0x1000, s1  }
0x15: {  	s4 =	simm.s32 $0xA80;
	s1 =	sadd.s32 $0x1280, s1;
	[dreg:$0x5] =	wrdreg s25  }
0x16: {  	v0 =	vimm.f32 $1.000000000e+00;
	v1 =	vimm.f32 $0.0e+00;
	s5 =	simm.s32 $0xB00;
	[dreg:$0x6] =	wrdreg s1;
	s25 =	simm.s32 $0x1300  }
.LBB2_1:
0x17: {  	[tilespmem:$0x1400] =	vst v0  }
0x18: {  	[tilespmem:$0x1410] =	vst v0  }
0x19: {  	[tilespmem:$0x1420] =	vst v0  }
.Ltmp0:
0x1a: {  	[tilespmem:$0x1430] =	vst v0;
	(pc) =	sbr.rel @p0 .LBB2_3-.Ltmp0, $4  }
0x1b: {  	[tilespmem:$0x1440] =	vst v0  }
0x1c: {  	[tilespmem:$0x1450] =	vst v0  }
0x1d: {  	[tilespmem:$0x1460] =	vst v0  }
0x1e: {  	[tilespmem:$0x1470] =	vst v0  }
0x1f: {  	[tilespmem:$0x1480] =	vst v1  }
0x20: {  	[tilespmem:$0x1490] =	vst v1  }
0x21: {  	[tilespmem:$0x14A0] =	vst v1  }
0x22: {  	[tilespmem:$0x14B0] =	vst v1  }
0x23: {  	[tilespmem:$0x14C0] =	vst v1  }
0x24: {  	[tilespmem:$0x14D0] =	vst v1  }
0x25: {  	[tilespmem:$0x14E0] =	vst v1  }
0x26: {  	[tilespmem:$0x14F0] =	vst v1  }
0x27: {  	[tilespmem:$0x1500] =	vst v1  }
0x28: {  	[tilespmem:$0x1510] =	vst v1  }
0x29: {  	[tilespmem:$0x1520] =	vst v1  }
0x2a: {  	[tilespmem:$0x1530] =	vst v1  }
0x2b: {  	[tilespmem:$0x1540] =	vst v1  }
0x2c: {  	[tilespmem:$0x1550] =	vst v1  }
0x2d: {  	[tilespmem:$0x1560] =	vst v1  }
0x2e: {  	[tilespmem:$0x1570] =	vst v1  }
0x2f: {  	[tilespmem:$0x1580] =	vst v1  }
0x30: {  	[tilespmem:$0x1590] =	vst v1  }
0x31: {  	[tilespmem:$0x15A0] =	vst v1  }
0x32: {  	[tilespmem:$0x15B0] =	vst v1  }
0x33: {  	[tilespmem:$0x15C0] =	vst v1  }
0x34: {  	[tilespmem:$0x15D0] =	vst v1  }
0x35: {  	[tilespmem:$0x15E0] =	vst v1  }
0x36: {  	[tilespmem:$0x15F0] =	vst v1  }
0x37: {  	[tilespmem:$0x1600] =	vst v1  }
0x38: {  	[tilespmem:$0x1610] =	vst v1  }
0x39: {  	[tilespmem:$0x1620] =	vst v1  }
0x3a: {  	[tilespmem:$0x1630] =	vst v1  }
0x3b: {  	[tilespmem:$0x1640] =	vst v1  }
0x3c: {  	[tilespmem:$0x1650] =	vst v1  }
0x3d: {  	[tilespmem:$0x1660] =	vst v1  }
0x3e: {  	[tilespmem:$0x1670] =	vst v1  }
0x3f: {  	[tilespmem:$0x1680] =	vst v1  }
0x40: {  	[tilespmem:$0x1690] =	vst v1  }
0x41: {  	[tilespmem:$0x16A0] =	vst v1  }
0x42: {  	[tilespmem:$0x16B0] =	vst v1  }
0x43: {  	[tilespmem:$0x16C0] =	vst v1  }
0x44: {  	[tilespmem:$0x16D0] =	vst v1  }
0x45: {  	[tilespmem:$0x16E0] =	vst v1  }
0x46: {  	[tilespmem:$0x16F0] =	vst v1  }
0x47: {  	[tilespmem:$0x1700] =	vst v1  }
0x48: {  	[tilespmem:$0x1710] =	vst v1  }
0x49: {  	[tilespmem:$0x1720] =	vst v1  }
0x4a: {  	[tilespmem:$0x1730] =	vst v1  }
0x4b: {  	[tilespmem:$0x1740] =	vst v1  }
0x4c: {  	[tilespmem:$0x1750] =	vst v1  }
0x4d: {  	[tilespmem:$0x1760] =	vst v1  }
0x4e: {  	[tilespmem:$0x1770] =	vst v1  }
0x4f: {  	[tilespmem:$0x1780] =	vst v1  }
0x50: {  	[tilespmem:$0x1790] =	vst v1  }
0x51: {  	[tilespmem:$0x17A0] =	vst v1  }
0x52: {  	[tilespmem:$0x17B0] =	vst v1  }
0x53: {  	[tilespmem:$0x17C0] =	vst v1  }
0x54: {  	[tilespmem:$0x17D0] =	vst v1  }
0x55: {  	[tilespmem:$0x17E0] =	vst v1  }
0x56: {  	[tilespmem:$0x17F0] =	vst v1  }
0x57: {  	[tilespmem:$0x1800] =	vst v1  }
0x58: {  	[tilespmem:$0x1810] =	vst v1  }
0x59: {  	[tilespmem:$0x1820] =	vst v1  }
0x5a: {  	[tilespmem:$0x1830] =	vst v1  }
0x5b: {  	[tilespmem:$0x1840] =	vst v1  }
0x5c: {  	[tilespmem:$0x1850] =	vst v1  }
0x5d: {  	s1 =	rddreg [dreg:$0x4];
	s0 =	simm.s32 $0x1480;
	[tilespmem:$0x1858] =	vst v1  }
0x5e: {  	[spmem:s1] =	stream.linear.scatter [tilespmem:s0], [sflag:$0x2], $0x3E8, $0x38;
	[tilespmem:$0x1AF8] =	vst v63  }
0x5f: {  	_ =	swait.ge [sflag:s11], $0x3E8  }
0x60: {  	[sflag:s11] =	ssyncset.done $0x0  }
0x61: {  	[sflag:s11] =	ssyncadd.s32 $0xFFFFFC18  }
.LBB2_3:
0x62: {  	[bflag:$0x0] =	sbarrier.arrive $0xFFFF  }
0x63: {  	s1 =	rddreg [dreg:$0x5]  }
0x64: {  	[tilespmem:s3], [sflag:$0x2] =	stream.linear.gather [hbm4b:s1+s3], $0x1400, $0x38;
	[tilespmem:$0x1AF8] =	vst v63  }
0x65: {  	_ =	swait.ge [sflag:s11], $0x1400  }
0x66: {  	[sflag:s11] =	ssyncset.done $0x0  }
0x67: {  	[sflag:s11] =	ssyncadd.s32 $0xFFFFEC00  }
0x68: {  	[spmem:s2] =	stream.indirect.scatter.add.f32 [tilespmem:s13], [sflag:$0x1], $0x1, s3, s12, $0xb8;
	[tilespmem:$0x1AF8] =	vst v63  }
0x69: {  	_ = 	snop  }
0x6a: {  	[spmem:s2] =	stream.indirect.scatter.add.f32 [tilespmem:s13], [sflag:$0x1], $0x1, s31, s12, $0xb8;
	[tilespmem:$0x1AF8] =	vst v63  }
0x6b: {  	s0 =	simm.s32 $0x100  }
0x6c: {  	[spmem:s2] =	stream.indirect.scatter.add.f32 [tilespmem:s13], [sflag:$0x1], $0x1, s0, s12, $0xb8;
	[tilespmem:$0x1AF8] =	vst v63  }
0x6d: {  	s1 =	simm.s32 $0x180  }
0x6e: {  	[spmem:s2] =	stream.indirect.scatter.add.f32 [tilespmem:s13], [sflag:$0x1], $0x1, s1, s12, $0xb8;
	[tilespmem:$0x1AF8] =	vst v63  }
0x6f: {  	s1 =	simm.s32 $0x200  }
0x70: {  	[spmem:s2] =	stream.indirect.scatter.add.f32 [tilespmem:s13], [sflag:$0x1], $0x1, s1, s12, $0xb8;
	[tilespmem:$0x1AF8] =	vst v63  }
0x71: {  	s1 =	simm.s32 $0x280  }
0x72: {  	[spmem:s2] =	stream.indirect.scatter.add.f32 [tilespmem:s13], [sflag:$0x1], $0x1, s1, s12, $0xb8;
	[tilespmem:$0x1AF8] =	vst v63  }
0x73: {  	s1 =	simm.s32 $0x300  }
0x74: {  	[spmem:s2] =	stream.indirect.scatter.add.f32 [tilespmem:s13], [sflag:$0x1], $0x1, s1, s12, $0xb8;
	[tilespmem:$0x1AF8] =	vst v63  }
0x75: {  	s1 =	simm.s32 $0x380  }
0x76: {  	[spmem:s2] =	stream.indirect.scatter.add.f32 [tilespmem:s13], [sflag:$0x1], $0x1, s1, s12, $0xb8;
	[tilespmem:$0x1AF8] =	vst v63  }
0x77: {  	s1 =	simm.s32 $0x400  }
0x78: {  	[spmem:s2] =	stream.indirect.scatter.add.f32 [tilespmem:s13], [sflag:$0x1], $0x1, s1, s12, $0xb8;
	[tilespmem:$0x1AF8] =	vst v63  }
0x79: {  	s1 =	simm.s32 $0x480  }
0x7a: {  	[spmem:s2] =	stream.indirect.scatter.add.f32 [tilespmem:s13], [sflag:$0x1], $0x1, s1, s12, $0xb8;
	[tilespmem:$0x1AF8] =	vst v63  }
0x7b: {  	s1 =	simm.s32 $0x500  }
0x7c: {  	[spmem:s2] =	stream.indirect.scatter.add.f32 [tilespmem:s13], [sflag:$0x1], $0x1, s1, s12, $0xb8;
	[tilespmem:$0x1AF8] =	vst v63  }
0x7d: {  	s1 =	simm.s32 $0x580  }
0x7e: {  	[spmem:s2] =	stream.indirect.scatter.add.f32 [tilespmem:s13], [sflag:$0x1], $0x1, s1, s12, $0xb8;
	[tilespmem:$0x1AF8] =	vst v63  }
0x7f: {  	s1 =	simm.s32 $0x600  }
0x80: {  	[spmem:s2] =	stream.indirect.scatter.add.f32 [tilespmem:s13], [sflag:$0x1], $0x1, s1, s12, $0xb8;
	[tilespmem:$0x1AF8] =	vst v63  }
0x81: {  	s1 =	simm.s32 $0x680  }
0x82: {  	[spmem:s2] =	stream.indirect.scatter.add.f32 [tilespmem:s13], [sflag:$0x1], $0x1, s1, s12, $0xb8;
	[tilespmem:$0x1AF8] =	vst v63  }
0x83: {  	s1 =	simm.s32 $0x700  }
0x84: {  	[spmem:s2] =	stream.indirect.scatter.add.f32 [tilespmem:s13], [sflag:$0x1], $0x1, s1, s12, $0xb8;
	[tilespmem:$0x1AF8] =	vst v63  }
0x85: {  	s1 =	simm.s32 $0x780  }
0x86: {  	[spmem:s2] =	stream.indirect.scatter.add.f32 [tilespmem:s13], [sflag:$0x1], $0x1, s1, s12, $0xb8;
	[tilespmem:$0x1AF8] =	vst v63  }
0x87: {  	s1 =	simm.s32 $0x800  }
0x88: {  	[spmem:s2] =	stream.indirect.scatter.add.f32 [tilespmem:s13], [sflag:$0x1], $0x1, s1, s12, $0xb8;
	[tilespmem:$0x1AF8] =	vst v63  }
0x89: {  	s1 =	simm.s32 $0x880  }
0x8a: {  	[spmem:s2] =	stream.indirect.scatter.add.f32 [tilespmem:s13], [sflag:$0x1], $0x1, s1, s12, $0xb8;
	[tilespmem:$0x1AF8] =	vst v63  }
0x8b: {  	s1 =	simm.s32 $0x900  }
0x8c: {  	[spmem:s2] =	stream.indirect.scatter.add.f32 [tilespmem:s13], [sflag:$0x1], $0x1, s1, s12, $0xb8;
	[tilespmem:$0x1AF8] =	vst v63  }
0x8d: {  	s1 =	simm.s32 $0x980  }
0x8e: {  	[spmem:s2] =	stream.indirect.scatter.add.f32 [tilespmem:s13], [sflag:$0x1], $0x1, s1, s12, $0xb8;
	[tilespmem:$0x1AF8] =	vst v63  }
0x8f: {  	_ = 	snop  }
0x90: {  	[spmem:s2] =	stream.indirect.scatter.add.f32 [tilespmem:s13], [sflag:$0x1], $0x1, s10, s12, $0xb8;
	[tilespmem:$0x1AF8] =	vst v63  }
0x91: {  	_ = 	snop  }
0x92: {  	[spmem:s2] =	stream.indirect.scatter.add.f32 [tilespmem:s13], [sflag:$0x1], $0x1, s4, s12, $0xb8;
	[tilespmem:$0x1AF8] =	vst v63  }
0x93: {  	_ = 	snop  }
0x94: {  	[spmem:s2] =	stream.indirect.scatter.add.f32 [tilespmem:s13], [sflag:$0x1], $0x1, s5, s12, $0xb8;
	[tilespmem:$0x1AF8] =	vst v63  }
0x95: {  	_ = 	snop  }
0x96: {  	[spmem:s2] =	stream.indirect.scatter.add.f32 [tilespmem:s13], [sflag:$0x1], $0x1, s6, s12, $0xb8;
	[tilespmem:$0x1AF8] =	vst v63  }
0x97: {  	_ = 	snop  }
0x98: {  	[spmem:s2] =	stream.indirect.scatter.add.f32 [tilespmem:s13], [sflag:$0x1], $0x1, s7, s12, $0xb8;
	[tilespmem:$0x1AF8] =	vst v63  }
0x99: {  	_ = 	snop  }
0x9a: {  	[spmem:s2] =	stream.indirect.scatter.add.f32 [tilespmem:s13], [sflag:$0x1], $0x1, s8, s12, $0xb8;
	[tilespmem:$0x1AF8] =	vst v63  }
0x9b: {  	_ = 	snop  }
0x9c: {  	[spmem:s2] =	stream.indirect.scatter.add.f32 [tilespmem:s13], [sflag:$0x1], $0x1, s9, s12, $0xb8;
	[tilespmem:$0x1AF8] =	vst v63  }
0x9d: {  	_ = 	snop  }
0x9e: {  	[spmem:s2] =	stream.indirect.scatter.add.f32 [tilespmem:s13], [sflag:$0x1], $0x1, s14, s12, $0xb8;
	[tilespmem:$0x1AF8] =	vst v63  }
0x9f: {  	_ = 	snop  }
0xa0: {  	[spmem:s2] =	stream.indirect.scatter.add.f32 [tilespmem:s13], [sflag:$0x1], $0x1, s15, s12, $0xb8;
	[tilespmem:$0x1AF8] =	vst v63  }
0xa1: {  	_ = 	snop  }
0xa2: {  	[spmem:s2] =	stream.indirect.scatter.add.f32 [tilespmem:s13], [sflag:$0x1], $0x1, s16, s12, $0xb8;
	[tilespmem:$0x1AF8] =	vst v63  }
0xa3: {  	_ = 	snop  }
0xa4: {  	[spmem:s2] =	stream.indirect.scatter.add.f32 [tilespmem:s13], [sflag:$0x1], $0x1, s17, s12, $0xb8;
	[tilespmem:$0x1AF8] =	vst v63  }
0xa5: {  	_ = 	snop  }
0xa6: {  	[spmem:s2] =	stream.indirect.scatter.add.f32 [tilespmem:s13], [sflag:$0x1], $0x1, s18, s12, $0xb8;
	[tilespmem:$0x1AF8] =	vst v63  }
0xa7: {  	_ = 	snop  }
0xa8: {  	[spmem:s2] =	stream.indirect.scatter.add.f32 [tilespmem:s13], [sflag:$0x1], $0x1, s19, s12, $0xb8;
	[tilespmem:$0x1AF8] =	vst v63  }
0xa9: {  	_ = 	snop  }
0xaa: {  	[spmem:s2] =	stream.indirect.scatter.add.f32 [tilespmem:s13], [sflag:$0x1], $0x1, s20, s12, $0xb8;
	[tilespmem:$0x1AF8] =	vst v63  }
0xab: {  	_ = 	snop  }
0xac: {  	[spmem:s2] =	stream.indirect.scatter.add.f32 [tilespmem:s13], [sflag:$0x1], $0x1, s21, s12, $0xb8;
	[tilespmem:$0x1AF8] =	vst v63  }
0xad: {  	_ = 	snop  }
0xae: {  	[spmem:s2] =	stream.indirect.scatter.add.f32 [tilespmem:s13], [sflag:$0x1], $0x1, s22, s12, $0xb8;
	[tilespmem:$0x1AF8] =	vst v63  }
0xaf: {  	_ = 	snop  }
0xb0: {  	[spmem:s2] =	stream.indirect.scatter.add.f32 [tilespmem:s13], [sflag:$0x1], $0x1, s23, s12, $0xb8;
	[tilespmem:$0x1AF8] =	vst v63  }
0xb1: {  	_ = 	snop  }
0xb2: {  	[spmem:s2] =	stream.indirect.scatter.add.f32 [tilespmem:s13], [sflag:$0x1], $0x1, s24, s12, $0xb8;
	[tilespmem:$0x1AF8] =	vst v63  }
0xb3: {  	_ = 	snop  }
0xb4: {  	[spmem:s2] =	stream.indirect.scatter.add.f32 [tilespmem:s13], [sflag:$0x1], $0x1, s25, s12, $0xb8;
	[tilespmem:$0x1AF8] =	vst v63  }
0xb5: {  	_ = 	snop  }
0xb6: {  	[spmem:s2] =	stream.indirect.scatter.add.f32 [tilespmem:s13], [sflag:$0x1], $0x1, s26, s12, $0xb8;
	[tilespmem:$0x1AF8] =	vst v63  }
0xb7: {  	_ =	swait.ge [sflag:s28], $0x7D  }
0xb8: {  	s30 =	simm.s32 $0x27;
	[sflag:s28] =	ssyncset.done $0x0  }
.LBB2_4:
0xb9: {  	p1 =	sne.s32 s30, $0x1;
	s30 =	sadd.s32 $0xFFFFFFFF, s30;
	[sflag:s28] =	ssyncadd.s32 $0xFFFFFF83  }
.Ltmp1:
0xba: {  	(pc) =	sbr.rel @p1 .LBB2_4-.Ltmp1, $3  }
0xbb: {  	_ =	sdelay $0x1  }
0xbc: {  	_ =	swait.ge [sflag:s28], $0x7D  }
0xbd: {  	[sflag:s28] =	ssyncset.done $0x0  }
0xbe: {  	[sflag:s28] =	ssyncadd.s32 $0xFFFFFF83;
	s1 =	rddreg [dreg:$0x6]  }
0xbf: {  	[tilespmem:s3], [sflag:$0x2] =	stream.linear.gather [hbm4b:s1+s3], $0x1400, $0x38;
	[tilespmem:$0x1AF8] =	vst v63  }
0xc0: {  	_ =	swait.ge [sflag:s11], $0x1400  }
0xc1: {  	[sflag:s11] =	ssyncset.done $0x0  }
0xc2: {  	[sflag:s11] =	ssyncadd.s32 $0xFFFFEC00  }
0xc3: {  	[spmem:s2] =	stream.indirect.scatter.add.f32 [tilespmem:s13], [sflag:$0x1], $0x1, s3, s12, $0xb8;
	[tilespmem:$0x1AF8] =	vst v63  }
0xc4: {  	_ = 	snop  }
0xc5: {  	[spmem:s2] =	stream.indirect.scatter.add.f32 [tilespmem:s13], [sflag:$0x1], $0x1, s31, s12, $0xb8;
	[tilespmem:$0x1AF8] =	vst v63  }
0xc6: {  	s0 =	simm.s32 $0x100  }
0xc7: {  	[spmem:s2] =	stream.indirect.scatter.add.f32 [tilespmem:s13], [sflag:$0x1], $0x1, s0, s12, $0xb8;
	[tilespmem:$0x1AF8] =	vst v63  }
0xc8: {  	s31 =	simm.s32 $0x180  }
0xc9: {  	[spmem:s2] =	stream.indirect.scatter.add.f32 [tilespmem:s13], [sflag:$0x1], $0x1, s31, s12, $0xb8;
	[tilespmem:$0x1AF8] =	vst v63  }
0xca: {  	s1 =	simm.s32 $0x200  }
0xcb: {  	[spmem:s2] =	stream.indirect.scatter.add.f32 [tilespmem:s13], [sflag:$0x1], $0x1, s1, s12, $0xb8;
	[tilespmem:$0x1AF8] =	vst v63  }
0xcc: {  	s31 =	simm.s32 $0x280  }
0xcd: {  	[spmem:s2] =	stream.indirect.scatter.add.f32 [tilespmem:s13], [sflag:$0x1], $0x1, s31, s12, $0xb8;
	[tilespmem:$0x1AF8] =	vst v63  }
0xce: {  	s1 =	simm.s32 $0x300  }
0xcf: {  	[spmem:s2] =	stream.indirect.scatter.add.f32 [tilespmem:s13], [sflag:$0x1], $0x1, s1, s12, $0xb8;
	[tilespmem:$0x1AF8] =	vst v63  }
0xd0: {  	s31 =	simm.s32 $0x380  }
0xd1: {  	[spmem:s2] =	stream.indirect.scatter.add.f32 [tilespmem:s13], [sflag:$0x1], $0x1, s31, s12, $0xb8;
	[tilespmem:$0x1AF8] =	vst v63  }
0xd2: {  	s1 =	simm.s32 $0x400  }
0xd3: {  	[spmem:s2] =	stream.indirect.scatter.add.f32 [tilespmem:s13], [sflag:$0x1], $0x1, s1, s12, $0xb8;
	[tilespmem:$0x1AF8] =	vst v63  }
0xd4: {  	s31 =	simm.s32 $0x480  }
0xd5: {  	[spmem:s2] =	stream.indirect.scatter.add.f32 [tilespmem:s13], [sflag:$0x1], $0x1, s31, s12, $0xb8;
	[tilespmem:$0x1AF8] =	vst v63  }
0xd6: {  	s1 =	simm.s32 $0x500  }
0xd7: {  	[spmem:s2] =	stream.indirect.scatter.add.f32 [tilespmem:s13], [sflag:$0x1], $0x1, s1, s12, $0xb8;
	[tilespmem:$0x1AF8] =	vst v63  }
0xd8: {  	s31 =	simm.s32 $0x580  }
0xd9: {  	[spmem:s2] =	stream.indirect.scatter.add.f32 [tilespmem:s13], [sflag:$0x1], $0x1, s31, s12, $0xb8;
	[tilespmem:$0x1AF8] =	vst v63  }
0xda: {  	s1 =	simm.s32 $0x600  }
0xdb: {  	[spmem:s2] =	stream.indirect.scatter.add.f32 [tilespmem:s13], [sflag:$0x1], $0x1, s1, s12, $0xb8;
	[tilespmem:$0x1AF8] =	vst v63  }
0xdc: {  	s31 =	simm.s32 $0x680  }
0xdd: {  	[spmem:s2] =	stream.indirect.scatter.add.f32 [tilespmem:s13], [sflag:$0x1], $0x1, s31, s12, $0xb8;
	[tilespmem:$0x1AF8] =	vst v63  }
0xde: {  	s1 =	simm.s32 $0x700  }
0xdf: {  	[spmem:s2] =	stream.indirect.scatter.add.f32 [tilespmem:s13], [sflag:$0x1], $0x1, s1, s12, $0xb8;
	[tilespmem:$0x1AF8] =	vst v63  }
0xe0: {  	s31 =	simm.s32 $0x780  }
0xe1: {  	[spmem:s2] =	stream.indirect.scatter.add.f32 [tilespmem:s13], [sflag:$0x1], $0x1, s31, s12, $0xb8;
	[tilespmem:$0x1AF8] =	vst v63  }
0xe2: {  	s1 =	simm.s32 $0x800  }
0xe3: {  	[spmem:s2] =	stream.indirect.scatter.add.f32 [tilespmem:s13], [sflag:$0x1], $0x1, s1, s12, $0xb8;
	[tilespmem:$0x1AF8] =	vst v63  }
0xe4: {  	s31 =	simm.s32 $0x880  }
0xe5: {  	[spmem:s2] =	stream.indirect.scatter.add.f32 [tilespmem:s13], [sflag:$0x1], $0x1, s31, s12, $0xb8;
	[tilespmem:$0x1AF8] =	vst v63  }
0xe6: {  	s1 =	simm.s32 $0x900  }
0xe7: {  	[spmem:s2] =	stream.indirect.scatter.add.f32 [tilespmem:s13], [sflag:$0x1], $0x1, s1, s12, $0xb8;
	[tilespmem:$0x1AF8] =	vst v63  }
0xe8: {  	s31 =	simm.s32 $0x980  }
0xe9: {  	[spmem:s2] =	stream.indirect.scatter.add.f32 [tilespmem:s13], [sflag:$0x1], $0x1, s31, s12, $0xb8;
	[tilespmem:$0x1AF8] =	vst v63  }
0xea: {  	_ = 	snop  }
0xeb: {  	[spmem:s2] =	stream.indirect.scatter.add.f32 [tilespmem:s13], [sflag:$0x1], $0x1, s10, s12, $0xb8;
	[tilespmem:$0x1AF8] =	vst v63  }
0xec: {  	_ = 	snop  }
0xed: {  	[spmem:s2] =	stream.indirect.scatter.add.f32 [tilespmem:s13], [sflag:$0x1], $0x1, s4, s12, $0xb8;
	[tilespmem:$0x1AF8] =	vst v63  }
0xee: {  	_ = 	snop  }
0xef: {  	[spmem:s2] =	stream.indirect.scatter.add.f32 [tilespmem:s13], [sflag:$0x1], $0x1, s5, s12, $0xb8;
	[tilespmem:$0x1AF8] =	vst v63  }
0xf0: {  	_ = 	snop  }
0xf1: {  	[spmem:s2] =	stream.indirect.scatter.add.f32 [tilespmem:s13], [sflag:$0x1], $0x1, s6, s12, $0xb8;
	[tilespmem:$0x1AF8] =	vst v63  }
0xf2: {  	_ = 	snop  }
0xf3: {  	[spmem:s2] =	stream.indirect.scatter.add.f32 [tilespmem:s13], [sflag:$0x1], $0x1, s7, s12, $0xb8;
	[tilespmem:$0x1AF8] =	vst v63  }
0xf4: {  	_ = 	snop  }
0xf5: {  	[spmem:s2] =	stream.indirect.scatter.add.f32 [tilespmem:s13], [sflag:$0x1], $0x1, s8, s12, $0xb8;
	[tilespmem:$0x1AF8] =	vst v63  }
0xf6: {  	_ = 	snop  }
0xf7: {  	[spmem:s2] =	stream.indirect.scatter.add.f32 [tilespmem:s13], [sflag:$0x1], $0x1, s9, s12, $0xb8;
	[tilespmem:$0x1AF8] =	vst v63  }
0xf8: {  	_ = 	snop  }
0xf9: {  	[spmem:s2] =	stream.indirect.scatter.add.f32 [tilespmem:s13], [sflag:$0x1], $0x1, s14, s12, $0xb8;
	[tilespmem:$0x1AF8] =	vst v63  }
0xfa: {  	_ = 	snop  }
0xfb: {  	[spmem:s2] =	stream.indirect.scatter.add.f32 [tilespmem:s13], [sflag:$0x1], $0x1, s15, s12, $0xb8;
	[tilespmem:$0x1AF8] =	vst v63  }
0xfc: {  	_ = 	snop  }
0xfd: {  	[spmem:s2] =	stream.indirect.scatter.add.f32 [tilespmem:s13], [sflag:$0x1], $0x1, s16, s12, $0xb8;
	[tilespmem:$0x1AF8] =	vst v63  }
0xfe: {  	_ = 	snop  }
0xff: {  	[spmem:s2] =	stream.indirect.scatter.add.f32 [tilespmem:s13], [sflag:$0x1], $0x1, s17, s12, $0xb8;
	[tilespmem:$0x1AF8] =	vst v63  }
0x100: {  	_ = 	snop  }
0x101: {  	[spmem:s2] =	stream.indirect.scatter.add.f32 [tilespmem:s13], [sflag:$0x1], $0x1, s18, s12, $0xb8;
	[tilespmem:$0x1AF8] =	vst v63  }
0x102: {  	_ = 	snop  }
0x103: {  	[spmem:s2] =	stream.indirect.scatter.add.f32 [tilespmem:s13], [sflag:$0x1], $0x1, s19, s12, $0xb8;
	[tilespmem:$0x1AF8] =	vst v63  }
0x104: {  	_ = 	snop  }
0x105: {  	[spmem:s2] =	stream.indirect.scatter.add.f32 [tilespmem:s13], [sflag:$0x1], $0x1, s20, s12, $0xb8;
	[tilespmem:$0x1AF8] =	vst v63  }
0x106: {  	_ = 	snop  }
0x107: {  	[spmem:s2] =	stream.indirect.scatter.add.f32 [tilespmem:s13], [sflag:$0x1], $0x1, s21, s12, $0xb8;
	[tilespmem:$0x1AF8] =	vst v63  }
0x108: {  	_ = 	snop  }
0x109: {  	[spmem:s2] =	stream.indirect.scatter.add.f32 [tilespmem:s13], [sflag:$0x1], $0x1, s22, s12, $0xb8;
	[tilespmem:$0x1AF8] =	vst v63  }
0x10a: {  	_ = 	snop  }
0x10b: {  	[spmem:s2] =	stream.indirect.scatter.add.f32 [tilespmem:s13], [sflag:$0x1], $0x1, s23, s12, $0xb8;
	[tilespmem:$0x1AF8] =	vst v63  }
0x10c: {  	_ = 	snop  }
0x10d: {  	[spmem:s2] =	stream.indirect.scatter.add.f32 [tilespmem:s13], [sflag:$0x1], $0x1, s24, s12, $0xb8;
	[tilespmem:$0x1AF8] =	vst v63  }
0x10e: {  	_ = 	snop  }
0x10f: {  	[spmem:s2] =	stream.indirect.scatter.add.f32 [tilespmem:s13], [sflag:$0x1], $0x1, s25, s12, $0xb8;
	[tilespmem:$0x1AF8] =	vst v63  }
0x110: {  	_ = 	snop  }
0x111: {  	[spmem:s2] =	stream.indirect.scatter.add.f32 [tilespmem:s13], [sflag:$0x1], $0x1, s26, s12, $0xb8;
	[tilespmem:$0x1AF8] =	vst v63  }
0x112: {  	_ =	swait.ge [sflag:s28], $0x7D  }
0x113: {  	s30 =	simm.s32 $0x27;
	[sflag:s28] =	ssyncset.done $0x0  }
.LBB2_6:
0x114: {  	p1 =	sne.s32 s30, $0x1;
	s30 =	sadd.s32 $0xFFFFFFFF, s30;
	[sflag:s28] =	ssyncadd.s32 $0xFFFFFF83  }
.Ltmp2:
0x115: {  	(pc) =	sbr.rel @p1 .LBB2_6-.Ltmp2, $3  }
0x116: {  	_ =	sdelay $0x1  }
0x117: {  	_ =	swait.ge [sflag:s28], $0x7D  }
0x118: {  	[sflag:s28] =	ssyncset.done $0x0  }
0x119: {  	[sflag:s28] =	ssyncadd.s32 $0xFFFFFF83  }
0x11a: {  	[bflag:$0x0] =	sbarrier.arrive $0xFFFF  }
0x11b: {  	s30 =	simm.s32 @!p0 $0x1480;
	s31 =	simm.s32 @!p0 $0x2;
	s1 =	rddreg [dreg:$0x7]  }
0x11c: {  	[tilespmem:s30], [sflag:$0x2] =	stream.linear.gather @!p0 [spmem:s1], $0x3E8, $0x38;
	[tilespmem:$0x1AF8] =	vst v63  }
0x11d: {  	_ =	swait.ge @!p0 [sflag:s31], $0x3E8  }
0x11e: {  	[sflag:s31] =	ssyncset.done @!p0 $0x0  }
0x11f: {  	s1 =	simm.s32 @!p0 $0x0;
	s0 =	rddreg [dreg:$0x8];
	[sflag:s31] =	ssyncadd.s32 @!p0 $0xFFFFFC18  }
0x120: {  	[hbm4b:s0+s1] =	stream.linear.scatter @!p0 [tilespmem:s30], [sflag:$0x2], $0x3E8, $0x38;
	[tilespmem:$0x1AF8] =	vst v63  }
0x121: {  	_ =	swait.ge @!p0 [sflag:s31], $0x3E8  }
0x122: {  	s29 =	sadd.s32 $0x1, s29;
	s30 =	rddreg [dreg:$0x9]  }
0x123: {  	p1 =	sne.s32 s29, s30  }
.Ltmp3:
0x124: {  	_ = 	snop;
	(pc) =	sbr.rel @p1 .LBB2_1-.Ltmp3, $3  }
0x125: {  	_ =	sdelay $0x1  }
0x126: {  	[sflag:s31] =	ssyncset.done @!p0 $0x0  }
0x127: {  	[sflag:s31] =	ssyncadd.s32 @!p0 $0xFFFFFC18;
	s31 =	simm.s32 $0x80  }
0x128: {  	_ =	sfence.sel $0x180000  }
0x129: {  	[bflag:$0x0] =	sbarrier.arrive $0xFFFF  }
0x12a: {  	_ =	strace $0x90000047  }
0x12b: {  	s0 =	stileid.u32;
	[bflag:$0x2] =	sbarrier.arrive $0xFFFF  }
0x12c: {  	p0 =	sne.s32 s0, $0x0;
	s0 =	rddreg [dreg:$0x3]  }
0x12d: {  	s0 =	sadd.s32 @!p0 $0x100000, s0  }
0x12e: {  	[sflag:s0] =	ssyncadd.tile.s32 @!p0 $0x1;
	_ =	shalt  }
.Lfunc_end2:
_tile_overlayer_lowered:
.L_overlay_start_2:
0x12f: {  	(tag) =	ssettag $0x2  }
0x130: {  	s0 =	rddreg [dreg:$0x0];
	s2 =	stileid.u32  }
0x131: {  	s1 =	rddreg [dreg:$0x1];
	p0 =	sne.s32 s2, $0x0  }
0x132: {  	s3 =	rddreg [dreg:$0x2];
	[bflag:$0x3] =	sbarrier.arrive $0xFFFF;
	s2 =	simm.s32 @!p0 $0x1C02  }
0x133: {  	[timem:s3], [sflag:s2] =	dma.local @!p0 [hbm:s0], s1  }
0x134: {  	s0 =	simm.s32 @!p0 $0x2  }
0x135: {  	_ =	swait.ge @!p0 [sflag:s0], s1  }
0x136: {  	s1 =	ssub.s32 @!p0 $0x0, s1;
	[sflag:s0] =	ssyncset.done @!p0 $0x0  }
0x137: {  	[sflag:s0] =	ssyncadd.s32 @!p0 s1  }
0x138: {  	[bflag:$0x3] =	sbarrier.arrive $0xFFFF  }
0x139: {  	_ =	shalt  }

// kernel: kernel.9.cloned.1.call-start
scs
__scs_entry_jumppad:
0x0: {  	(pc) =	sbr.rel $0x88, $3  }
0x1: {  	(tag) =	ssettag $0x0;
	lr =	simm.s32 $0x1  }
0x2: {  	[smem:$0x3F9D] =	sst lr;
	_ =	strace $0xD0000000  }
0x3: {  	_ = 	snop  }
0x4: {  	_ = 	snop  }
0x5: {  	_ = 	snop  }
0x6: {  	_ = 	snop  }
0x7: {  	_ = 	snop  }
__scs_overlays_trampoline_lowered:
0x8: {  	[smem:$0x3FAC] =	sst s0  }
0x9: {  	[smem:$0x3FAD] =	sst s1  }
0xa: {  	[smem:$0x3FAE] =	sst s2  }
0xb: {  	[smem:$0x3FAF] =	sst s3  }
0xc: {  	[smem:$0x3FB0] =	sst s4  }
0xd: {  	[smem:$0x3FB1] =	sst s5  }
0xe: {  	[smem:$0x3FB2] =	sst s6  }
0xf: {  	[smem:$0x3FB3] =	sst s7  }
0x10: {  	[smem:$0x3FB4] =	sst s8  }
0x11: {  	[smem:$0x3FB5] =	sst s9;
	s0 =	simm.s32 @!p0 $0x0  }
0x12: {  	s1 =	sld [smem:$0x3F9B];
	s0 =	simm.s32 @p0 $0x1  }
0x13: {  	[smem:$0x3FB6] =	sst s0;
	s0 =	simm.s32 @!p1 $0x0  }
0x14: {  	s2 =	sld [smem:$0x3F9A];
	s0 =	simm.s32 @p1 $0x1  }
0x15: {  	[smem:$0x3FB7] =	sst s0;
	s0 =	simm.s32 @!p2 $0x0  }
0x16: {  	s3 =	sld [smem:$0x3FDB];
	s0 =	simm.s32 @p2 $0x1  }
0x17: {  	s4 =	simm.s32 $0x1BF5;
	[smem:$0x3FB9] =	sst s0  }
0x18: {  	s0 =	sld [smem:$0x3F9C];
	_ =	swait.ge [sflag:s4], $0x0  }
0x19: {  	s7 =	sld [smem:$0x3F9D]  }
0x1a: {  	s8 =	sadd.s32 $0xFFFFE003, lr  }
0x1b: {  	s9 =	sadd.s32 $0xFFFFFEF7, lr;
	s5 =	simm.s32 $0xFFFFFFFF;
	p2 =	slt.u32 s8, $0xFFFFF086  }
0x1c: {  	p1 =	slt.u32 s9, $0xF7A;
	s5 =	simm.s32 @!p2 $0x0  }
0x1d: {  	s5 =	simm.s32 @p1 $0x1;
	p0 =	seq.s32 s7, s2  }
0x1e: {  	s7 =	smul.u32 @!p0 $0xF7A, s2;
	p2 =	seq.s32 @!p0 s5, $0x0  }
0x1f: {  	s9 =	smul.u32 $0xF7A, s1;
	s8 =	simm.s32 @!p0 $0x1BF5;
	p2 =	por !p2, p0  }
0x20: {  	[sflag:s8] =	ssyncset.s32 @!p0 $0xFFFFF086;
	s6 =	sadd.s32 @!p0 s3, s7;
	s7 =	simm.s32 @!p0 $0x108  }
0x21: {  	s3 =	sadd.s32 s3, s9;
	s6 =	sadd.s32 @!p0 $0x88, s6;
	s7 =	simm.s32 @p2 $0x1082  }
0x22: {  	[simem:s7], [sflag:s8] =	dma.local @!p0 [hbm:s6], $0xF7A  }
0x23: {  	s9 =	sor.u32 $0xD0000000, s2;
	s6 =	simm.s32 $0x108;
	_ =	swait.ge @!p0 [sflag:s8], $0x0  }
0x24: {  	s3 =	sadd.s32 $0x88, s3;
	s6 =	simm.s32 @!p1 $0x1082;
	[sflag:s4] =	ssyncset.s32 $0xFFFFF086  }
0x25: {  	[simem:s6], [sflag:s4] =	dma.local [hbm:s3], $0xF7A  }
0x26: {  	[smem:$0x3F9D] =	sst s1;
	(tag) =	ssettag s2;
	_ =	strace s9  }
0x27: {  	s1 =	sld [smem:$0x3FAD]  }
0x28: {  	s2 =	sld [smem:$0x3FAE]  }
0x29: {  	s4 =	sld [smem:$0x3FB0]  }
0x2a: {  	p0 =	seq.s32 s5, $0x0;
	s5 =	sld [smem:$0x3FB1]  }
0x2b: {  	s6 =	sld [smem:$0x3FB2]  }
0x2c: {  	s7 =	sld [smem:$0x3FB3]  }
0x2d: {  	s3 =	simm.s32 $0x108;
	s8 =	sld [smem:$0x3FB4]  }
0x2e: {  	s3 =	simm.s32 @!p0 $0x1082;
	s9 =	sld [smem:$0x3FB5]  }
0x2f: {  	lr =	sadd.s32 s0, s3;
	s0 =	sld [smem:$0x3FAC]  }
0x30: {  	s3 =	sld [smem:$0x3FAF]  }
0x31: {  	[smem:$0x3FB8] =	sst s10  }
0x32: {  	s10 =	sld [smem:$0x3FB6];
	_ =	sdelay $0x3  }
0x33: {  	p0 =	seq.s32 s10, $0x1;
	s10 =	sld [smem:$0x3FB8];
	_ =	sdelay $0x3  }
0x34: {  	[smem:$0x3FB8] =	sst s10  }
0x35: {  	s10 =	sld [smem:$0x3FB7];
	_ =	sdelay $0x3  }
0x36: {  	p1 =	seq.s32 s10, $0x1;
	s10 =	sld [smem:$0x3FB8];
	_ =	sdelay $0x3  }
0x37: {  	[smem:$0x3FB8] =	sst s10  }
0x38: {  	s10 =	sld [smem:$0x3FB9]  }
0x39: {  	_ = 	snop;
	(pc) =	sbr.ind lr, $3  }
0x3a: {  	_ = 	snop  }
0x3b: {  	_ = 	snop  }
0x3c: {  	p2 =	seq.s32 s10, $0x1;
	s10 =	sld [smem:$0x3FB8]  }
0x3d: {  	_ =	shalt  }
0x3e: {  	_ =	shalt  }
0x3f: {  	_ =	shalt  }
0x40: {  	_ =	shalt  }
0x41: {  	_ =	shalt  }
0x42: {  	_ =	shalt  }
0x43: {  	_ =	shalt  }
0x44: {  	_ =	shalt  }
0x45: {  	_ =	shalt  }
0x46: {  	_ =	shalt  }
0x47: {  	_ =	shalt  }
0x48: {  	_ =	shalt  }
0x49: {  	_ =	shalt  }
0x4a: {  	_ =	shalt  }
0x4b: {  	_ =	shalt  }
0x4c: {  	_ =	shalt  }
0x4d: {  	_ =	shalt  }
0x4e: {  	_ =	shalt  }
0x4f: {  	_ =	shalt  }
0x50: {  	_ =	shalt  }
0x51: {  	_ =	shalt  }
0x52: {  	_ =	shalt  }
0x53: {  	_ =	shalt  }
0x54: {  	_ =	shalt  }
0x55: {  	_ =	shalt  }
0x56: {  	_ =	shalt  }
0x57: {  	_ =	shalt  }
0x58: {  	_ =	shalt  }
0x59: {  	_ =	shalt  }
0x5a: {  	_ =	shalt  }
0x5b: {  	_ =	shalt  }
0x5c: {  	_ =	shalt  }
0x5d: {  	_ =	shalt  }
0x5e: {  	_ =	shalt  }
0x5f: {  	_ =	shalt  }
0x60: {  	_ =	shalt  }
0x61: {  	_ =	shalt  }
0x62: {  	_ =	shalt  }
0x63: {  	_ =	shalt  }
0x64: {  	_ =	shalt  }
0x65: {  	_ =	shalt  }
0x66: {  	_ =	shalt  }
0x67: {  	_ =	shalt  }
0x68: {  	_ =	shalt  }
0x69: {  	_ =	shalt  }
0x6a: {  	_ =	shalt  }
0x6b: {  	_ =	shalt  }
0x6c: {  	_ =	shalt  }
0x6d: {  	_ =	shalt  }
0x6e: {  	_ =	shalt  }
0x6f: {  	_ =	shalt  }
0x70: {  	_ =	shalt  }
0x71: {  	_ =	shalt  }
0x72: {  	_ =	shalt  }
0x73: {  	_ =	shalt  }
0x74: {  	_ =	shalt  }
0x75: {  	_ =	shalt  }
0x76: {  	_ =	shalt  }
0x77: {  	_ =	shalt  }
0x78: {  	_ =	shalt  }
0x79: {  	_ =	shalt  }
0x7a: {  	_ =	shalt  }
0x7b: {  	_ =	shalt  }
0x7c: {  	_ =	shalt  }
0x7d: {  	_ =	shalt  }
0x7e: {  	_ =	shalt  }
0x7f: {  	_ =	shalt  }
0x80: {  	_ =	shalt  }
0x81: {  	_ =	shalt  }
0x82: {  	_ =	shalt  }
0x83: {  	_ =	shalt  }
0x84: {  	_ =	shalt  }
0x85: {  	_ =	shalt  }
0x86: {  	_ =	shalt  }
0x87: {  	_ =	shalt  }
.Lfunc_end0:
.L_simem_size_0:
called_computation.1_lowered:
.L_overlay_start_0:
0x88: {  	s2 =	sld [smem:$0x3FD9]  }
0x89: {  	s3 =	sld [smem:$0x3FFE];
	_ =	sdelay $0x1  }
0x8a: {  	s1 =	srdreg.scid  }
0x8b: {  	s0 =	sand.u32 $0x1, s1  }
0x8c: {  	s17 =	sshll.u32 s0, $0xA;
	s2 =	sadd.s32 s3, s2  }
0x8d: {  	s2 =	sadd.s32 s2, s17  }
0x8e: {  	[smem:$0x3FC4] =	sst s2  }
0x8f: {  	_ = 	snop  }
0x90: {  	s2 =	sld [smem:$0x3FD0];
	(tm) =	ssettm $0x1  }
0x91: {  	s18 =	sld [smem:$0x3FFB];
	_ =	sdelay $0x3  }
0x92: {  	_ =	strace s18  }
0x93: {  	s3 =	sld [smem:$0x3FFC];
	_ =	sdelay $0x3  }
0x94: {  	_ =	strace s3  }
0x95: {  	s3 =	sld [smem:$0x3FFD];
	_ =	sdelay $0x3  }
0x96: {  	_ =	strace s3  }
0x97: {  	_ =	strace $0x8FFFFFFF  }
0x98: {  	s19 =	sld [smem:$0x3FDB];
	_ =	sdelay $0x1  }
0x99: {  	s4 =	simm.s32 $_scs_section_size  }
0x9a: {  	s5 =	simm.s32 $_size__tile_overlayer_lowered;
	s6 =	simm.s32 $_tile_overlayer_lowered  }
0x9b: {  	s22 =	simm.s32 $0x1BFF;
	s21 =	sshll.u32 s6, $0x1;
	s3 =	sadd.s32 s4, s19  }
0x9c: {  	s7 =	simm.s32 $0x0;
	s20 =	sshll.u32 s5, $0x1;
	s5 =	sadd.s32 s21, s3  }
0x9d: {  	[timem:s7], [sflag:s22] =	dma.local [hbm:s5], s20  }
0x9e: {  	_ =	swait.ge [sflag:s22], s20  }
0x9f: {  	s4 =	ssub.s32 $0x0, s20;
	[sflag:s22] =	ssyncset.done $0x0  }
0xa0: {  	[sflag:s22] =	ssyncadd.s32 s4;
	_ =	sdelay $0x1  }
0xa1: {  	s23 =	simm.s32 $0x1B8B  }
0xa2: {  	_ =	swait.ge [sflag:s23], $0x1  }
0xa3: {  	[sflag:s23] =	ssyncset.done $0x0  }
0xa4: {  	s25 =	simm.s32 $0x1B8E;
	s24 =	sld [smem:$0x3FFE];
	[sflag:s23] =	ssyncadd.s32 $0xFFFFFFFF  }
0xa5: {  	s26 =	simm.s32 $execute0_lowered;
	[smem:$0x3FD2] =	sst s25  }
0xa6: {  	s5 =	sshll.u32 s26, $0x1;
	_ =	strace $0x80000049;
	[dreg:$0x1] =	wrdreg $0xFFFFFFFF  }
0xa7: {  	s28 =	simm.s32 $_size_execute0_lowered;
	s3 =	sadd.s32 s3, s5;
	[dreg:$0x0] =	wrdreg $0x0  }
0xa8: {  	s5 =	sshll.u32 s28, $0x1;
	[dreg:$0x2] =	wrdreg s3  }
0xa9: {  	[dreg:$0x3] =	wrdreg s5  }
0xaa: {  	[dreg:$0x4] =	wrdreg $0xC0  }
0xab: {  	_ =	task [dreg:s7], $0x5FFFF  }
0xac: {  	[dreg:$0x1] =	wrdreg $0xFFFFFFFF  }
0xad: {  	[dreg:$0x0] =	wrdreg $0x60  }
0xae: {  	[dreg:$0x2] =	wrdreg s2  }
0xaf: {  	[dreg:$0x3] =	wrdreg s24  }
0xb0: {  	[dreg:$0x4] =	wrdreg $0xA8000  }
0xb1: {  	[dreg:$0x5] =	wrdreg $0x9  }
0xb2: {  	_ =	task.clear_ibuf [dreg:s7], $0x6FFFF;
	_ =	strace $0x90000049  }
0xb3: {  	s29 =	simm.s32 $0x9;
	_ =	strace $0x8000004B  }
0xb4: {  	_ =	swait.ge [sflag:s29], $0x1  }
0xb5: {  	[sflag:s29] =	ssyncadd.s32 $0xFFFFFFFF  }
0xb6: {  	_ =	strace $0x9000004B  }
0xb7: {  	_ =	sfence  }
0xb8: {  	s30 =	sld [smem:$0x0];
	_ =	sdelay $0x2  }
0xb9: {  	s31 =	sshll.u32 s1, $0xD;
	s1 =	sshrl.u32 s1, $0x2  }
0xba: {  	s3 =	sand.u32 $0x4000, s31;
	s1 =	sadd.s32 s1, s30  }
0xbb: {  	s0 =	sor.u32 s3, s0;
	s1 =	sshll.u32 s1, $0x11  }
0xbc: {  	s0 =	sor.u32 s1, s0  }
0xbd: {  	s0 =	sadd.s32 $0x8F2B, s0  }
0xbe: {  	[sflag:s0] =	ssyncadd.remote.s32 $0x1  }
0xbf: {  	_ =	sfence.sel $0xFFFF  }
0xc0: {  	[dreg:$0x0] =	wrdreg $0xFFFFFFFF;
	(pc) =	sbr.abs _section_cstart, $3  }
0xc1: {  	[dreg:$0x1] =	wrdreg $0xFFFFFFFF  }
0xc2: {  	_ =	task.clear_ibuf [dreg:s7], $0x2FFFF;
	_ =	strace $0x9FFFFFFF  }
0xc3: {  	(tm) =	ssettm $0x7FFFFFFF  }
tec
execute0_lowered:
.L_overlay_start_1:
0x0: {  	(tag) =	ssettag $0x1  }
0x1: {  	s1 =	rddreg [dreg:$0x0]  }
0x2: {  	s0 =	rddreg [dreg:$0x1]  }
0x3: {  	s2 =	rddreg [dreg:$0x2];
	s3 =	srdreg.scid;
	s4 =	simm.s32 $0x0  }
0x4: {  	s9 =	stileid.u32;
	s20 =	simm.s32 $0x2800;
	s28 =	simm.s32 $0x2  }
0x5: {  	s29 =	simm.s32 $0x1380;
	s30 =	simm.s32 $0x2700;
	s31 =	simm.s32 $0x2780  }
0x6: {  	s3 =	sand.u32 $0x1, s3;
	[smem:$0x7FF] =	sst s4;
	s15 =	sadd.s32 $0xB000, s0  }
0x7: {  	s16 =	sadd.s32 $0x1000, s0;
	s7 =	smul.u32 $0x4E000, s9;
	s8 =	sadd.s32 $0x15000, s0  }
0x8: {  	s0 =	sadd.s32 $0x15800, s0;
	s17 =	smul.u32 $0x13800, s9;
	s14 =	sadd.s32 $0x138000, s2  }
0x9: {  	p0 =	sne.s32 s9, $0xF;
	p1 =	seq.s32 s9, $0xF;
	s5 =	sshll.u32 s3, $0x4  }
0xa: {  	_ =	strace $0x8000004A;
	s6 =	ssub.s32 $0x2, s3;
	[dreg:$0x4] =	wrdreg s8  }
0xb: {  	s3 =	smul.u32 $0x138800, s3;
	s5 =	sor.u32 s9, s5;
	s21 =	sshrl.u32 s6, $0x1  }
0xc: {  	s22 =	sshrl.u32 s7, $0x2;
	s5 =	smul.u32 $0x2800, s5;
	s19 =	ssub.s32 s6, s21  }
0xd: {  	s8 =	sadd.s32 s22, s2;
	s17 =	sadd.s32 s17, s3;
	s3 =	sshrl.u32 s3, $0x3  }
0xe: {  	s21 =	simm.s32 $0x3;
	s22 =	simm.s32 $0x1400;
	s25 =	sadd.s32 $0x3400, s8  }
0xf: {  	s10 =	sadd.s32 $0x6800, s8;
	s11 =	sadd.s32 $0x9C00, s8;
	s12 =	sadd.s32 $0xD000, s8  }
0x10: {  	s13 =	sadd.s32 $0x10400, s8;
	s26 =	sshrl.u32 s17, $0x3;
	s3 =	sadd.s32 s0, s3  }
0x11: {  	s19 =	smax.u32 s19, $0x1;
	s5 =	sshrl.u32 s5, $0x3;
	[dreg:$0x7] =	wrdreg s25  }
0x12: {  	s17 =	sadd.s32 s0, s26;
	s18 =	sadd.s32 $0x24900, s3;
	s0 =	sadd.s32 $0x124800, s2  }
0x13: {  	s26 =	simm.s32 $0x6800;
	s23 =	sadd.s32 s15, s5;
	s24 =	sadd.s32 s16, s5  }
0x14: {  	s5 =	sadd.s32 $0x280, s5;
	s25 =	sshrl.u32 @p1 s0, $0x3;
	[dreg:$0x5] =	wrdreg s23  }
0x15: {  	s0 =	simm.s32 $0x0;
	[dreg:$0x6] =	wrdreg s24;
	s15 =	sadd.s32 s15, s5  }
0x16: {  	s16 =	sadd.s32 s16, s5;
	s23 =	simm.s32 $0x1;
	s24 =	simm.s32 $0x7D  }
.LBB2_1:
0x17: {  	s3 =	rddreg [dreg:$0x4]  }
0x18: {  	[tilespmem:s20], [sflag:$0x1] =	stream.linear.gather [hbm4b:s3+s4], $0x3E80, $0x38;
	[tilespmem:$0x1E080] =	vst v63  }
0x19: {  	s6 =	rddreg [dreg:$0x5]  }
0x1a: {  	[tilespmem:s4], [sflag:$0x3] =	stream.linear.gather [hbm4b:s6+s4], $0x1400, $0x38;
	[tilespmem:$0x1E080] =	vst v63  }
0x1b: {  	_ =	swait.ge [sflag:s21], $0x1400  }
0x1c: {  	[sflag:s21] =	ssyncset.done $0x0  }
0x1d: {  	s7 =	rddreg [dreg:$0x6];
	[sflag:s21] =	ssyncadd.s32 $0xFFFFEC00  }
0x1e: {  	[tilespmem:s22], [sflag:$0x3] =	stream.linear.gather [hbm4b:s7+s4], $0x1400, $0x38;
	[tilespmem:$0x1E080] =	vst v63  }
0x1f: {  	_ =	swait.ge [sflag:s21], $0x1400  }
0x20: {  	[sflag:s21] =	ssyncset.done $0x0  }
0x21: {  	[sflag:s21] =	ssyncadd.s32 $0xFFFFEC00  }
0x22: {  	_ =	swait.ge [sflag:s23], $0x3E80  }
0x23: {  	[sflag:s23] =	ssyncset.done $0x0  }
0x24: {  	[sflag:s23] =	ssyncadd.s32 $0xFFFFC180  }
0x25: {  	[spmem:s8] =	stream.linear.scatter [tilespmem:s20], [sflag:$0x1], $0x3400, $0x38;
	[tilespmem:$0x1E080] =	vst v63  }
0x26: {  	s9 =	rddreg [dreg:$0x7]  }
0x27: {  	[spmem:s9] =	stream.linear.scatter [tilespmem:s20], [sflag:$0x1], $0x3400, $0x38;
	[tilespmem:$0x1E080] =	vst v63  }
0x28: {  	_ = 	snop  }
0x29: {  	[spmem:s10] =	stream.linear.scatter [tilespmem:s20], [sflag:$0x1], $0x3400, $0x38;
	[tilespmem:$0x1E080] =	vst v63  }
0x2a: {  	_ = 	snop  }
0x2b: {  	[spmem:s11] =	stream.linear.scatter [tilespmem:s20], [sflag:$0x1], $0x3400, $0x38;
	[tilespmem:$0x1E080] =	vst v63  }
0x2c: {  	_ = 	snop  }
0x2d: {  	[spmem:s12] =	stream.linear.scatter [tilespmem:s20], [sflag:$0x1], $0x3400, $0x38;
	[tilespmem:$0x1E080] =	vst v63  }
0x2e: {  	_ = 	snop  }
0x2f: {  	[spmem:s13] =	stream.linear.scatter [tilespmem:s20], [sflag:$0x1], $0x3400, $0x38;
	[tilespmem:$0x1E080] =	vst v63  }
0x30: {  	_ =	swait.ge [sflag:s23], $0x3400  }
0x31: {  	[sflag:s23] =	ssyncset.done $0x0  }
0x32: {  	[sflag:s23] =	ssyncadd.s32 $0xFFFFCC00  }
0x33: {  	_ =	swait.ge [sflag:s23], $0x3400  }
0x34: {  	[sflag:s23] =	ssyncset.done $0x0  }
0x35: {  	[sflag:s23] =	ssyncadd.s32 $0xFFFFCC00  }
0x36: {  	_ =	swait.ge [sflag:s23], $0x3400  }
0x37: {  	[sflag:s23] =	ssyncset.done $0x0  }
0x38: {  	[sflag:s23] =	ssyncadd.s32 $0xFFFFCC00  }
0x39: {  	_ =	swait.ge [sflag:s23], $0x3400  }
0x3a: {  	[sflag:s23] =	ssyncset.done $0x0  }
0x3b: {  	[sflag:s23] =	ssyncadd.s32 $0xFFFFCC00  }
0x3c: {  	_ =	swait.ge [sflag:s23], $0x3400  }
0x3d: {  	[sflag:s23] =	ssyncset.done $0x0  }
0x3e: {  	[sflag:s23] =	ssyncadd.s32 $0xFFFFCC00  }
0x3f: {  	_ =	swait.ge [sflag:s23], $0x3400  }
0x40: {  	[sflag:s23] =	ssyncset.done $0x0  }
0x41: {  	s3 =	simm.s32 @!p0 $0x2800;
	[sflag:s23] =	ssyncadd.s32 $0xFFFFCC00  }
0x42: {  	[spmem:s14] =	stream.linear.scatter @!p0 [tilespmem:s3], [sflag:$0x3], $0x800, $0x38;
	[tilespmem:$0x1E080] =	vst v63  }
0x43: {  	s3 =	simm.s32 @!p0 $0x3  }
0x44: {  	_ =	swait.ge @!p0 [sflag:s3], $0x800  }
0x45: {  	[sflag:s3] =	ssyncset.done @!p0 $0x0  }
0x46: {  	[sflag:s3] =	ssyncadd.s32 @!p0 $0xFFFFF800  }
0x47: {  	[bflag:$0x0] =	sbarrier.arrive $0xFFFF  }
0x48: {  	[tilespmem:s20], [sflag:$0x1] =	stream.indirect.gather [hbm4b:s1+s24], $0x80, s4, s24, $0xb8;
	[tilespmem:$0x1E080] =	vst v63  }
0x49: {  	s5 =	simm.s32 $0x80  }
0x4a: {  	[tilespmem:s26], [sflag:$0x2] =	stream.indirect.gather [hbm4b:s1+s24], $0x80, s5, s24, $0xb8;
	[tilespmem:$0x1E080] =	vst v63  }
0x4b: {  	_ =	swait.ge [sflag:s23], $0x3E80  }
0x4c: {  	[sflag:s23] =	ssyncset.done $0x0  }
0x4d: {  	s6 =	simm.s32 $0x1400;
	[sflag:s23] =	ssyncadd.s32 $0xFFFFC180  }
0x4e: {  	[spmem:s2] =	stream.indirect.scatter.add.f32 [tilespmem:s20], [sflag:$0x3], $0x80, s6, s24, $0xb8;
	[tilespmem:$0x1E080] =	vst v63  }
0x4f: {  	_ =	swait.ge [sflag:s21], $0x3E80  }
0x50: {  	[sflag:s21] =	ssyncset.done $0x0  }
0x51: {  	s7 =	simm.s32 $0x100;
	[sflag:s21] =	ssyncadd.s32 $0xFFFFC180  }
0x52: {  	[tilespmem:s20], [sflag:$0x1] =	stream.indirect.gather [hbm4b:s1+s24], $0x80, s7, s24, $0xb8;
	[tilespmem:$0x1E080] =	vst v63  }
0x53: {  	_ =	swait.ge [sflag:s28], $0x3E80  }
0x54: {  	[sflag:s28] =	ssyncset.done $0x0  }
0x55: {  	s9 =	simm.s32 $0x1480;
	[sflag:s28] =	ssyncadd.s32 $0xFFFFC180  }
0x56: {  	[spmem:s2] =	stream.indirect.scatter.add.f32 [tilespmem:s26], [sflag:$0x3], $0x80, s9, s24, $0xb8;
	[tilespmem:$0x1E080] =	vst v63  }
0x57: {  	_ =	swait.ge [sflag:s21], $0x3E80  }
0x58: {  	s3 =	simm.s32 $0x100;
	s5 =	simm.s32 $0x800;
	[sflag:s21] =	ssyncset.done $0x0  }
.LBB2_2:
0x59: {  	s6 =	sadd.s32 $0x80, s3  }
0x5a: {  	[sflag:s21] =	ssyncadd.s32 $0xFFFFC180;
	s7 =	smov.u32 s5;
	s9 =	sadd.s32 $0x400, s5  }
0x5b: {  	[tilespmem:s26], [sflag:$0x2] =	stream.indirect.gather [hbm4b:s1+s24], $0x80, s6, s24, $0xb8;
	[tilespmem:$0x1E080] =	vst v63  }
0x5c: {  	p2 =	sne.s32 s5, $0x4800;
	_ =	swait.ge [sflag:s23], $0x3E80  }
0x5d: {  	[sflag:s23] =	ssyncset.done $0x0  }
0x5e: {  	s5 =	sadd.s32 $0x1400, s3;
	[sflag:s23] =	ssyncadd.s32 $0xFFFFC180  }
0x5f: {  	[spmem:s2] =	stream.indirect.scatter.add.f32 [tilespmem:s20], [sflag:$0x3], $0x80, s5, s24, $0xb8;
	[tilespmem:$0x1E080] =	vst v63  }
0x60: {  	_ =	swait.ge [sflag:s21], $0x3E80  }
0x61: {  	[sflag:s21] =	ssyncset.done $0x0  }
0x62: {  	s5 =	sadd.s32 $0x100, s3;
	[sflag:s21] =	ssyncadd.s32 $0xFFFFC180  }
0x63: {  	[tilespmem:s20], [sflag:$0x1] =	stream.indirect.gather [hbm4b:s1+s24], $0x80, s5, s24, $0xb8;
	[tilespmem:$0x1E080] =	vst v63  }
0x64: {  	_ =	swait.ge [sflag:s28], $0x3E80  }
.Ltmp0:
0x65: {  	[sflag:s28] =	ssyncset.done $0x0;
	(pc) =	sbr.rel @p2 .LBB2_2-.Ltmp0, $4  }
0x66: {  	s3 =	sadd.s32 $0x1480, s3;
	[sflag:s28] =	ssyncadd.s32 $0xFFFFC180  }
0x67: {  	[spmem:s2] =	stream.indirect.scatter.add.f32 [tilespmem:s26], [sflag:$0x3], $0x80, s3, s24, $0xb8;
	[tilespmem:$0x1E080] =	vst v63  }
0x68: {  	_ =	swait.ge [sflag:s21], $0x3E80  }
0x69: {  	s5 =	smov.u32 s9;
	s3 =	sshra.s32 s7, $0x2;
	[sflag:s21] =	ssyncset.done $0x0  }
0x6a: {  	s5 =	sadd.s32 $0x80, s3;
	[sflag:s21] =	ssyncadd.s32 $0xFFFFC180  }
0x6b: {  	[tilespmem:s26], [sflag:$0x2] =	stream.indirect.gather [hbm4b:s1+s24], $0x80, s5, s24, $0xb8;
	[tilespmem:$0x1E080] =	vst v63  }
0x6c: {  	_ =	swait.ge [sflag:s23], $0x3E80  }
0x6d: {  	[sflag:s23] =	ssyncset.done $0x0  }
0x6e: {  	s9 =	sadd.s32 $0x1400, s3;
	[sflag:s23] =	ssyncadd.s32 $0xFFFFC180  }
0x6f: {  	[spmem:s2] =	stream.indirect.scatter.add.f32 [tilespmem:s20], [sflag:$0x3], $0x80, s9, s24, $0xb8;
	[tilespmem:$0x1E080] =	vst v63  }
0x70: {  	_ =	swait.ge [sflag:s21], $0x3E80  }
0x71: {  	[sflag:s21] =	ssyncset.done $0x0  }
0x72: {  	s6 =	sadd.s32 $0x100, s3;
	[sflag:s21] =	ssyncadd.s32 $0xFFFFC180  }
0x73: {  	[tilespmem:s20], [sflag:$0x1] =	stream.indirect.gather [hbm4b:s1+s24], $0x80, s6, s24, $0xb8;
	[tilespmem:$0x1E080] =	vst v63  }
0x74: {  	_ =	swait.ge [sflag:s28], $0x3E80  }
0x75: {  	[sflag:s28] =	ssyncset.done $0x0  }
0x76: {  	s7 =	sadd.s32 $0x1480, s3;
	[sflag:s28] =	ssyncadd.s32 $0xFFFFC180  }
0x77: {  	[spmem:s2] =	stream.indirect.scatter.add.f32 [tilespmem:s26], [sflag:$0x3], $0x80, s7, s24, $0xb8;
	[tilespmem:$0x1E080] =	vst v63  }
0x78: {  	_ =	swait.ge [sflag:s21], $0x3E80  }
0x79: {  	[sflag:s21] =	ssyncset.done $0x0  }
0x7a: {  	[sflag:s21] =	ssyncadd.s32 $0xFFFFC180  }
0x7b: {  	[tilespmem:s26], [sflag:$0x2] =	stream.indirect.gather [hbm4b:s1+s24], $0x80, s29, s24, $0xb8;
	[tilespmem:$0x1E080] =	vst v63  }
0x7c: {  	_ =	swait.ge [sflag:s23], $0x3E80  }
0x7d: {  	[sflag:s23] =	ssyncset.done $0x0  }
0x7e: {  	[sflag:s23] =	ssyncadd.s32 $0xFFFFC180  }
0x7f: {  	[spmem:s2] =	stream.indirect.scatter.add.f32 [tilespmem:s20], [sflag:$0x3], $0x80, s30, s24, $0xb8;
	[tilespmem:$0x1E080] =	vst v63  }
0x80: {  	_ =	swait.ge [sflag:s21], $0x3E80  }
0x81: {  	[sflag:s21] =	ssyncset.done $0x0  }
0x82: {  	[sflag:s21] =	ssyncadd.s32 $0xFFFFC180  }
0x83: {  	_ =	swait.ge [sflag:s28], $0x3E80  }
0x84: {  	[sflag:s28] =	ssyncset.done $0x0  }
0x85: {  	[sflag:s28] =	ssyncadd.s32 $0xFFFFC180  }
0x86: {  	[spmem:s2] =	stream.indirect.scatter.add.f32 [tilespmem:s26], [sflag:$0x3], $0x80, s31, s24, $0xb8;
	[tilespmem:$0x1E080] =	vst v63  }
0x87: {  	_ =	swait.ge [sflag:s21], $0x3E80  }
0x88: {  	[sflag:s21] =	ssyncset.done $0x0  }
0x89: {  	s9 =	simm.s32 $0x0;
	[sflag:s21] =	ssyncadd.s32 $0xFFFFC180  }
0x8a: {  	[tilespmem:s9], [sflag:$0x3] =	stream.linear.gather [hbm4b:s15+s9], $0x1400, $0x38;
	[tilespmem:$0x1E080] =	vst v63  }
0x8b: {  	_ =	swait.ge [sflag:s21], $0x1400  }
0x8c: {  	[sflag:s21] =	ssyncset.done $0x0  }
0x8d: {  	[sflag:s21] =	ssyncadd.s32 $0xFFFFEC00  }
0x8e: {  	[tilespmem:s22], [sflag:$0x3] =	stream.linear.gather [hbm4b:s16+s9], $0x1400, $0x38;
	[tilespmem:$0x1E080] =	vst v63  }
0x8f: {  	_ =	swait.ge [sflag:s21], $0x1400  }
0x90: {  	[sflag:s21] =	ssyncset.done $0x0  }
0x91: {  	[sflag:s21] =	ssyncadd.s32 $0xFFFFEC00  }
0x92: {  	[tilespmem:s20], [sflag:$0x1] =	stream.indirect.gather [hbm4b:s1+s24], $0x80, s9, s24, $0xb8;
	[tilespmem:$0x1E080] =	vst v63  }
0x93: {  	s5 =	simm.s32 $0x80  }
0x94: {  	[tilespmem:s26], [sflag:$0x2] =	stream.indirect.gather [hbm4b:s1+s24], $0x80, s5, s24, $0xb8;
	[tilespmem:$0x1E080] =	vst v63  }
0x95: {  	_ =	swait.ge [sflag:s23], $0x3E80  }
0x96: {  	[sflag:s23] =	ssyncset.done $0x0  }
0x97: {  	s6 =	simm.s32 $0x1400;
	[sflag:s23] =	ssyncadd.s32 $0xFFFFC180  }
0x98: {  	[spmem:s2] =	stream.indirect.scatter.add.f32 [tilespmem:s20], [sflag:$0x3], $0x80, s6, s24, $0xb8;
	[tilespmem:$0x1E080] =	vst v63  }
0x99: {  	_ =	swait.ge [sflag:s21], $0x3E80  }
0x9a: {  	[sflag:s21] =	ssyncset.done $0x0  }
0x9b: {  	s7 =	simm.s32 $0x100;
	[sflag:s21] =	ssyncadd.s32 $0xFFFFC180  }
0x9c: {  	[tilespmem:s20], [sflag:$0x1] =	stream.indirect.gather [hbm4b:s1+s24], $0x80, s7, s24, $0xb8;
	[tilespmem:$0x1E080] =	vst v63  }
0x9d: {  	_ =	swait.ge [sflag:s28], $0x3E80  }
0x9e: {  	[sflag:s28] =	ssyncset.done $0x0  }
0x9f: {  	s9 =	simm.s32 $0x1480;
	[sflag:s28] =	ssyncadd.s32 $0xFFFFC180  }
0xa0: {  	[spmem:s2] =	stream.indirect.scatter.add.f32 [tilespmem:s26], [sflag:$0x3], $0x80, s9, s24, $0xb8;
	[tilespmem:$0x1E080] =	vst v63  }
0xa1: {  	_ =	swait.ge [sflag:s21], $0x3E80  }
0xa2: {  	s3 =	simm.s32 $0x100;
	s5 =	simm.s32 $0x800;
	[sflag:s21] =	ssyncset.done $0x0  }
.LBB2_4:
0xa3: {  	s6 =	sadd.s32 $0x80, s3  }
0xa4: {  	[sflag:s21] =	ssyncadd.s32 $0xFFFFC180;
	s7 =	smov.u32 s5;
	s9 =	sadd.s32 $0x400, s5  }
0xa5: {  	[tilespmem:s26], [sflag:$0x2] =	stream.indirect.gather [hbm4b:s1+s24], $0x80, s6, s24, $0xb8;
	[tilespmem:$0x1E080] =	vst v63  }
0xa6: {  	p2 =	sne.s32 s5, $0x4800;
	_ =	swait.ge [sflag:s23], $0x3E80  }
0xa7: {  	[sflag:s23] =	ssyncset.done $0x0  }
0xa8: {  	s5 =	sadd.s32 $0x1400, s3;
	[sflag:s23] =	ssyncadd.s32 $0xFFFFC180  }
0xa9: {  	[spmem:s2] =	stream.indirect.scatter.add.f32 [tilespmem:s20], [sflag:$0x3], $0x80, s5, s24, $0xb8;
	[tilespmem:$0x1E080] =	vst v63  }
0xaa: {  	_ =	swait.ge [sflag:s21], $0x3E80  }
0xab: {  	[sflag:s21] =	ssyncset.done $0x0  }
0xac: {  	s5 =	sadd.s32 $0x100, s3;
	[sflag:s21] =	ssyncadd.s32 $0xFFFFC180  }
0xad: {  	[tilespmem:s20], [sflag:$0x1] =	stream.indirect.gather [hbm4b:s1+s24], $0x80, s5, s24, $0xb8;
	[tilespmem:$0x1E080] =	vst v63  }
0xae: {  	_ =	swait.ge [sflag:s28], $0x3E80  }
.Ltmp1:
0xaf: {  	[sflag:s28] =	ssyncset.done $0x0;
	(pc) =	sbr.rel @p2 .LBB2_4-.Ltmp1, $4  }
0xb0: {  	s3 =	sadd.s32 $0x1480, s3;
	[sflag:s28] =	ssyncadd.s32 $0xFFFFC180  }
0xb1: {  	[spmem:s2] =	stream.indirect.scatter.add.f32 [tilespmem:s26], [sflag:$0x3], $0x80, s3, s24, $0xb8;
	[tilespmem:$0x1E080] =	vst v63  }
0xb2: {  	_ =	swait.ge [sflag:s21], $0x3E80  }
0xb3: {  	s5 =	smov.u32 s9;
	s3 =	sshra.s32 s7, $0x2;
	[sflag:s21] =	ssyncset.done $0x0  }
0xb4: {  	s5 =	sadd.s32 $0x80, s3;
	[sflag:s21] =	ssyncadd.s32 $0xFFFFC180  }
0xb5: {  	[tilespmem:s26], [sflag:$0x2] =	stream.indirect.gather [hbm4b:s1+s24], $0x80, s5, s24, $0xb8;
	[tilespmem:$0x1E080] =	vst v63  }
0xb6: {  	_ =	swait.ge [sflag:s23], $0x3E80  }
0xb7: {  	[sflag:s23] =	ssyncset.done $0x0  }
0xb8: {  	s6 =	sadd.s32 $0x1400, s3;
	[sflag:s23] =	ssyncadd.s32 $0xFFFFC180  }
0xb9: {  	[spmem:s2] =	stream.indirect.scatter.add.f32 [tilespmem:s20], [sflag:$0x3], $0x80, s6, s24, $0xb8;
	[tilespmem:$0x1E080] =	vst v63  }
0xba: {  	_ =	swait.ge [sflag:s21], $0x3E80  }
0xbb: {  	[sflag:s21] =	ssyncset.done $0x0  }
0xbc: {  	s7 =	sadd.s32 $0x100, s3;
	[sflag:s21] =	ssyncadd.s32 $0xFFFFC180  }
0xbd: {  	[tilespmem:s20], [sflag:$0x1] =	stream.indirect.gather [hbm4b:s1+s24], $0x80, s7, s24, $0xb8;
	[tilespmem:$0x1E080] =	vst v63  }
0xbe: {  	_ =	swait.ge [sflag:s28], $0x3E80  }
0xbf: {  	[sflag:s28] =	ssyncset.done $0x0  }
0xc0: {  	s9 =	sadd.s32 $0x1480, s3;
	[sflag:s28] =	ssyncadd.s32 $0xFFFFC180  }
0xc1: {  	[spmem:s2] =	stream.indirect.scatter.add.f32 [tilespmem:s26], [sflag:$0x3], $0x80, s9, s24, $0xb8;
	[tilespmem:$0x1E080] =	vst v63  }
0xc2: {  	_ =	swait.ge [sflag:s21], $0x3E80  }
0xc3: {  	[sflag:s21] =	ssyncset.done $0x0  }
0xc4: {  	[sflag:s21] =	ssyncadd.s32 $0xFFFFC180  }
0xc5: {  	[tilespmem:s26], [sflag:$0x2] =	stream.indirect.gather [hbm4b:s1+s24], $0x80, s29, s24, $0xb8;
	[tilespmem:$0x1E080] =	vst v63  }
0xc6: {  	_ =	swait.ge [sflag:s23], $0x3E80  }
0xc7: {  	[sflag:s23] =	ssyncset.done $0x0  }
0xc8: {  	[sflag:s23] =	ssyncadd.s32 $0xFFFFC180  }
0xc9: {  	[spmem:s2] =	stream.indirect.scatter.add.f32 [tilespmem:s20], [sflag:$0x3], $0x80, s30, s24, $0xb8;
	[tilespmem:$0x1E080] =	vst v63  }
0xca: {  	_ =	swait.ge [sflag:s21], $0x3E80  }
0xcb: {  	[sflag:s21] =	ssyncset.done $0x0  }
0xcc: {  	[sflag:s21] =	ssyncadd.s32 $0xFFFFC180  }
0xcd: {  	_ =	swait.ge [sflag:s28], $0x3E80  }
0xce: {  	[sflag:s28] =	ssyncset.done $0x0  }
0xcf: {  	[sflag:s28] =	ssyncadd.s32 $0xFFFFC180  }
0xd0: {  	[spmem:s2] =	stream.indirect.scatter.add.f32 [tilespmem:s26], [sflag:$0x3], $0x80, s31, s24, $0xb8;
	[tilespmem:$0x1E080] =	vst v63  }
0xd1: {  	_ =	swait.ge [sflag:s21], $0x3E80  }
0xd2: {  	[sflag:s21] =	ssyncset.done $0x0  }
0xd3: {  	[sflag:s21] =	ssyncadd.s32 $0xFFFFC180  }
0xd4: {  	s3 =	simm.s32 @p1 $0x1FC3;
	[bflag:$0x0] =	sbarrier.arrive $0xFFFF  }
0xd5: {  	[hbm:s18], [sflag:s3] =	dma.local @p1 [spmem:s25], $0x2800  }
0xd6: {  	s3 =	simm.s32 @p1 $0x3  }
0xd7: {  	s0 =	sadd.s32 $0x1, s0;
	s5 =	stileid.u32;
	_ =	swait.ge @p1 [sflag:s3], $0x2800  }
0xd8: {  	p2 =	sne.s32 s0, s19;
	s5 =	sshll.u32 @!p1 s5, $0x6;
	[sflag:s3] =	ssyncset.done @p1 $0x0  }
0xd9: {  	[sflag:s3] =	ssyncadd.s32 @p1 $0xFFFFD800;
	s3 =	sor.u32 @!p1 $0x1C03, s5;
	s5 =	sshrl.u32 @!p1 s8, $0x3  }
0xda: {  	[hbm:s17], [sflag:s3] =	dma.local @!p1 [spmem:s5], $0x2700  }
.Ltmp2:
0xdb: {  	_ = 	snop;
	(pc) =	sbr.rel @p2 .LBB2_1-.Ltmp2, $4  }
0xdc: {  	s3 =	simm.s32 @!p1 $0x3  }
0xdd: {  	_ =	swait.ge @!p1 [sflag:s3], $0x2700  }
0xde: {  	[sflag:s3] =	ssyncset.done @!p1 $0x0  }
0xdf: {  	[sflag:s3] =	ssyncadd.s32 @!p1 $0xFFFFD900  }
0xe0: {  	_ =	sfence.sel $0x180000  }
0xe1: {  	[bflag:$0x0] =	sbarrier.arrive $0xFFFF  }
0xe2: {  	_ =	strace $0x9000004A  }
0xe3: {  	s0 =	stileid.u32;
	[bflag:$0x2] =	sbarrier.arrive $0xFFFF  }
0xe4: {  	p0 =	sne.s32 s0, $0x0;
	s0 =	rddreg [dreg:$0x3]  }
0xe5: {  	s0 =	sadd.s32 @!p0 $0x100000, s0  }
0xe6: {  	[sflag:s0] =	ssyncadd.tile.s32 @!p0 $0x1;
	_ =	shalt  }
.Lfunc_end2:
_tile_overlayer_lowered:
.L_overlay_start_2:
0xe7: {  	(tag) =	ssettag $0x2  }
0xe8: {  	s0 =	rddreg [dreg:$0x0];
	s2 =	stileid.u32  }
0xe9: {  	s1 =	rddreg [dreg:$0x1];
	p0 =	sne.s32 s2, $0x0  }
0xea: {  	s3 =	rddreg [dreg:$0x2];
	[bflag:$0x3] =	sbarrier.arrive $0xFFFF;
	s2 =	simm.s32 @!p0 $0x1C03  }
0xeb: {  	[timem:s3], [sflag:s2] =	dma.local @!p0 [hbm:s0], s1  }
0xec: {  	s0 =	simm.s32 @!p0 $0x3  }
0xed: {  	_ =	swait.ge @!p0 [sflag:s0], s1  }
0xee: {  	s1 =	ssub.s32 @!p0 $0x0, s1;
	[sflag:s0] =	ssyncset.done @!p0 $0x0  }
0xef: {  	[sflag:s0] =	ssyncadd.s32 @!p0 s1  }
0xf0: {  	[bflag:$0x3] =	sbarrier.arrive $0xFFFF  }
0xf1: {  	_ =	shalt  }

</sc_bundles>
